<compile_context>
chip_gen: v7x
topology: tpu7x:2x2x1
jax: 0.10.2.dev20260603
libtpu: 0.0.44.dev20260713+nightly
codegen_flags: <defaults>
</compile_context>

<pallas_src>
import functools

import jax
import jax.numpy as jnp
import numpy as np
from jax import lax
from jax.experimental import pallas as pl
from jax.experimental.pallas import tpu as pltpu
from jax.experimental.pallas import tpu_sc as plsc

W, H = 128, 128
K = 7
HALF = K // 2
N = W * H
NUM_LONG = int(K * K * 0.2)
NUM_ITERS = 232
PROP_DIM = 64
NUM_MASKS = 30
MASK_THRESH = 0.5
L = 60
KT = K * K + NUM_LONG


def _local_indices():
    rr, cc = jnp.meshgrid(jnp.arange(H), jnp.arange(W), indexing='ij')
    offs = jnp.arange(-HALF, HALF + 1)
    dr, dc = jnp.meshgrid(offs, offs, indexing='ij')
    nr = jnp.clip(rr.reshape(-1, 1) + dr.reshape(1, -1), 0, H - 1)
    nc = jnp.clip(cc.reshape(-1, 1) + dc.reshape(1, -1), 0, W - 1)
    return (nr * W + nc).astype(jnp.int32).reshape(N, K * K)


def _graph():
    k1, k2, k3 = jax.random.split(jax.random.key(42), 3)
    local = _local_indices()
    long_rng = jax.random.randint(k1, (1, N, NUM_LONG), 0, N, dtype=jnp.int32)
    v = jnp.concatenate([local[None], long_rng], axis=-1)
    h0 = jax.nn.softmax(
        jax.random.normal(k2, (1, N, PROP_DIM), dtype=jnp.float32), axis=-1)
    agent_idx = jax.random.randint(k3, (1, NUM_MASKS), 0, N)
    return v[0], h0, agent_idx



E = N * KT
NW = 32
EPW = E // NW
CE = 1024
NCHUNK = EPW // CE

_SC_MESH = plsc.VectorSubcoreMesh(core_axis_name="c", subcore_axis_name="s")

_TVALS = tuple(float(x) for x in np.linspace(0.0, 1.0, L).astype(np.float32))


@functools.partial(
    pl.kernel,
    out_type=(
        jax.ShapeDtypeStruct((E,), jnp.float32),
        jax.ShapeDtypeStruct((E * L,), jnp.int32),
    ),
    mesh=_SC_MESH,
    compiler_params=pltpu.CompilerParams(needs_layout_passes=False),
    scratch_types=[
        pltpu.VMEM((N,), jnp.float32),
        pltpu.VMEM((CE,), jnp.int32),
        pltpu.VMEM((CE,), jnp.int32),
        pltpu.VMEM((CE,), jnp.float32),
        pltpu.VMEM((CE * L,), jnp.int32),
    ],
)
def _restrict_sc(u_hbm, v_hbm, b_hbm, red_hbm, inds_hbm,
                 btab, ubuf, vbuf, redbuf, indsbuf):
    wid = lax.axis_index("s") * 2 + lax.axis_index("c")
    base = wid * EPW
    pltpu.sync_copy(b_hbm, btab)

    def chunk_body(ci, _):
        cbase = base + ci * CE
        pltpu.sync_copy(u_hbm.at[pl.ds(cbase, CE)], ubuf)
        pltpu.sync_copy(v_hbm.at[pl.ds(cbase, CE)], vbuf)

        def grp(g, _):
            lane = lax.iota(jnp.int32, 16)
            lane60 = lane * L
            eloc = g * 16
            u = ubuf[pl.ds(eloc, 16)]
            vv = vbuf[pl.ds(eloc, 16)]
            fx = (u >> 7).astype(jnp.float32)
            fy = (u & (W - 1)).astype(jnp.float32)
            tx = (vv >> 7).astype(jnp.float32)
            ty = (vv & (W - 1)).astype(jnp.float32)
            dxf = tx - fx
            dyf = ty - fy
            red = jnp.zeros((16,), jnp.float32)
            sbase = eloc * L + lane60
            for l in range(L):
                tl = _TVALS[l]
                sx = (fx + dxf * tl).astype(jnp.int32)
                sy = (fy + dyf * tl).astype(jnp.int32)
                idx = (sx << 7) + sy
                red = red + plsc.load_gather(btab, [idx])
                plsc.store_scatter(indsbuf, [sbase + l], idx)
            redbuf[pl.ds(eloc, 16)] = red
            return 0

        lax.fori_loop(0, CE // 16, grp, 0)
        pltpu.sync_copy(redbuf, red_hbm.at[pl.ds(cbase, CE)])
        pltpu.sync_copy(indsbuf, inds_hbm.at[pl.ds(cbase * L, CE * L)])
        return 0

    lax.fori_loop(0, NCHUNK, chunk_body, 0)



EL = N * NUM_LONG
MPW = EL // NW
MCH = MPW // 128


@functools.partial(
    pl.kernel,
    out_type=(
        jax.ShapeDtypeStruct((N, PROP_DIM), jnp.float32),
        jax.ShapeDtypeStruct((N, PROP_DIM), jnp.float32),
    ),
    mesh=_SC_MESH,
    compiler_params=pltpu.CompilerParams(needs_layout_passes=False),
    scratch_types=[
        pltpu.VMEM_SHARED((N, PROP_DIM), jnp.float32),
        pltpu.VMEM((MCH, 128), jnp.int32),
        pltpu.VMEM((128, PROP_DIM), jnp.float32),
    ],
)
def _long_sc(msg_hbm, idx_hbm, zero_hbm, p0_hbm, p1_hbm, acc, idxbuf, msgbuf):
    cc = lax.axis_index("c")
    ss = lax.axis_index("s")
    wid = ss * 2 + cc
    base = wid * MPW
    pltpu.sync_copy(idx_hbm.at[wid], idxbuf)
    pltpu.sync_copy(zero_hbm.at[pl.ds(ss * (N // 16), N // 16)],
                    acc.at[pl.ds(ss * (N // 16), N // 16)])
    plsc.subcore_barrier()

    def chunk(r, _):
        pltpu.sync_copy(msg_hbm.at[pl.ds(base + r * 128, 128)], msgbuf)
        pltpu.sync_copy(msgbuf, acc.at[idxbuf.at[r]], add=True)
        return 0

    lax.fori_loop(0, MCH, chunk, 0)
    plsc.subcore_barrier()

    sl = pl.ds(ss * (N // 16), N // 16)

    @pl.when(cc == 0)
    def _():
        pltpu.sync_copy(acc.at[sl], p0_hbm.at[sl])

    @pl.when(cc == 1)
    def _():
        pltpu.sync_copy(acc.at[sl], p1_hbm.at[sl])



def _colshift_clip(y, dc):
    if dc == 0:
        return y
    pre = y.shape[:-1]
    if dc > 0:
        edge = jnp.sum(y[..., W - 1 - dc:], axis=-1, keepdims=True)
        return jnp.concatenate(
            [jnp.zeros(pre + (dc,), y.dtype), y[..., :W - 1 - dc], edge],
            axis=-1)
    d = -dc
    edge = jnp.sum(y[..., :d + 1], axis=-1, keepdims=True)
    return jnp.concatenate(
        [edge, y[..., d + 1:], jnp.zeros(pre + (d,), y.dtype)], axis=-1)


def _rowshift_clip(y, dr):
    if dr == 0:
        return y
    pre = y.shape[:-2]
    post = y.shape[-1:]
    if dr > 0:
        edge = jnp.sum(y[..., H - 1 - dr:, :], axis=-2, keepdims=True)
        return jnp.concatenate(
            [jnp.zeros(pre + (dr,) + post, y.dtype),
             y[..., :H - 1 - dr, :], edge], axis=-2)
    d = -dr
    edge = jnp.sum(y[..., :d + 1, :], axis=-2, keepdims=True)
    return jnp.concatenate(
        [edge, y[..., d + 1:, :], jnp.zeros(pre + (d,) + post, y.dtype)],
        axis=-2)


DB = 16


def _local_body(h_ref, wloc_ref, out_ref):
    h = h_ref[...]
    first = True
    k = 0
    for dr in range(-HALF, HALF + 1):
        acc = None
        for dc in range(-HALF, HALF + 1):
            y = wloc_ref[k][None] * h
            z = _colshift_clip(y, dc)
            acc = z if acc is None else acc + z
            k += 1
        r = _rowshift_clip(acc, dr)
        if first:
            out_ref[...] = r
            first = False
        else:
            out_ref[...] += r


def _softmax_body(x_ref, p_ref, hd_out_ref, hn_out_ref):
    x = x_ref[...] + p_ref[...]
    m = jnp.max(x, axis=0, keepdims=True)
    e = jnp.exp(x - m)
    s = jnp.sum(e, axis=0, keepdims=True)
    hd = e / s
    hd_out_ref[...] = hd
    hn_out_ref[...] = jnp.transpose(hd.reshape(PROP_DIM, N))


def _prop_step(hd, wloc, p_nodemajor):
    pd = jnp.transpose(p_nodemajor).reshape(PROP_DIM, H, W)
    pre = pl.pallas_call(
        _local_body,
        grid=(PROP_DIM // DB,),
        in_specs=[
            pl.BlockSpec((DB, H, W), lambda i: (i, 0, 0)),
            pl.BlockSpec((K * K, H, W), lambda i: (0, 0, 0)),
        ],
        out_specs=pl.BlockSpec((DB, H, W), lambda i: (i, 0, 0)),
        out_shape=jax.ShapeDtypeStruct((PROP_DIM, H, W), jnp.float32),
    )(hd, wloc)
    return pl.pallas_call(
        _softmax_body,
        out_shape=(
            jax.ShapeDtypeStruct((PROP_DIM, H, W), jnp.float32),
            jax.ShapeDtypeStruct((N, PROP_DIM), jnp.float32),
        ),
    )(pre, pd)



def _competition_body(flat_ref, agents_ref, aff_ref):
    flat = flat_ref[...]
    agents = agents_ref[...]
    scores = jax.lax.dot_general(
        flat, agents, (((1,), (1,)), ((), ())),
        preferred_element_type=jnp.float32)
    col = jax.lax.broadcasted_iota(jnp.int32, scores.shape, 1)
    valid = col < NUM_MASKS
    scores = jnp.where(valid, scores, -jnp.inf)
    m = jnp.max(scores, axis=-1, keepdims=True)
    e = jnp.where(valid, jnp.exp(scores - m), 0.0)
    masks = e / jnp.sum(e, axis=-1, keepdims=True)
    winner = jnp.max(masks, axis=0, keepdims=True)
    alive = jnp.where(winner > MASK_THRESH, 1.0, 0.0)
    aff_ref[...] = masks * alive


def _competition(flat, agents):
    agents_p = jnp.zeros((128, PROP_DIM), jnp.float32).at[:NUM_MASKS].set(agents)
    aff = pl.pallas_call(
        _competition_body,
        out_shape=jax.ShapeDtypeStruct((N, 128), jnp.float32),
    )(flat, agents_p)
    return aff[:, :NUM_MASKS]



def kernel(boundary):
    v, h0, agent_idx = _graph()

    u_flat = jnp.broadcast_to(
        jnp.arange(N, dtype=jnp.int32)[:, None], (N, KT)).reshape(-1)
    red, inds_flat = _restrict_sc(u_flat, v.reshape(-1), boundary.reshape(N))
    boundary_inds = inds_flat.reshape(1, N * KT, L)
    affinity = 10.0 - red.reshape(1, N, KT)

    adj = jax.nn.softmax(affinity, axis=-1)
    adj = adj / jnp.maximum(jnp.max(adj, axis=-1, keepdims=True), 1e-12)
    adj = adj[0]

    wloc = jnp.transpose(adj[:, :K * K]).reshape(K * K, H, W)
    wlong = adj[:, K * K:]
    vlong = v[:, K * K:].reshape(NW, MCH, 128)

    hd0 = jnp.transpose(h0[0]).reshape(PROP_DIM, H, W)
    zeros_nd = jnp.zeros((N, PROP_DIM), jnp.float32)

    def step(carry, _):
        hd, hn = carry
        msgs = (wlong[..., None] * hn[:, None, :]).reshape(-1, PROP_DIM)
        p0, p1 = _long_sc(msgs, vlong, zeros_nd)
        hd, hn = _prop_step(hd, wloc, p0 + p1)
        return (hd, hn), None

    (_, flat), _ = jax.lax.scan(step, (hd0, h0[0]), None, length=NUM_ITERS)

    prop_maps = flat[None]
    agents = jnp.take_along_axis(flat, agent_idx[0][:, None], axis=0)
    aff = _competition(flat, agents)
    aff_masks = aff.reshape(1, W, H, NUM_MASKS)
    return aff_masks, prop_maps, affinity, boundary_inds

# --- scband reference (transcript-rebuilt; emitter-appended) ---
"""Pipeline reference for scband-boundary-grouper-59906203844763 (READ-ONLY COPY).

The authoritative reference and input builder live on the scoring server;
editing this copy changes nothing except your own understanding.
"""

import jax, jax.numpy as jnp
import numpy as np

W, H = 128, 128
K = 7
N = W * H
NUM_LONG = int(K * K * 0.2)
NUM_ITERS = 232
PROP_DIM = 64
NUM_MASKS = 30
MASK_THRESH = 0.5
L = 60


def generate_local_indices():
    half = K // 2
    rr, cc = jnp.meshgrid(jnp.arange(H), jnp.arange(W), indexing='ij')
    offs = jnp.arange(-half, half + 1)
    dr, dc = jnp.meshgrid(offs, offs, indexing='ij')
    nr = jnp.clip(rr.reshape(-1, 1) + dr.reshape(1, -1), 0, H - 1)
    nc = jnp.clip(cc.reshape(-1, 1) + dc.reshape(1, -1), 0, W - 1)
    return (nr * W + nc).astype(jnp.int32).reshape(1, N, K * K)


def get_indices(key, B=1):
    local = jnp.tile(generate_local_indices(), (B, 1, 1))
    long_rng = jax.random.randint(key, (B, N, NUM_LONG), 0, N, dtype=jnp.int32)
    v = jnp.concatenate([local, long_rng], axis=-1)[None]
    Kt = v.shape[-1]
    u = jnp.broadcast_to(jnp.arange(N, dtype=jnp.int32).reshape(1, 1, N, 1), (1, B, N, Kt))
    b = jnp.broadcast_to(jnp.arange(B, dtype=jnp.int32).reshape(1, B, 1, 1), (1, B, N, Kt))
    return jnp.concatenate([b, u, v], axis=0)


def restrict(from_inds, to_inds, affinity, boundary):
    fx = (from_inds // H).astype(jnp.float32)
    fy = (from_inds % W).astype(jnp.float32)
    tx = (to_inds // H).astype(jnp.float32)
    ty = (to_inds % W).astype(jnp.float32)
    t = jnp.linspace(0.0, 1.0, L, dtype=jnp.float32)
    sx = (fx[..., None] + (tx - fx)[..., None] * t).astype(jnp.int32)
    sy = (fy[..., None] + (ty - fy)[..., None] * t).astype(jnp.int32)
    sample_inds = sx * W + sy
    B = from_inds.shape[0]
    dens = boundary.reshape(B * W * H)[sample_inds]
    red = dens.sum(axis=-1)
    Bn, Nn, Kt = affinity.shape
    return affinity - red.reshape(Bn, Nn, Kt), sample_inds


def propagation(h0, adj_flat, u, v):
    def step(h, _):
        msg = adj_flat[:, None] * h[0][u]
        out = jnp.zeros((N, PROP_DIM), dtype=h.dtype).at[v].add(msg)
        out = jax.nn.softmax(out, axis=-1)
        return out[None], None
    h, _ = jax.lax.scan(step, h0, None, length=NUM_ITERS)
    return h


def competition(prop_map, key):
    B = prop_map.shape[0]
    flat = prop_map.reshape(B, N, PROP_DIM)
    agent_idx = jax.random.randint(key, (B, NUM_MASKS), 0, N)
    agents = jnp.take_along_axis(flat, agent_idx[..., None], axis=1)
    scores = jnp.einsum('bnd,bmd->bnm', flat, agents)
    masks = jax.nn.softmax(scores, axis=-1).reshape(B, W, H, NUM_MASKS)
    winner = masks.max(axis=(1, 2))
    alive = (winner > MASK_THRESH).astype(jnp.float32)[..., None]
    return masks, agents, alive, agents, None


def _forward(boundary):
    B = 1
    k1, k2, k3 = jax.random.split(jax.random.key(42), 3)
    indices = get_indices(k1, B)
    Kt = indices.shape[-1]
    from_inds = indices[1].reshape(B, N * Kt)
    to_inds = indices[2].reshape(B, N * Kt)
    affinity = jnp.ones((B, N, Kt), dtype=jnp.float32) * 10.0
    affinity, boundary_inds = restrict(from_inds, to_inds, affinity, boundary)
    adj = jax.nn.softmax(affinity, axis=-1)
    adj = adj / jnp.maximum(jnp.max(adj, axis=-1, keepdims=True), 1e-12)
    adj = jax.lax.stop_gradient(adj)
    h0 = jax.nn.softmax(jax.random.normal(k2, (B, N, PROP_DIM), dtype=jnp.float32), axis=-1)
    h0 = jax.lax.stop_gradient(h0)
    u = indices[1].reshape(-1)
    v = indices[2].reshape(-1)
    prop_maps = propagation(h0, adj.reshape(-1), u, v)
    prop_map = prop_maps.reshape(B, W, H, PROP_DIM)
    masks, agents, alive, phenotypes, _ = competition(prop_map, k3)
    aff_masks = jnp.einsum('bwhn,bnd->bwhn', masks, alive)
    return aff_masks, prop_maps, affinity, boundary_inds


def setup_inputs(seed: int = 0):
    key = jax.random.key(seed)
    boundary = jax.random.uniform(key, (1, H, W), dtype=jnp.float32)
    return {'boundary': boundary}


def reference(boundary):
    return _forward(boundary)

if __name__ == "__main__":
    import jax
    _d = setup_inputs()
    print(jax.jit(kernel)(*tuple(_d.values())))

</pallas_src>

<mosaic_0001>
#map = affine_map<(d0, d1) -> (0, 0)>
#map1 = affine_map<(d0, d1) -> (0, 0, 0)>
module attributes {stable_mosaic.version = 14 : i64} {
  func.func @_long_sc(%arg0: i32, %arg1: i32, %arg2: memref<147456x64xf32, #tpu.memory_space<hbm>>, %arg3: memref<32x36x128xi32, #tpu.memory_space<hbm>>, %arg4: memref<16384x64xf32, #tpu.memory_space<hbm>>, %arg5: memref<16384x64xf32, #tpu.memory_space<hbm>>, %arg6: memref<16384x64xf32, #tpu.memory_space<hbm>>, %arg7: memref<16384x64xf32, #tpu.memory_space<vmem_shared>>, %arg8: memref<36x128xi32, #tpu.memory_space<vmem>>, %arg9: memref<128x64xf32, #tpu.memory_space<vmem>>) attributes {dimension_semantics = [#tpu.dimension_semantics<core_parallel>, #tpu.dimension_semantics<subcore_parallel>], iteration_bounds = array<i64: 2, 16>, scalar_prefetch = 0 : i64, scratch_operands = 3 : i64, tpu.core_type = #tpu.core_type<sc_vector_subcore>, window_params = [{transform_indices = #map}, {transform_indices = #map1}, {transform_indices = #map}, {transform_indices = #map}, {transform_indices = #map}]} {
    %mul3A = arith.constant 2 : i32
    %mul3A_0 = arith.muli %arg1, %mul3A : i32
    %add3A = arith.addi %mul3A_0, %arg0 : i32
    %mul3A_1 = arith.constant 4608 : i32
    %mul3A_2 = arith.muli %add3A, %mul3A_1 : i32
    "tpu.region"() ({
      %run_scoped3A = tpu.sem_alloc : memref<!tpu.dma_semaphore, #tpu.memory_space<semaphore_mem>>
      %dma_start3A = arith.constant 0 : i32
      %dma_start3A_23 = arith.constant 0 : i32
      %dma_start3A_24 = tpu.memref_slice %arg3[%add3A, %dma_start3A, %dma_start3A_23] : memref<32x36x128xi32, #tpu.memory_space<hbm>> -> memref<1x36x128xi32, #tpu.memory_space<hbm>>
      %dma_start3A_25 = tpu.memref_squeeze %dma_start3A_24 : memref<1x36x128xi32, #tpu.memory_space<hbm>> -> memref<36x128xi32, #tpu.memory_space<hbm>>
      %dma_start3A_26 = arith.constant 0 : i32
      %dma_start3A_27 = arith.constant 0 : i32
      %dma_start3A_28 = tpu.memref_slice %arg3[%add3A, %dma_start3A_26, %dma_start3A_27] : memref<32x36x128xi32, #tpu.memory_space<hbm>> -> memref<1x36x128xi32, #tpu.memory_space<hbm>>
      %dma_start3A_29 = tpu.memref_squeeze %dma_start3A_28 : memref<1x36x128xi32, #tpu.memory_space<hbm>> -> memref<36x128xi32, #tpu.memory_space<hbm>>
      tpu.enqueue_dma source(%dma_start3A_29 : memref<36x128xi32, #tpu.memory_space<hbm>>) target(%arg8 : memref<36x128xi32, #tpu.memory_space<vmem>>) target_semaphore(%run_scoped3A : memref<!tpu.dma_semaphore, #tpu.memory_space<semaphore_mem>>)
      %dma_wait3A = arith.constant 0 : i32
      %dma_wait3A_30 = arith.constant 0 : i32
      %dma_wait3A_31 = tpu.memref_slice %arg3[%add3A, %dma_wait3A, %dma_wait3A_30] : memref<32x36x128xi32, #tpu.memory_space<hbm>> -> memref<1x36x128xi32, #tpu.memory_space<hbm>>
      %dma_wait3A_32 = tpu.memref_squeeze %dma_wait3A_31 : memref<1x36x128xi32, #tpu.memory_space<hbm>> -> memref<36x128xi32, #tpu.memory_space<hbm>>
      %dma_wait3A_33 = arith.constant 0 : i32
      %dma_wait3A_34 = arith.constant 0 : i32
      %dma_wait3A_35 = tpu.memref_slice %arg3[%add3A, %dma_wait3A_33, %dma_wait3A_34] : memref<32x36x128xi32, #tpu.memory_space<hbm>> -> memref<1x36x128xi32, #tpu.memory_space<hbm>>
      %dma_wait3A_36 = tpu.memref_squeeze %dma_wait3A_35 : memref<1x36x128xi32, #tpu.memory_space<hbm>> -> memref<36x128xi32, #tpu.memory_space<hbm>>
      tpu.wait_dma2 semaphore(%run_scoped3A : memref<!tpu.dma_semaphore, #tpu.memory_space<semaphore_mem>>) src(%dma_wait3A_36 : memref<36x128xi32, #tpu.memory_space<hbm>>) dst(%arg8 : memref<36x128xi32, #tpu.memory_space<vmem>>)
      tpu.yield
    }) : () -> ()
    %mul3A_3 = arith.constant 1024 : i32
    %mul3A_4 = arith.muli %arg1, %mul3A_3 : i32
    %mul3A_5 = arith.constant 1024 : i32
    %mul3A_6 = arith.muli %arg1, %mul3A_5 : i32
    "tpu.region"() ({
      %run_scoped3A = tpu.sem_alloc : memref<!tpu.dma_semaphore, #tpu.memory_space<semaphore_mem>>
      %dma_start3A = arith.constant 0 : i32
      %dma_start3A_23 = tpu.memref_slice %arg7[%mul3A_6, %dma_start3A] : memref<16384x64xf32, #tpu.memory_space<vmem_shared>> -> memref<1024x64xf32, #tpu.memory_space<vmem_shared>>
      %dma_start3A_24 = arith.constant 0 : i32
      %dma_start3A_25 = tpu.memref_slice %arg4[%mul3A_4, %dma_start3A_24] : memref<16384x64xf32, #tpu.memory_space<hbm>> -> memref<1024x64xf32, #tpu.memory_space<hbm>>
      tpu.enqueue_dma source(%dma_start3A_25 : memref<1024x64xf32, #tpu.memory_space<hbm>>) target(%dma_start3A_23 : memref<1024x64xf32, #tpu.memory_space<vmem_shared>>) target_semaphore(%run_scoped3A : memref<!tpu.dma_semaphore, #tpu.memory_space<semaphore_mem>>)
      %dma_wait3A = arith.constant 0 : i32
      %dma_wait3A_26 = tpu.memref_slice %arg7[%mul3A_6, %dma_wait3A] : memref<16384x64xf32, #tpu.memory_space<vmem_shared>> -> memref<1024x64xf32, #tpu.memory_space<vmem_shared>>
      %dma_wait3A_27 = arith.constant 0 : i32
      %dma_wait3A_28 = tpu.memref_slice %arg4[%mul3A_4, %dma_wait3A_27] : memref<16384x64xf32, #tpu.memory_space<hbm>> -> memref<1024x64xf32, #tpu.memory_space<hbm>>
      tpu.wait_dma2 semaphore(%run_scoped3A : memref<!tpu.dma_semaphore, #tpu.memory_space<semaphore_mem>>) src(%dma_wait3A_28 : memref<1024x64xf32, #tpu.memory_space<hbm>>) dst(%dma_wait3A_26 : memref<1024x64xf32, #tpu.memory_space<vmem_shared>>)
      tpu.yield
    }) : () -> ()
    %barrier3A = arith.constant 0 : index
    tpu.barrier barrier_id(%barrier3A)
    %scan3A = arith.constant 0 : i32
    %scan3A_7 = arith.constant 0 : i32
    %scan3A_8 = arith.constant 36 : i32
    %scan3A_9 = arith.addi %scan3A_7, %scan3A_8 : i32
    %scan3A_10 = arith.constant 1 : i32
    %scan3A_11 = scf.for %scan3A_23 = %scan3A_7 to %scan3A_9 step %scan3A_10 iter_args(%scan3A_24 = %scan3A) -> (i32)  : i32 {
      %mul3A_25 = arith.constant 128 : i32
      %mul3A_26 = arith.muli %scan3A_23, %mul3A_25 : i32
      %add3A_27 = arith.addi %mul3A_2, %mul3A_26 : i32
      "tpu.region"() ({
        %run_scoped3A = tpu.sem_alloc : memref<!tpu.dma_semaphore, #tpu.memory_space<semaphore_mem>>
        %dma_start3A = arith.constant 0 : i32
        %dma_start3A_29 = tpu.memref_slice %arg2[%add3A_27, %dma_start3A] : memref<147456x64xf32, #tpu.memory_space<hbm>> -> memref<128x64xf32, #tpu.memory_space<hbm>>
        %dma_start3A_30 = arith.constant 0 : i32
        %dma_start3A_31 = tpu.memref_slice %arg2[%add3A_27, %dma_start3A_30] : memref<147456x64xf32, #tpu.memory_space<hbm>> -> memref<128x64xf32, #tpu.memory_space<hbm>>
        tpu.enqueue_dma source(%dma_start3A_31 : memref<128x64xf32, #tpu.memory_space<hbm>>) target(%arg9 : memref<128x64xf32, #tpu.memory_space<vmem>>) target_semaphore(%run_scoped3A : memref<!tpu.dma_semaphore, #tpu.memory_space<semaphore_mem>>)
        %dma_wait3A = arith.constant 0 : i32
        %dma_wait3A_32 = tpu.memref_slice %arg2[%add3A_27, %dma_wait3A] : memref<147456x64xf32, #tpu.memory_space<hbm>> -> memref<128x64xf32, #tpu.memory_space<hbm>>
        %dma_wait3A_33 = arith.constant 0 : i32
        %dma_wait3A_34 = tpu.memref_slice %arg2[%add3A_27, %dma_wait3A_33] : memref<147456x64xf32, #tpu.memory_space<hbm>> -> memref<128x64xf32, #tpu.memory_space<hbm>>
        tpu.wait_dma2 semaphore(%run_scoped3A : memref<!tpu.dma_semaphore, #tpu.memory_space<semaphore_mem>>) src(%dma_wait3A_34 : memref<128x64xf32, #tpu.memory_space<hbm>>) dst(%arg9 : memref<128x64xf32, #tpu.memory_space<vmem>>)
        tpu.yield
      }) : () -> ()
      "tpu.region"() ({
        %run_scoped3A = tpu.sem_alloc : memref<!tpu.dma_semaphore, #tpu.memory_space<semaphore_mem>>
        %dma_start3A = arith.constant 0 : i32
        %dma_start3A_29 = tpu.memref_slice %arg8[%scan3A_23, %dma_start3A] : memref<36x128xi32, #tpu.memory_space<vmem>> -> memref<1x128xi32, #tpu.memory_space<vmem>>
        %dma_start3A_30 = tpu.memref_squeeze %dma_start3A_29 : memref<1x128xi32, #tpu.memory_space<vmem>> -> memref<128xi32, #tpu.memory_space<vmem>>
        %dma_start3A_31 = arith.constant 0 : i32
        %dma_start3A_32 = arith.constant 0 : i32
        %dma_start3A_33 = tpu.memref_slice %arg7[%dma_start3A_31, %dma_start3A_32] : memref<16384x64xf32, #tpu.memory_space<vmem_shared>> -> memref<16384x64xf32, #tpu.memory_space<vmem_shared>>
        tpu.enqueue_indirect_dma source(%arg9 : memref<128x64xf32, #tpu.memory_space<vmem>>) target(%dma_start3A_33 : memref<16384x64xf32, #tpu.memory_space<vmem_shared>>) offsets(%dma_start3A_30 : memref<128xi32, #tpu.memory_space<vmem>>) semaphore(%run_scoped3A : memref<!tpu.dma_semaphore, #tpu.memory_space<semaphore_mem>>) {add = true}
        %dma_wait3A = arith.constant 0 : i32
        %dma_wait3A_34 = tpu.memref_slice %arg8[%scan3A_23, %dma_wait3A] : memref<36x128xi32, #tpu.memory_space<vmem>> -> memref<1x128xi32, #tpu.memory_space<vmem>>
        %dma_wait3A_35 = tpu.memref_squeeze %dma_wait3A_34 : memref<1x128xi32, #tpu.memory_space<vmem>> -> memref<128xi32, #tpu.memory_space<vmem>>
        %dma_wait3A_36 = arith.constant 0 : i32
        %dma_wait3A_37 = arith.constant 0 : i32
        %dma_wait3A_38 = tpu.memref_slice %arg7[%dma_wait3A_36, %dma_wait3A_37] : memref<16384x64xf32, #tpu.memory_space<vmem_shared>> -> memref<16384x64xf32, #tpu.memory_space<vmem_shared>>
        tpu.wait_indirect_dma semaphore(%run_scoped3A : memref<!tpu.dma_semaphore, #tpu.memory_space<semaphore_mem>>) src(%arg9 : memref<128x64xf32, #tpu.memory_space<vmem>>) dst(%dma_wait3A_38 : memref<16384x64xf32, #tpu.memory_space<vmem_shared>>)
        tpu.yield
      }) : () -> ()
      %scan3A_28 = arith.constant 0 : i32
      scf.yield %scan3A_28 : i32
    }
    %scan3A_12 = arith.constant 36 : i32
    %barrier3A_13 = arith.constant 0 : index
    tpu.barrier barrier_id(%barrier3A_13)
    %mul3A_14 = arith.constant 1024 : i32
    %mul3A_15 = arith.muli %arg1, %mul3A_14 : i32
    %eq3A = arith.constant 0 : i32
    %eq3A_16 = arith.cmpi eq, %arg0, %eq3A : i32
    %convert_element_type3A = arith.extui %eq3A_16 : i1 to i32
    %cond3A = arith.constant 0 : i32
    %cond3A_17 = arith.cmpi ne, %convert_element_type3A, %cond3A : i32
    scf.if %cond3A_17 {
      "tpu.region"() ({
        %run_scoped3A = tpu.sem_alloc : memref<!tpu.dma_semaphore, #tpu.memory_space<semaphore_mem>>
        %dma_start3A = arith.constant 0 : i32
        %dma_start3A_23 = tpu.memref_slice %arg5[%mul3A_15, %dma_start3A] : memref<16384x64xf32, #tpu.memory_space<hbm>> -> memref<1024x64xf32, #tpu.memory_space<hbm>>
        %dma_start3A_24 = arith.constant 0 : i32
        %dma_start3A_25 = tpu.memref_slice %arg7[%mul3A_15, %dma_start3A_24] : memref<16384x64xf32, #tpu.memory_space<vmem_shared>> -> memref<1024x64xf32, #tpu.memory_space<vmem_shared>>
        tpu.enqueue_dma source(%dma_start3A_25 : memref<1024x64xf32, #tpu.memory_space<vmem_shared>>) target(%dma_start3A_23 : memref<1024x64xf32, #tpu.memory_space<hbm>>) target_semaphore(%run_scoped3A : memref<!tpu.dma_semaphore, #tpu.memory_space<semaphore_mem>>)
        %dma_wait3A = arith.constant 0 : i32
        %dma_wait3A_26 = tpu.memref_slice %arg5[%mul3A_15, %dma_wait3A] : memref<16384x64xf32, #tpu.memory_space<hbm>> -> memref<1024x64xf32, #tpu.memory_space<hbm>>
        %dma_wait3A_27 = arith.constant 0 : i32
        %dma_wait3A_28 = tpu.memref_slice %arg7[%mul3A_15, %dma_wait3A_27] : memref<16384x64xf32, #tpu.memory_space<vmem_shared>> -> memref<1024x64xf32, #tpu.memory_space<vmem_shared>>
        tpu.wait_dma2 semaphore(%run_scoped3A : memref<!tpu.dma_semaphore, #tpu.memory_space<semaphore_mem>>) src(%dma_wait3A_28 : memref<1024x64xf32, #tpu.memory_space<vmem_shared>>) dst(%dma_wait3A_26 : memref<1024x64xf32, #tpu.memory_space<hbm>>)
        tpu.yield
      }) : () -> ()
    } else {
    }
    %eq3A_18 = arith.constant 1 : i32
    %eq3A_19 = arith.cmpi eq, %arg0, %eq3A_18 : i32
    %convert_element_type3A_20 = arith.extui %eq3A_19 : i1 to i32
    %cond3A_21 = arith.constant 0 : i32
    %cond3A_22 = arith.cmpi ne, %convert_element_type3A_20, %cond3A_21 : i32
    scf.if %cond3A_22 {
      "tpu.region"() ({
        %run_scoped3A = tpu.sem_alloc : memref<!tpu.dma_semaphore, #tpu.memory_space<semaphore_mem>>
        %dma_start3A = arith.constant 0 : i32
        %dma_start3A_23 = tpu.memref_slice %arg6[%mul3A_15, %dma_start3A] : memref<16384x64xf32, #tpu.memory_space<hbm>> -> memref<1024x64xf32, #tpu.memory_space<hbm>>
        %dma_start3A_24 = arith.constant 0 : i32
        %dma_start3A_25 = tpu.memref_slice %arg7[%mul3A_15, %dma_start3A_24] : memref<16384x64xf32, #tpu.memory_space<vmem_shared>> -> memref<1024x64xf32, #tpu.memory_space<vmem_shared>>
        tpu.enqueue_dma source(%dma_start3A_25 : memref<1024x64xf32, #tpu.memory_space<vmem_shared>>) target(%dma_start3A_23 : memref<1024x64xf32, #tpu.memory_space<hbm>>) target_semaphore(%run_scoped3A : memref<!tpu.dma_semaphore, #tpu.memory_space<semaphore_mem>>)
        %dma_wait3A = arith.constant 0 : i32
        %dma_wait3A_26 = tpu.memref_slice %arg6[%mul3A_15, %dma_wait3A] : memref<16384x64xf32, #tpu.memory_space<hbm>> -> memref<1024x64xf32, #tpu.memory_space<hbm>>
        %dma_wait3A_27 = arith.constant 0 : i32
        %dma_wait3A_28 = tpu.memref_slice %arg7[%mul3A_15, %dma_wait3A_27] : memref<16384x64xf32, #tpu.memory_space<vmem_shared>> -> memref<1024x64xf32, #tpu.memory_space<vmem_shared>>
        tpu.wait_dma2 semaphore(%run_scoped3A : memref<!tpu.dma_semaphore, #tpu.memory_space<semaphore_mem>>) src(%dma_wait3A_28 : memref<1024x64xf32, #tpu.memory_space<vmem_shared>>) dst(%dma_wait3A_26 : memref<1024x64xf32, #tpu.memory_space<hbm>>)
        tpu.yield
      }) : () -> ()
    } else {
    }
    return
  }
}

#map = affine_map<(d0, d1) -> (0)>
module attributes {stable_mosaic.version = 14 : i64} {
  func.func @_restrict_sc(%arg0: i32, %arg1: i32, %arg2: memref<950272xi32, #tpu.memory_space<hbm>>, %arg3: memref<950272xi32, #tpu.memory_space<hbm>>, %arg4: memref<16384xf32, #tpu.memory_space<hbm>>, %arg5: memref<950272xf32, #tpu.memory_space<hbm>>, %arg6: memref<57016320xi32, #tpu.memory_space<hbm>>, %arg7: memref<16384xf32, #tpu.memory_space<vmem>>, %arg8: memref<1024xi32, #tpu.memory_space<vmem>>, %arg9: memref<1024xi32, #tpu.memory_space<vmem>>, %arg10: memref<1024xf32, #tpu.memory_space<vmem>>, %arg11: memref<61440xi32, #tpu.memory_space<vmem>>) attributes {dimension_semantics = [#tpu.dimension_semantics<core_parallel>, #tpu.dimension_semantics<subcore_parallel>], iteration_bounds = array<i64: 2, 16>, scalar_prefetch = 0 : i64, scratch_operands = 5 : i64, tpu.core_type = #tpu.core_type<sc_vector_subcore>, window_params = [{transform_indices = #map}, {transform_indices = #map}, {transform_indices = #map}, {transform_indices = #map}, {transform_indices = #map}]} {
    %mul3A = arith.constant 2 : i32
    %mul3A_0 = arith.muli %arg1, %mul3A : i32
    %add3A = arith.addi %mul3A_0, %arg0 : i32
    %mul3A_1 = arith.constant 29696 : i32
    %mul3A_2 = arith.muli %add3A, %mul3A_1 : i32
    "tpu.region"() ({
      %run_scoped3A = tpu.sem_alloc : memref<!tpu.dma_semaphore, #tpu.memory_space<semaphore_mem>>
      tpu.enqueue_dma source(%arg4 : memref<16384xf32, #tpu.memory_space<hbm>>) target(%arg7 : memref<16384xf32, #tpu.memory_space<vmem>>) target_semaphore(%run_scoped3A : memref<!tpu.dma_semaphore, #tpu.memory_space<semaphore_mem>>)
      tpu.wait_dma2 semaphore(%run_scoped3A : memref<!tpu.dma_semaphore, #tpu.memory_space<semaphore_mem>>) src(%arg4 : memref<16384xf32, #tpu.memory_space<hbm>>) dst(%arg7 : memref<16384xf32, #tpu.memory_space<vmem>>)
      tpu.yield
    }) : () -> ()
    %scan3A = arith.constant 0 : i32
    %scan3A_3 = arith.constant 0 : i32
    %scan3A_4 = arith.constant 29 : i32
    %scan3A_5 = arith.addi %scan3A_3, %scan3A_4 : i32
    %scan3A_6 = arith.constant 1 : i32
    %scan3A_7 = scf.for %scan3A_9 = %scan3A_3 to %scan3A_5 step %scan3A_6 iter_args(%scan3A_10 = %scan3A) -> (i32)  : i32 {
      %mul3A_11 = arith.constant 1024 : i32
      %mul3A_12 = arith.muli %scan3A_9, %mul3A_11 : i32
      %add3A_13 = arith.addi %mul3A_2, %mul3A_12 : i32
      "tpu.region"() ({
        %run_scoped3A = tpu.sem_alloc : memref<!tpu.dma_semaphore, #tpu.memory_space<semaphore_mem>>
        %dma_start3A = tpu.memref_slice %arg2[%add3A_13] : memref<950272xi32, #tpu.memory_space<hbm>> -> memref<1024xi32, #tpu.memory_space<hbm>>
        %dma_start3A_24 = tpu.memref_slice %arg2[%add3A_13] : memref<950272xi32, #tpu.memory_space<hbm>> -> memref<1024xi32, #tpu.memory_space<hbm>>
        tpu.enqueue_dma source(%dma_start3A_24 : memref<1024xi32, #tpu.memory_space<hbm>>) target(%arg8 : memref<1024xi32, #tpu.memory_space<vmem>>) target_semaphore(%run_scoped3A : memref<!tpu.dma_semaphore, #tpu.memory_space<semaphore_mem>>)
        %dma_wait3A = tpu.memref_slice %arg2[%add3A_13] : memref<950272xi32, #tpu.memory_space<hbm>> -> memref<1024xi32, #tpu.memory_space<hbm>>
        %dma_wait3A_25 = tpu.memref_slice %arg2[%add3A_13] : memref<950272xi32, #tpu.memory_space<hbm>> -> memref<1024xi32, #tpu.memory_space<hbm>>
        tpu.wait_dma2 semaphore(%run_scoped3A : memref<!tpu.dma_semaphore, #tpu.memory_space<semaphore_mem>>) src(%dma_wait3A_25 : memref<1024xi32, #tpu.memory_space<hbm>>) dst(%arg8 : memref<1024xi32, #tpu.memory_space<vmem>>)
        tpu.yield
      }) : () -> ()
      "tpu.region"() ({
        %run_scoped3A = tpu.sem_alloc : memref<!tpu.dma_semaphore, #tpu.memory_space<semaphore_mem>>
        %dma_start3A = tpu.memref_slice %arg3[%add3A_13] : memref<950272xi32, #tpu.memory_space<hbm>> -> memref<1024xi32, #tpu.memory_space<hbm>>
        %dma_start3A_24 = tpu.memref_slice %arg3[%add3A_13] : memref<950272xi32, #tpu.memory_space<hbm>> -> memref<1024xi32, #tpu.memory_space<hbm>>
        tpu.enqueue_dma source(%dma_start3A_24 : memref<1024xi32, #tpu.memory_space<hbm>>) target(%arg9 : memref<1024xi32, #tpu.memory_space<vmem>>) target_semaphore(%run_scoped3A : memref<!tpu.dma_semaphore, #tpu.memory_space<semaphore_mem>>)
        %dma_wait3A = tpu.memref_slice %arg3[%add3A_13] : memref<950272xi32, #tpu.memory_space<hbm>> -> memref<1024xi32, #tpu.memory_space<hbm>>
        %dma_wait3A_25 = tpu.memref_slice %arg3[%add3A_13] : memref<950272xi32, #tpu.memory_space<hbm>> -> memref<1024xi32, #tpu.memory_space<hbm>>
        tpu.wait_dma2 semaphore(%run_scoped3A : memref<!tpu.dma_semaphore, #tpu.memory_space<semaphore_mem>>) src(%dma_wait3A_25 : memref<1024xi32, #tpu.memory_space<hbm>>) dst(%arg9 : memref<1024xi32, #tpu.memory_space<vmem>>)
        tpu.yield
      }) : () -> ()
      %scan3A_14 = arith.constant 0 : i32
      %scan3A_15 = arith.constant 0 : i32
      %scan3A_16 = arith.constant 64 : i32
      %scan3A_17 = arith.addi %scan3A_15, %scan3A_16 : i32
      %scan3A_18 = arith.constant 1 : i32
      %scan3A_19 = scf.for %scan3A_24 = %scan3A_15 to %scan3A_17 step %scan3A_18 iter_args(%scan3A_25 = %scan3A_14) -> (i32)  : i32 {
        %iota3A = tpu.iota {dimensions = array<i32: 0>} : vector<16xi32>
        %mul3A_26 = arith.constant 60 : i32
        %mul3A_27 = vector.broadcast %mul3A_26 : i32 to vector<16xi32>
        %mul3A_28 = arith.muli %iota3A, %mul3A_27 : vector<16xi32>
        %mul3A_29 = arith.constant 16 : i32
        %mul3A_30 = arith.muli %scan3A_24, %mul3A_29 : i32
        %get3A = arith.index_cast %mul3A_30 : i32 to index
        %get3A_31 = tpu.vector_load %arg8[%get3A] {strides = array<i32>} : memref<1024xi32, #tpu.memory_space<vmem>>, vector<16xi32>,
        %get3A_32 = arith.index_cast %mul3A_30 : i32 to index
        %get3A_33 = tpu.vector_load %arg9[%get3A_32] {strides = array<i32>} : memref<1024xi32, #tpu.memory_space<vmem>>, vector<16xi32>,
        %shift_right_arithmetic3A = arith.constant 7 : i32
        %shift_right_arithmetic3A_34 = vector.broadcast %shift_right_arithmetic3A : i32 to vector<16xi32>
        %shift_right_arithmetic3A_35 = arith.shrsi %get3A_31, %shift_right_arithmetic3A_34 : vector<16xi32>
        %convert_element_type3A = arith.sitofp %shift_right_arithmetic3A_35 : vector<16xi32> to vector<16xf32>
        %and3A = arith.constant 127 : i32
        %and3A_36 = vector.broadcast %and3A : i32 to vector<16xi32>
        %and3A_37 = arith.andi %get3A_31, %and3A_36 : vector<16xi32>
        %convert_element_type3A_38 = arith.sitofp %and3A_37 : vector<16xi32> to vector<16xf32>
        %shift_right_arithmetic3A_39 = arith.constant 7 : i32
        %shift_right_arithmetic3A_40 = vector.broadcast %shift_right_arithmetic3A_39 : i32 to vector<16xi32>
        %shift_right_arithmetic3A_41 = arith.shrsi %get3A_33, %shift_right_arithmetic3A_40 : vector<16xi32>
        %convert_element_type3A_42 = arith.sitofp %shift_right_arithmetic3A_41 : vector<16xi32> to vector<16xf32>
        %and3A_43 = arith.constant 127 : i32
        %and3A_44 = vector.broadcast %and3A_43 : i32 to vector<16xi32>
        %and3A_45 = arith.andi %get3A_33, %and3A_44 : vector<16xi32>
        %convert_element_type3A_46 = arith.sitofp %and3A_45 : vector<16xi32> to vector<16xf32>
        %sub3A = arith.subf %convert_element_type3A_42, %convert_element_type3A : vector<16xf32>
        %sub3A_47 = arith.subf %convert_element_type3A_46, %convert_element_type3A_38 : vector<16xf32>
        %broadcast_in_dim3A = arith.constant 0.000000e+00 : f32
        %broadcast_in_dim3A_48 = vector.broadcast %broadcast_in_dim3A : f32 to vector<16xf32>
        %mul3A_49 = arith.constant 60 : i32
        %mul3A_50 = arith.muli %mul3A_30, %mul3A_49 : i32
        %add3A_51 = vector.broadcast %mul3A_50 : i32 to vector<16xi32>
        %add3A_52 = arith.addi %add3A_51, %mul3A_28 : vector<16xi32>
        %mul3A_53 = arith.constant 0.000000e+00 : f32
        %mul3A_54 = vector.broadcast %mul3A_53 : f32 to vector<16xf32>
        %mul3A_55 = arith.mulf %sub3A, %mul3A_54 : vector<16xf32>
        %add3A_56 = arith.addf %convert_element_type3A, %mul3A_55 : vector<16xf32>
        %convert_element_type3A_57 = arith.fptosi %add3A_56 : vector<16xf32> to vector<16xi32>
        %mul3A_58 = arith.constant 0.000000e+00 : f32
        %mul3A_59 = vector.broadcast %mul3A_58 : f32 to vector<16xf32>
        %mul3A_60 = arith.mulf %sub3A_47, %mul3A_59 : vector<16xf32>
        %add3A_61 = arith.addf %convert_element_type3A_38, %mul3A_60 : vector<16xf32>
        %convert_element_type3A_62 = arith.fptosi %add3A_61 : vector<16xf32> to vector<16xi32>
        %shift_left3A = arith.constant 7 : i32
        %shift_left3A_63 = vector.broadcast %shift_left3A : i32 to vector<16xi32>
        %shift_left3A_64 = arith.shli %convert_element_type3A_57, %shift_left3A_63 : vector<16xi32>
        %add3A_65 = arith.addi %shift_left3A_64, %convert_element_type3A_62 : vector<16xi32>
        %gather3A = tpu.vector_load_idx %arg7[%add3A_65] : memref<16384xf32, #tpu.memory_space<vmem>>[vector<16xi32>], vector<16xf32>,
        %add3A_66 = arith.addf %broadcast_in_dim3A_48, %gather3A : vector<16xf32>
        %add3A_67 = arith.constant 0 : i32
        %add3A_68 = vector.broadcast %add3A_67 : i32 to vector<16xi32>
        %add3A_69 = arith.addi %add3A_52, %add3A_68 : vector<16xi32>
        tpu.vector_store_idx %arg11[%add3A_69], %add3A_65 : memref<61440xi32, #tpu.memory_space<vmem>>[vector<16xi32>], vector<16xi32>,
        %mul3A_70 = arith.constant 0.0169491526 : f32
        %mul3A_71 = vector.broadcast %mul3A_70 : f32 to vector<16xf32>
        %mul3A_72 = arith.mulf %sub3A, %mul3A_71 : vector<16xf32>
        %add3A_73 = arith.addf %convert_element_type3A, %mul3A_72 : vector<16xf32>
        %convert_element_type3A_74 = arith.fptosi %add3A_73 : vector<16xf32> to vector<16xi32>
        %mul3A_75 = arith.constant 0.0169491526 : f32
        %mul3A_76 = vector.broadcast %mul3A_75 : f32 to vector<16xf32>
        %mul3A_77 = arith.mulf %sub3A_47, %mul3A_76 : vector<16xf32>
        %add3A_78 = arith.addf %convert_element_type3A_38, %mul3A_77 : vector<16xf32>
        %convert_element_type3A_79 = arith.fptosi %add3A_78 : vector<16xf32> to vector<16xi32>
        %shift_left3A_80 = arith.constant 7 : i32
        %shift_left3A_81 = vector.broadcast %shift_left3A_80 : i32 to vector<16xi32>
        %shift_left3A_82 = arith.shli %convert_element_type3A_74, %shift_left3A_81 : vector<16xi32>
        %add3A_83 = arith.addi %shift_left3A_82, %convert_element_type3A_79 : vector<16xi32>
        %gather3A_84 = tpu.vector_load_idx %arg7[%add3A_83] : memref<16384xf32, #tpu.memory_space<vmem>>[vector<16xi32>], vector<16xf32>,
        %add3A_85 = arith.addf %add3A_66, %gather3A_84 : vector<16xf32>
        %add3A_86 = arith.constant 1 : i32
        %add3A_87 = vector.broadcast %add3A_86 : i32 to vector<16xi32>
        %add3A_88 = arith.addi %add3A_52, %add3A_87 : vector<16xi32>
        tpu.vector_store_idx %arg11[%add3A_88], %add3A_83 : memref<61440xi32, #tpu.memory_space<vmem>>[vector<16xi32>], vector<16xi32>,
        %mul3A_89 = arith.constant 0.0338983051 : f32
        %mul3A_90 = vector.broadcast %mul3A_89 : f32 to vector<16xf32>
        %mul3A_91 = arith.mulf %sub3A, %mul3A_90 : vector<16xf32>
        %add3A_92 = arith.addf %convert_element_type3A, %mul3A_91 : vector<16xf32>
        %convert_element_type3A_93 = arith.fptosi %add3A_92 : vector<16xf32> to vector<16xi32>
        %mul3A_94 = arith.constant 0.0338983051 : f32
        %mul3A_95 = vector.broadcast %mul3A_94 : f32 to vector<16xf32>
        %mul3A_96 = arith.mulf %sub3A_47, %mul3A_95 : vector<16xf32>
        %add3A_97 = arith.addf %convert_element_type3A_38, %mul3A_96 : vector<16xf32>
        %convert_element_type3A_98 = arith.fptosi %add3A_97 : vector<16xf32> to vector<16xi32>
        %shift_left3A_99 = arith.constant 7 : i32
        %shift_left3A_100 = vector.broadcast %shift_left3A_99 : i32 to vector<16xi32>
        %shift_left3A_101 = arith.shli %convert_element_type3A_93, %shift_left3A_100 : vector<16xi32>
        %add3A_102 = arith.addi %shift_left3A_101, %convert_element_type3A_98 : vector<16xi32>
        %gather3A_103 = tpu.vector_load_idx %arg7[%add3A_102] : memref<16384xf32, #tpu.memory_space<vmem>>[vector<16xi32>], vector<16xf32>,
        %add3A_104 = arith.addf %add3A_85, %gather3A_103 : vector<16xf32>
        %add3A_105 = arith.constant 2 : i32
        %add3A_106 = vector.broadcast %add3A_105 : i32 to vector<16xi32>
        %add3A_107 = arith.addi %add3A_52, %add3A_106 : vector<16xi32>
        tpu.vector_store_idx %arg11[%add3A_107], %add3A_102 : memref<61440xi32, #tpu.memory_space<vmem>>[vector<16xi32>], vector<16xi32>,
        %mul3A_108 = arith.constant 0.0508474559 : f32
        %mul3A_109 = vector.broadcast %mul3A_108 : f32 to vector<16xf32>
        %mul3A_110 = arith.mulf %sub3A, %mul3A_109 : vector<16xf32>
        %add3A_111 = arith.addf %convert_element_type3A, %mul3A_110 : vector<16xf32>
        %convert_element_type3A_112 = arith.fptosi %add3A_111 : vector<16xf32> to vector<16xi32>
        %mul3A_113 = arith.constant 0.0508474559 : f32
        %mul3A_114 = vector.broadcast %mul3A_113 : f32 to vector<16xf32>
        %mul3A_115 = arith.mulf %sub3A_47, %mul3A_114 : vector<16xf32>
        %add3A_116 = arith.addf %convert_element_type3A_38, %mul3A_115 : vector<16xf32>
        %convert_element_type3A_117 = arith.fptosi %add3A_116 : vector<16xf32> to vector<16xi32>
        %shift_left3A_118 = arith.constant 7 : i32
        %shift_left3A_119 = vector.broadcast %shift_left3A_118 : i32 to vector<16xi32>
        %shift_left3A_120 = arith.shli %convert_element_type3A_112, %shift_left3A_119 : vector<16xi32>
        %add3A_121 = arith.addi %shift_left3A_120, %convert_element_type3A_117 : vector<16xi32>
        %gather3A_122 = tpu.vector_load_idx %arg7[%add3A_121] : memref<16384xf32, #tpu.memory_space<vmem>>[vector<16xi32>], vector<16xf32>,
        %add3A_123 = arith.addf %add3A_104, %gather3A_122 : vector<16xf32>
        %add3A_124 = arith.constant 3 : i32
        %add3A_125 = vector.broadcast %add3A_124 : i32 to vector<16xi32>
        %add3A_126 = arith.addi %add3A_52, %add3A_125 : vector<16xi32>
        tpu.vector_store_idx %arg11[%add3A_126], %add3A_121 : memref<61440xi32, #tpu.memory_space<vmem>>[vector<16xi32>], vector<16xi32>,
        %mul3A_127 = arith.constant 0.0677966103 : f32
        %mul3A_128 = vector.broadcast %mul3A_127 : f32 to vector<16xf32>
        %mul3A_129 = arith.mulf %sub3A, %mul3A_128 : vector<16xf32>
        %add3A_130 = arith.addf %convert_element_type3A, %mul3A_129 : vector<16xf32>
        %convert_element_type3A_131 = arith.fptosi %add3A_130 : vector<16xf32> to vector<16xi32>
        %mul3A_132 = arith.constant 0.0677966103 : f32
        %mul3A_133 = vector.broadcast %mul3A_132 : f32 to vector<16xf32>
        %mul3A_134 = arith.mulf %sub3A_47, %mul3A_133 : vector<16xf32>
        %add3A_135 = arith.addf %convert_element_type3A_38, %mul3A_134 : vector<16xf32>
        %convert_element_type3A_136 = arith.fptosi %add3A_135 : vector<16xf32> to vector<16xi32>
        %shift_left3A_137 = arith.constant 7 : i32
        %shift_left3A_138 = vector.broadcast %shift_left3A_137 : i32 to vector<16xi32>
        %shift_left3A_139 = arith.shli %convert_element_type3A_131, %shift_left3A_138 : vector<16xi32>
        %add3A_140 = arith.addi %shift_left3A_139, %convert_element_type3A_136 : vector<16xi32>
        %gather3A_141 = tpu.vector_load_idx %arg7[%add3A_140] : memref<16384xf32, #tpu.memory_space<vmem>>[vector<16xi32>], vector<16xf32>,
        %add3A_142 = arith.addf %add3A_123, %gather3A_141 : vector<16xf32>
        %add3A_143 = arith.constant 4 : i32
        %add3A_144 = vector.broadcast %add3A_143 : i32 to vector<16xi32>
        %add3A_145 = arith.addi %add3A_52, %add3A_144 : vector<16xi32>
        tpu.vector_store_idx %arg11[%add3A_145], %add3A_140 : memref<61440xi32, #tpu.memory_space<vmem>>[vector<16xi32>], vector<16xi32>,
        %mul3A_146 = arith.constant 0.0847457647 : f32
        %mul3A_147 = vector.broadcast %mul3A_146 : f32 to vector<16xf32>
        %mul3A_148 = arith.mulf %sub3A, %mul3A_147 : vector<16xf32>
        %add3A_149 = arith.addf %convert_element_type3A, %mul3A_148 : vector<16xf32>
        %convert_element_type3A_150 = arith.fptosi %add3A_149 : vector<16xf32> to vector<16xi32>
        %mul3A_151 = arith.constant 0.0847457647 : f32
        %mul3A_152 = vector.broadcast %mul3A_151 : f32 to vector<16xf32>
        %mul3A_153 = arith.mulf %sub3A_47, %mul3A_152 : vector<16xf32>
        %add3A_154 = arith.addf %convert_element_type3A_38, %mul3A_153 : vector<16xf32>
        %convert_element_type3A_155 = arith.fptosi %add3A_154 : vector<16xf32> to vector<16xi32>
        %shift_left3A_156 = arith.constant 7 : i32
        %shift_left3A_157 = vector.broadcast %shift_left3A_156 : i32 to vector<16xi32>
        %shift_left3A_158 = arith.shli %convert_element_type3A_150, %shift_left3A_157 : vector<16xi32>
        %add3A_159 = arith.addi %shift_left3A_158, %convert_element_type3A_155 : vector<16xi32>
        %gather3A_160 = tpu.vector_load_idx %arg7[%add3A_159] : memref<16384xf32, #tpu.memory_space<vmem>>[vector<16xi32>], vector<16xf32>,
        %add3A_161 = arith.addf %add3A_142, %gather3A_160 : vector<16xf32>
        %add3A_162 = arith.constant 5 : i32
        %add3A_163 = vector.broadcast %add3A_162 : i32 to vector<16xi32>
        %add3A_164 = arith.addi %add3A_52, %add3A_163 : vector<16xi32>
        tpu.vector_store_idx %arg11[%add3A_164], %add3A_159 : memref<61440xi32, #tpu.memory_space<vmem>>[vector<16xi32>], vector<16xi32>,
        %mul3A_165 = arith.constant 0.101694912 : f32
        %mul3A_166 = vector.broadcast %mul3A_165 : f32 to vector<16xf32>
        %mul3A_167 = arith.mulf %sub3A, %mul3A_166 : vector<16xf32>
        %add3A_168 = arith.addf %convert_element_type3A, %mul3A_167 : vector<16xf32>
        %convert_element_type3A_169 = arith.fptosi %add3A_168 : vector<16xf32> to vector<16xi32>
        %mul3A_170 = arith.constant 0.101694912 : f32
        %mul3A_171 = vector.broadcast %mul3A_170 : f32 to vector<16xf32>
        %mul3A_172 = arith.mulf %sub3A_47, %mul3A_171 : vector<16xf32>
        %add3A_173 = arith.addf %convert_element_type3A_38, %mul3A_172 : vector<16xf32>
        %convert_element_type3A_174 = arith.fptosi %add3A_173 : vector<16xf32> to vector<16xi32>
        %shift_left3A_175 = arith.constant 7 : i32
        %shift_left3A_176 = vector.broadcast %shift_left3A_175 : i32 to vector<16xi32>
        %shift_left3A_177 = arith.shli %convert_element_type3A_169, %shift_left3A_176 : vector<16xi32>
        %add3A_178 = arith.addi %shift_left3A_177, %convert_element_type3A_174 : vector<16xi32>
        %gather3A_179 = tpu.vector_load_idx %arg7[%add3A_178] : memref<16384xf32, #tpu.memory_space<vmem>>[vector<16xi32>], vector<16xf32>,
        %add3A_180 = arith.addf %add3A_161, %gather3A_179 : vector<16xf32>
        %add3A_181 = arith.constant 6 : i32
        %add3A_182 = vector.broadcast %add3A_181 : i32 to vector<16xi32>
        %add3A_183 = arith.addi %add3A_52, %add3A_182 : vector<16xi32>
        tpu.vector_store_idx %arg11[%add3A_183], %add3A_178 : memref<61440xi32, #tpu.memory_space<vmem>>[vector<16xi32>], vector<16xi32>,
        %mul3A_184 = arith.constant 0.118644066 : f32
        %mul3A_185 = vector.broadcast %mul3A_184 : f32 to vector<16xf32>
        %mul3A_186 = arith.mulf %sub3A, %mul3A_185 : vector<16xf32>
        %add3A_187 = arith.addf %convert_element_type3A, %mul3A_186 : vector<16xf32>
        %convert_element_type3A_188 = arith.fptosi %add3A_187 : vector<16xf32> to vector<16xi32>
        %mul3A_189 = arith.constant 0.118644066 : f32
        %mul3A_190 = vector.broadcast %mul3A_189 : f32 to vector<16xf32>
        %mul3A_191 = arith.mulf %sub3A_47, %mul3A_190 : vector<16xf32>
        %add3A_192 = arith.addf %convert_element_type3A_38, %mul3A_191 : vector<16xf32>
        %convert_element_type3A_193 = arith.fptosi %add3A_192 : vector<16xf32> to vector<16xi32>
        %shift_left3A_194 = arith.constant 7 : i32
        %shift_left3A_195 = vector.broadcast %shift_left3A_194 : i32 to vector<16xi32>
        %shift_left3A_196 = arith.shli %convert_element_type3A_188, %shift_left3A_195 : vector<16xi32>
        %add3A_197 = arith.addi %shift_left3A_196, %convert_element_type3A_193 : vector<16xi32>
        %gather3A_198 = tpu.vector_load_idx %arg7[%add3A_197] : memref<16384xf32, #tpu.memory_space<vmem>>[vector<16xi32>], vector<16xf32>,
        %add3A_199 = arith.addf %add3A_180, %gather3A_198 : vector<16xf32>
        %add3A_200 = arith.constant 7 : i32
        %add3A_201 = vector.broadcast %add3A_200 : i32 to vector<16xi32>
        %add3A_202 = arith.addi %add3A_52, %add3A_201 : vector<16xi32>
        tpu.vector_store_idx %arg11[%add3A_202], %add3A_197 : memref<61440xi32, #tpu.memory_space<vmem>>[vector<16xi32>], vector<16xi32>,
        %mul3A_203 = arith.constant 0.135593221 : f32
        %mul3A_204 = vector.broadcast %mul3A_203 : f32 to vector<16xf32>
        %mul3A_205 = arith.mulf %sub3A, %mul3A_204 : vector<16xf32>
        %add3A_206 = arith.addf %convert_element_type3A, %mul3A_205 : vector<16xf32>
        %convert_element_type3A_207 = arith.fptosi %add3A_206 : vector<16xf32> to vector<16xi32>
        %mul3A_208 = arith.constant 0.135593221 : f32
        %mul3A_209 = vector.broadcast %mul3A_208 : f32 to vector<16xf32>
        %mul3A_210 = arith.mulf %sub3A_47, %mul3A_209 : vector<16xf32>
        %add3A_211 = arith.addf %convert_element_type3A_38, %mul3A_210 : vector<16xf32>
        %convert_element_type3A_212 = arith.fptosi %add3A_211 : vector<16xf32> to vector<16xi32>
        %shift_left3A_213 = arith.constant 7 : i32
        %shift_left3A_214 = vector.broadcast %shift_left3A_213 : i32 to vector<16xi32>
        %shift_left3A_215 = arith.shli %convert_element_type3A_207, %shift_left3A_214 : vector<16xi32>
        %add3A_216 = arith.addi %shift_left3A_215, %convert_element_type3A_212 : vector<16xi32>
        %gather3A_217 = tpu.vector_load_idx %arg7[%add3A_216] : memref<16384xf32, #tpu.memory_space<vmem>>[vector<16xi32>], vector<16xf32>,
        %add3A_218 = arith.addf %add3A_199, %gather3A_217 : vector<16xf32>
        %add3A_219 = arith.constant 8 : i32
        %add3A_220 = vector.broadcast %add3A_219 : i32 to vector<16xi32>
        %add3A_221 = arith.addi %add3A_52, %add3A_220 : vector<16xi32>
        tpu.vector_store_idx %arg11[%add3A_221], %add3A_216 : memref<61440xi32, #tpu.memory_space<vmem>>[vector<16xi32>], vector<16xi32>,
        %mul3A_222 = arith.constant 0.152542368 : f32
        %mul3A_223 = vector.broadcast %mul3A_222 : f32 to vector<16xf32>
        %mul3A_224 = arith.mulf %sub3A, %mul3A_223 : vector<16xf32>
        %add3A_225 = arith.addf %convert_element_type3A, %mul3A_224 : vector<16xf32>
        %convert_element_type3A_226 = arith.fptosi %add3A_225 : vector<16xf32> to vector<16xi32>
        %mul3A_227 = arith.constant 0.152542368 : f32
        %mul3A_228 = vector.broadcast %mul3A_227 : f32 to vector<16xf32>
        %mul3A_229 = arith.mulf %sub3A_47, %mul3A_228 : vector<16xf32>
        %add3A_230 = arith.addf %convert_element_type3A_38, %mul3A_229 : vector<16xf32>
        %convert_element_type3A_231 = arith.fptosi %add3A_230 : vector<16xf32> to vector<16xi32>
        %shift_left3A_232 = arith.constant 7 : i32
        %shift_left3A_233 = vector.broadcast %shift_left3A_232 : i32 to vector<16xi32>
        %shift_left3A_234 = arith.shli %convert_element_type3A_226, %shift_left3A_233 : vector<16xi32>
        %add3A_235 = arith.addi %shift_left3A_234, %convert_element_type3A_231 : vector<16xi32>
        %gather3A_236 = tpu.vector_load_idx %arg7[%add3A_235] : memref<16384xf32, #tpu.memory_space<vmem>>[vector<16xi32>], vector<16xf32>,
        %add3A_237 = arith.addf %add3A_218, %gather3A_236 : vector<16xf32>
        %add3A_238 = arith.constant 9 : i32
        %add3A_239 = vector.broadcast %add3A_238 : i32 to vector<16xi32>
        %add3A_240 = arith.addi %add3A_52, %add3A_239 : vector<16xi32>
        tpu.vector_store_idx %arg11[%add3A_240], %add3A_235 : memref<61440xi32, #tpu.memory_space<vmem>>[vector<16xi32>], vector<16xi32>,
        %mul3A_241 = arith.constant 0.169491529 : f32
        %mul3A_242 = vector.broadcast %mul3A_241 : f32 to vector<16xf32>
        %mul3A_243 = arith.mulf %sub3A, %mul3A_242 : vector<16xf32>
        %add3A_244 = arith.addf %convert_element_type3A, %mul3A_243 : vector<16xf32>
        %convert_element_type3A_245 = arith.fptosi %add3A_244 : vector<16xf32> to vector<16xi32>
        %mul3A_246 = arith.constant 0.169491529 : f32
        %mul3A_247 = vector.broadcast %mul3A_246 : f32 to vector<16xf32>
        %mul3A_248 = arith.mulf %sub3A_47, %mul3A_247 : vector<16xf32>
        %add3A_249 = arith.addf %convert_element_type3A_38, %mul3A_248 : vector<16xf32>
        %convert_element_type3A_250 = arith.fptosi %add3A_249 : vector<16xf32> to vector<16xi32>
        %shift_left3A_251 = arith.constant 7 : i32
        %shift_left3A_252 = vector.broadcast %shift_left3A_251 : i32 to vector<16xi32>
        %shift_left3A_253 = arith.shli %convert_element_type3A_245, %shift_left3A_252 : vector<16xi32>
        %add3A_254 = arith.addi %shift_left3A_253, %convert_element_type3A_250 : vector<16xi32>
        %gather3A_255 = tpu.vector_load_idx %arg7[%add3A_254] : memref<16384xf32, #tpu.memory_space<vmem>>[vector<16xi32>], vector<16xf32>,
        %add3A_256 = arith.addf %add3A_237, %gather3A_255 : vector<16xf32>
        %add3A_257 = arith.constant 10 : i32
        %add3A_258 = vector.broadcast %add3A_257 : i32 to vector<16xi32>
        %add3A_259 = arith.addi %add3A_52, %add3A_258 : vector<16xi32>
        tpu.vector_store_idx %arg11[%add3A_259], %add3A_254 : memref<61440xi32, #tpu.memory_space<vmem>>[vector<16xi32>], vector<16xi32>,
        %mul3A_260 = arith.constant 0.186440676 : f32
        %mul3A_261 = vector.broadcast %mul3A_260 : f32 to vector<16xf32>
        %mul3A_262 = arith.mulf %sub3A, %mul3A_261 : vector<16xf32>
        %add3A_263 = arith.addf %convert_element_type3A, %mul3A_262 : vector<16xf32>
        %convert_element_type3A_264 = arith.fptosi %add3A_263 : vector<16xf32> to vector<16xi32>
        %mul3A_265 = arith.constant 0.186440676 : f32
        %mul3A_266 = vector.broadcast %mul3A_265 : f32 to vector<16xf32>
        %mul3A_267 = arith.mulf %sub3A_47, %mul3A_266 : vector<16xf32>
        %add3A_268 = arith.addf %convert_element_type3A_38, %mul3A_267 : vector<16xf32>
        %convert_element_type3A_269 = arith.fptosi %add3A_268 : vector<16xf32> to vector<16xi32>
        %shift_left3A_270 = arith.constant 7 : i32
        %shift_left3A_271 = vector.broadcast %shift_left3A_270 : i32 to vector<16xi32>
        %shift_left3A_272 = arith.shli %convert_element_type3A_264, %shift_left3A_271 : vector<16xi32>
        %add3A_273 = arith.addi %shift_left3A_272, %convert_element_type3A_269 : vector<16xi32>
        %gather3A_274 = tpu.vector_load_idx %arg7[%add3A_273] : memref<16384xf32, #tpu.memory_space<vmem>>[vector<16xi32>], vector<16xf32>,
        %add3A_275 = arith.addf %add3A_256, %gather3A_274 : vector<16xf32>
        %add3A_276 = arith.constant 11 : i32
        %add3A_277 = vector.broadcast %add3A_276 : i32 to vector<16xi32>
        %add3A_278 = arith.addi %add3A_52, %add3A_277 : vector<16xi32>
        tpu.vector_store_idx %arg11[%add3A_278], %add3A_273 : memref<61440xi32, #tpu.memory_space<vmem>>[vector<16xi32>], vector<16xi32>,
        %mul3A_279 = arith.constant 0.203389823 : f32
        %mul3A_280 = vector.broadcast %mul3A_279 : f32 to vector<16xf32>
        %mul3A_281 = arith.mulf %sub3A, %mul3A_280 : vector<16xf32>
        %add3A_282 = arith.addf %convert_element_type3A, %mul3A_281 : vector<16xf32>
        %convert_element_type3A_283 = arith.fptosi %add3A_282 : vector<16xf32> to vector<16xi32>
        %mul3A_284 = arith.constant 0.203389823 : f32
        %mul3A_285 = vector.broadcast %mul3A_284 : f32 to vector<16xf32>
        %mul3A_286 = arith.mulf %sub3A_47, %mul3A_285 : vector<16xf32>
        %add3A_287 = arith.addf %convert_element_type3A_38, %mul3A_286 : vector<16xf32>
        %convert_element_type3A_288 = arith.fptosi %add3A_287 : vector<16xf32> to vector<16xi32>
        %shift_left3A_289 = arith.constant 7 : i32
        %shift_left3A_290 = vector.broadcast %shift_left3A_289 : i32 to vector<16xi32>
        %shift_left3A_291 = arith.shli %convert_element_type3A_283, %shift_left3A_290 : vector<16xi32>
        %add3A_292 = arith.addi %shift_left3A_291, %convert_element_type3A_288 : vector<16xi32>
        %gather3A_293 = tpu.vector_load_idx %arg7[%add3A_292] : memref<16384xf32, #tpu.memory_space<vmem>>[vector<16xi32>], vector<16xf32>,
        %add3A_294 = arith.addf %add3A_275, %gather3A_293 : vector<16xf32>
        %add3A_295 = arith.constant 12 : i32
        %add3A_296 = vector.broadcast %add3A_295 : i32 to vector<16xi32>
        %add3A_297 = arith.addi %add3A_52, %add3A_296 : vector<16xi32>
        tpu.vector_store_idx %arg11[%add3A_297], %add3A_292 : memref<61440xi32, #tpu.memory_space<vmem>>[vector<16xi32>], vector<16xi32>,
        %mul3A_298 = arith.constant 0.220338985 : f32
        %mul3A_299 = vector.broadcast %mul3A_298 : f32 to vector<16xf32>
        %mul3A_300 = arith.mulf %sub3A, %mul3A_299 : vector<16xf32>
        %add3A_301 = arith.addf %convert_element_type3A, %mul3A_300 : vector<16xf32>
        %convert_element_type3A_302 = arith.fptosi %add3A_301 : vector<16xf32> to vector<16xi32>
        %mul3A_303 = arith.constant 0.220338985 : f32
        %mul3A_304 = vector.broadcast %mul3A_303 : f32 to vector<16xf32>
        %mul3A_305 = arith.mulf %sub3A_47, %mul3A_304 : vector<16xf32>
        %add3A_306 = arith.addf %convert_element_type3A_38, %mul3A_305 : vector<16xf32>
        %convert_element_type3A_307 = arith.fptosi %add3A_306 : vector<16xf32> to vector<16xi32>
        %shift_left3A_308 = arith.constant 7 : i32
        %shift_left3A_309 = vector.broadcast %shift_left3A_308 : i32 to vector<16xi32>
        %shift_left3A_310 = arith.shli %convert_element_type3A_302, %shift_left3A_309 : vector<16xi32>
        %add3A_311 = arith.addi %shift_left3A_310, %convert_element_type3A_307 : vector<16xi32>
        %gather3A_312 = tpu.vector_load_idx %arg7[%add3A_311] : memref<16384xf32, #tpu.memory_space<vmem>>[vector<16xi32>], vector<16xf32>,
        %add3A_313 = arith.addf %add3A_294, %gather3A_312 : vector<16xf32>
        %add3A_314 = arith.constant 13 : i32
        %add3A_315 = vector.broadcast %add3A_314 : i32 to vector<16xi32>
        %add3A_316 = arith.addi %add3A_52, %add3A_315 : vector<16xi32>
        tpu.vector_store_idx %arg11[%add3A_316], %add3A_311 : memref<61440xi32, #tpu.memory_space<vmem>>[vector<16xi32>], vector<16xi32>,
        %mul3A_317 = arith.constant 0.237288132 : f32
        %mul3A_318 = vector.broadcast %mul3A_317 : f32 to vector<16xf32>
        %mul3A_319 = arith.mulf %sub3A, %mul3A_318 : vector<16xf32>
        %add3A_320 = arith.addf %convert_element_type3A, %mul3A_319 : vector<16xf32>
        %convert_element_type3A_321 = arith.fptosi %add3A_320 : vector<16xf32> to vector<16xi32>
        %mul3A_322 = arith.constant 0.237288132 : f32
        %mul3A_323 = vector.broadcast %mul3A_322 : f32 to vector<16xf32>
        %mul3A_324 = arith.mulf %sub3A_47, %mul3A_323 : vector<16xf32>
        %add3A_325 = arith.addf %convert_element_type3A_38, %mul3A_324 : vector<16xf32>
        %convert_element_type3A_326 = arith.fptosi %add3A_325 : vector<16xf32> to vector<16xi32>
        %shift_left3A_327 = arith.constant 7 : i32
        %shift_left3A_328 = vector.broadcast %shift_left3A_327 : i32 to vector<16xi32>
        %shift_left3A_329 = arith.shli %convert_element_type3A_321, %shift_left3A_328 : vector<16xi32>
        %add3A_330 = arith.addi %shift_left3A_329, %convert_element_type3A_326 : vector<16xi32>
        %gather3A_331 = tpu.vector_load_idx %arg7[%add3A_330] : memref<16384xf32, #tpu.memory_space<vmem>>[vector<16xi32>], vector<16xf32>,
        %add3A_332 = arith.addf %add3A_313, %gather3A_331 : vector<16xf32>
        %add3A_333 = arith.constant 14 : i32
        %add3A_334 = vector.broadcast %add3A_333 : i32 to vector<16xi32>
        %add3A_335 = arith.addi %add3A_52, %add3A_334 : vector<16xi32>
        tpu.vector_store_idx %arg11[%add3A_335], %add3A_330 : memref<61440xi32, #tpu.memory_space<vmem>>[vector<16xi32>], vector<16xi32>,
        %mul3A_336 = arith.constant 0.254237294 : f32
        %mul3A_337 = vector.broadcast %mul3A_336 : f32 to vector<16xf32>
        %mul3A_338 = arith.mulf %sub3A, %mul3A_337 : vector<16xf32>
        %add3A_339 = arith.addf %convert_element_type3A, %mul3A_338 : vector<16xf32>
        %convert_element_type3A_340 = arith.fptosi %add3A_339 : vector<16xf32> to vector<16xi32>
        %mul3A_341 = arith.constant 0.254237294 : f32
        %mul3A_342 = vector.broadcast %mul3A_341 : f32 to vector<16xf32>
        %mul3A_343 = arith.mulf %sub3A_47, %mul3A_342 : vector<16xf32>
        %add3A_344 = arith.addf %convert_element_type3A_38, %mul3A_343 : vector<16xf32>
        %convert_element_type3A_345 = arith.fptosi %add3A_344 : vector<16xf32> to vector<16xi32>
        %shift_left3A_346 = arith.constant 7 : i32
        %shift_left3A_347 = vector.broadcast %shift_left3A_346 : i32 to vector<16xi32>
        %shift_left3A_348 = arith.shli %convert_element_type3A_340, %shift_left3A_347 : vector<16xi32>
        %add3A_349 = arith.addi %shift_left3A_348, %convert_element_type3A_345 : vector<16xi32>
        %gather3A_350 = tpu.vector_load_idx %arg7[%add3A_349] : memref<16384xf32, #tpu.memory_space<vmem>>[vector<16xi32>], vector<16xf32>,
        %add3A_351 = arith.addf %add3A_332, %gather3A_350 : vector<16xf32>
        %add3A_352 = arith.constant 15 : i32
        %add3A_353 = vector.broadcast %add3A_352 : i32 to vector<16xi32>
        %add3A_354 = arith.addi %add3A_52, %add3A_353 : vector<16xi32>
        tpu.vector_store_idx %arg11[%add3A_354], %add3A_349 : memref<61440xi32, #tpu.memory_space<vmem>>[vector<16xi32>], vector<16xi32>,
        %mul3A_355 = arith.constant 0.271186441 : f32
        %mul3A_356 = vector.broadcast %mul3A_355 : f32 to vector<16xf32>
        %mul3A_357 = arith.mulf %sub3A, %mul3A_356 : vector<16xf32>
        %add3A_358 = arith.addf %convert_element_type3A, %mul3A_357 : vector<16xf32>
        %convert_element_type3A_359 = arith.fptosi %add3A_358 : vector<16xf32> to vector<16xi32>
        %mul3A_360 = arith.constant 0.271186441 : f32
        %mul3A_361 = vector.broadcast %mul3A_360 : f32 to vector<16xf32>
        %mul3A_362 = arith.mulf %sub3A_47, %mul3A_361 : vector<16xf32>
        %add3A_363 = arith.addf %convert_element_type3A_38, %mul3A_362 : vector<16xf32>
        %convert_element_type3A_364 = arith.fptosi %add3A_363 : vector<16xf32> to vector<16xi32>
        %shift_left3A_365 = arith.constant 7 : i32
        %shift_left3A_366 = vector.broadcast %shift_left3A_365 : i32 to vector<16xi32>
        %shift_left3A_367 = arith.shli %convert_element_type3A_359, %shift_left3A_366 : vector<16xi32>
        %add3A_368 = arith.addi %shift_left3A_367, %convert_element_type3A_364 : vector<16xi32>
        %gather3A_369 = tpu.vector_load_idx %arg7[%add3A_368] : memref<16384xf32, #tpu.memory_space<vmem>>[vector<16xi32>], vector<16xf32>,
        %add3A_370 = arith.addf %add3A_351, %gather3A_369 : vector<16xf32>
        %add3A_371 = arith.constant 16 : i32
        %add3A_372 = vector.broadcast %add3A_371 : i32 to vector<16xi32>
        %add3A_373 = arith.addi %add3A_52, %add3A_372 : vector<16xi32>
        tpu.vector_store_idx %arg11[%add3A_373], %add3A_368 : memref<61440xi32, #tpu.memory_space<vmem>>[vector<16xi32>], vector<16xi32>,
        %mul3A_374 = arith.constant 0.288135588 : f32
        %mul3A_375 = vector.broadcast %mul3A_374 : f32 to vector<16xf32>
        %mul3A_376 = arith.mulf %sub3A, %mul3A_375 : vector<16xf32>
        %add3A_377 = arith.addf %convert_element_type3A, %mul3A_376 : vector<16xf32>
        %convert_element_type3A_378 = arith.fptosi %add3A_377 : vector<16xf32> to vector<16xi32>
        %mul3A_379 = arith.constant 0.288135588 : f32
        %mul3A_380 = vector.broadcast %mul3A_379 : f32 to vector<16xf32>
        %mul3A_381 = arith.mulf %sub3A_47, %mul3A_380 : vector<16xf32>
        %add3A_382 = arith.addf %convert_element_type3A_38, %mul3A_381 : vector<16xf32>
        %convert_element_type3A_383 = arith.fptosi %add3A_382 : vector<16xf32> to vector<16xi32>
        %shift_left3A_384 = arith.constant 7 : i32
        %shift_left3A_385 = vector.broadcast %shift_left3A_384 : i32 to vector<16xi32>
        %shift_left3A_386 = arith.shli %convert_element_type3A_378, %shift_left3A_385 : vector<16xi32>
        %add3A_387 = arith.addi %shift_left3A_386, %convert_element_type3A_383 : vector<16xi32>
        %gather3A_388 = tpu.vector_load_idx %arg7[%add3A_387] : memref<16384xf32, #tpu.memory_space<vmem>>[vector<16xi32>], vector<16xf32>,
        %add3A_389 = arith.addf %add3A_370, %gather3A_388 : vector<16xf32>
        %add3A_390 = arith.constant 17 : i32
        %add3A_391 = vector.broadcast %add3A_390 : i32 to vector<16xi32>
        %add3A_392 = arith.addi %add3A_52, %add3A_391 : vector<16xi32>
        tpu.vector_store_idx %arg11[%add3A_392], %add3A_387 : memref<61440xi32, #tpu.memory_space<vmem>>[vector<16xi32>], vector<16xi32>,
        %mul3A_393 = arith.constant 0.305084735 : f32
        %mul3A_394 = vector.broadcast %mul3A_393 : f32 to vector<16xf32>
        %mul3A_395 = arith.mulf %sub3A, %mul3A_394 : vector<16xf32>
        %add3A_396 = arith.addf %convert_element_type3A, %mul3A_395 : vector<16xf32>
        %convert_element_type3A_397 = arith.fptosi %add3A_396 : vector<16xf32> to vector<16xi32>
        %mul3A_398 = arith.constant 0.305084735 : f32
        %mul3A_399 = vector.broadcast %mul3A_398 : f32 to vector<16xf32>
        %mul3A_400 = arith.mulf %sub3A_47, %mul3A_399 : vector<16xf32>
        %add3A_401 = arith.addf %convert_element_type3A_38, %mul3A_400 : vector<16xf32>
        %convert_element_type3A_402 = arith.fptosi %add3A_401 : vector<16xf32> to vector<16xi32>
        %shift_left3A_403 = arith.constant 7 : i32
        %shift_left3A_404 = vector.broadcast %shift_left3A_403 : i32 to vector<16xi32>
        %shift_left3A_405 = arith.shli %convert_element_type3A_397, %shift_left3A_404 : vector<16xi32>
        %add3A_406 = arith.addi %shift_left3A_405, %convert_element_type3A_402 : vector<16xi32>
        %gather3A_407 = tpu.vector_load_idx %arg7[%add3A_406] : memref<16384xf32, #tpu.memory_space<vmem>>[vector<16xi32>], vector<16xf32>,
        %add3A_408 = arith.addf %add3A_389, %gather3A_407 : vector<16xf32>
        %add3A_409 = arith.constant 18 : i32
        %add3A_410 = vector.broadcast %add3A_409 : i32 to vector<16xi32>
        %add3A_411 = arith.addi %add3A_52, %add3A_410 : vector<16xi32>
        tpu.vector_store_idx %arg11[%add3A_411], %add3A_406 : memref<61440xi32, #tpu.memory_space<vmem>>[vector<16xi32>], vector<16xi32>,
        %mul3A_412 = arith.constant 0.322033912 : f32
        %mul3A_413 = vector.broadcast %mul3A_412 : f32 to vector<16xf32>
        %mul3A_414 = arith.mulf %sub3A, %mul3A_413 : vector<16xf32>
        %add3A_415 = arith.addf %convert_element_type3A, %mul3A_414 : vector<16xf32>
        %convert_element_type3A_416 = arith.fptosi %add3A_415 : vector<16xf32> to vector<16xi32>
        %mul3A_417 = arith.constant 0.322033912 : f32
        %mul3A_418 = vector.broadcast %mul3A_417 : f32 to vector<16xf32>
        %mul3A_419 = arith.mulf %sub3A_47, %mul3A_418 : vector<16xf32>
        %add3A_420 = arith.addf %convert_element_type3A_38, %mul3A_419 : vector<16xf32>
        %convert_element_type3A_421 = arith.fptosi %add3A_420 : vector<16xf32> to vector<16xi32>
        %shift_left3A_422 = arith.constant 7 : i32
        %shift_left3A_423 = vector.broadcast %shift_left3A_422 : i32 to vector<16xi32>
        %shift_left3A_424 = arith.shli %convert_element_type3A_416, %shift_left3A_423 : vector<16xi32>
        %add3A_425 = arith.addi %shift_left3A_424, %convert_element_type3A_421 : vector<16xi32>
        %gather3A_426 = tpu.vector_load_idx %arg7[%add3A_425] : memref<16384xf32, #tpu.memory_space<vmem>>[vector<16xi32>], vector<16xf32>,
        %add3A_427 = arith.addf %add3A_408, %gather3A_426 : vector<16xf32>
        %add3A_428 = arith.constant 19 : i32
        %add3A_429 = vector.broadcast %add3A_428 : i32 to vector<16xi32>
        %add3A_430 = arith.addi %add3A_52, %add3A_429 : vector<16xi32>
        tpu.vector_store_idx %arg11[%add3A_430], %add3A_425 : memref<61440xi32, #tpu.memory_space<vmem>>[vector<16xi32>], vector<16xi32>,
        %mul3A_431 = arith.constant 0.338983059 : f32
        %mul3A_432 = vector.broadcast %mul3A_431 : f32 to vector<16xf32>
        %mul3A_433 = arith.mulf %sub3A, %mul3A_432 : vector<16xf32>
        %add3A_434 = arith.addf %convert_element_type3A, %mul3A_433 : vector<16xf32>
        %convert_element_type3A_435 = arith.fptosi %add3A_434 : vector<16xf32> to vector<16xi32>
        %mul3A_436 = arith.constant 0.338983059 : f32
        %mul3A_437 = vector.broadcast %mul3A_436 : f32 to vector<16xf32>
        %mul3A_438 = arith.mulf %sub3A_47, %mul3A_437 : vector<16xf32>
        %add3A_439 = arith.addf %convert_element_type3A_38, %mul3A_438 : vector<16xf32>
        %convert_element_type3A_440 = arith.fptosi %add3A_439 : vector<16xf32> to vector<16xi32>
        %shift_left3A_441 = arith.constant 7 : i32
        %shift_left3A_442 = vector.broadcast %shift_left3A_441 : i32 to vector<16xi32>
        %shift_left3A_443 = arith.shli %convert_element_type3A_435, %shift_left3A_442 : vector<16xi32>
        %add3A_444 = arith.addi %shift_left3A_443, %convert_element_type3A_440 : vector<16xi32>
        %gather3A_445 = tpu.vector_load_idx %arg7[%add3A_444] : memref<16384xf32, #tpu.memory_space<vmem>>[vector<16xi32>], vector<16xf32>,
        %add3A_446 = arith.addf %add3A_427, %gather3A_445 : vector<16xf32>
        %add3A_447 = arith.constant 20 : i32
        %add3A_448 = vector.broadcast %add3A_447 : i32 to vector<16xi32>
        %add3A_449 = arith.addi %add3A_52, %add3A_448 : vector<16xi32>
        tpu.vector_store_idx %arg11[%add3A_449], %add3A_444 : memref<61440xi32, #tpu.memory_space<vmem>>[vector<16xi32>], vector<16xi32>,
        %mul3A_450 = arith.constant 0.355932206 : f32
        %mul3A_451 = vector.broadcast %mul3A_450 : f32 to vector<16xf32>
        %mul3A_452 = arith.mulf %sub3A, %mul3A_451 : vector<16xf32>
        %add3A_453 = arith.addf %convert_element_type3A, %mul3A_452 : vector<16xf32>
        %convert_element_type3A_454 = arith.fptosi %add3A_453 : vector<16xf32> to vector<16xi32>
        %mul3A_455 = arith.constant 0.355932206 : f32
        %mul3A_456 = vector.broadcast %mul3A_455 : f32 to vector<16xf32>
        %mul3A_457 = arith.mulf %sub3A_47, %mul3A_456 : vector<16xf32>
        %add3A_458 = arith.addf %convert_element_type3A_38, %mul3A_457 : vector<16xf32>
        %convert_element_type3A_459 = arith.fptosi %add3A_458 : vector<16xf32> to vector<16xi32>
        %shift_left3A_460 = arith.constant 7 : i32
        %shift_left3A_461 = vector.broadcast %shift_left3A_460 : i32 to vector<16xi32>
        %shift_left3A_462 = arith.shli %convert_element_type3A_454, %shift_left3A_461 : vector<16xi32>
        %add3A_463 = arith.addi %shift_left3A_462, %convert_element_type3A_459 : vector<16xi32>
        %gather3A_464 = tpu.vector_load_idx %arg7[%add3A_463] : memref<16384xf32, #tpu.memory_space<vmem>>[vector<16xi32>], vector<16xf32>,
        %add3A_465 = arith.addf %add3A_446, %gather3A_464 : vector<16xf32>
        %add3A_466 = arith.constant 21 : i32
        %add3A_467 = vector.broadcast %add3A_466 : i32 to vector<16xi32>
        %add3A_468 = arith.addi %add3A_52, %add3A_467 : vector<16xi32>
        tpu.vector_store_idx %arg11[%add3A_468], %add3A_463 : memref<61440xi32, #tpu.memory_space<vmem>>[vector<16xi32>], vector<16xi32>,
        %mul3A_469 = arith.constant 0.372881353 : f32
        %mul3A_470 = vector.broadcast %mul3A_469 : f32 to vector<16xf32>
        %mul3A_471 = arith.mulf %sub3A, %mul3A_470 : vector<16xf32>
        %add3A_472 = arith.addf %convert_element_type3A, %mul3A_471 : vector<16xf32>
        %convert_element_type3A_473 = arith.fptosi %add3A_472 : vector<16xf32> to vector<16xi32>
        %mul3A_474 = arith.constant 0.372881353 : f32
        %mul3A_475 = vector.broadcast %mul3A_474 : f32 to vector<16xf32>
        %mul3A_476 = arith.mulf %sub3A_47, %mul3A_475 : vector<16xf32>
        %add3A_477 = arith.addf %convert_element_type3A_38, %mul3A_476 : vector<16xf32>
        %convert_element_type3A_478 = arith.fptosi %add3A_477 : vector<16xf32> to vector<16xi32>
        %shift_left3A_479 = arith.constant 7 : i32
        %shift_left3A_480 = vector.broadcast %shift_left3A_479 : i32 to vector<16xi32>
        %shift_left3A_481 = arith.shli %convert_element_type3A_473, %shift_left3A_480 : vector<16xi32>
        %add3A_482 = arith.addi %shift_left3A_481, %convert_element_type3A_478 : vector<16xi32>
        %gather3A_483 = tpu.vector_load_idx %arg7[%add3A_482] : memref<16384xf32, #tpu.memory_space<vmem>>[vector<16xi32>], vector<16xf32>,
        %add3A_484 = arith.addf %add3A_465, %gather3A_483 : vector<16xf32>
        %add3A_485 = arith.constant 22 : i32
        %add3A_486 = vector.broadcast %add3A_485 : i32 to vector<16xi32>
        %add3A_487 = arith.addi %add3A_52, %add3A_486 : vector<16xi32>
        tpu.vector_store_idx %arg11[%add3A_487], %add3A_482 : memref<61440xi32, #tpu.memory_space<vmem>>[vector<16xi32>], vector<16xi32>,
        %mul3A_488 = arith.constant 0.3898305 : f32
        %mul3A_489 = vector.broadcast %mul3A_488 : f32 to vector<16xf32>
        %mul3A_490 = arith.mulf %sub3A, %mul3A_489 : vector<16xf32>
        %add3A_491 = arith.addf %convert_element_type3A, %mul3A_490 : vector<16xf32>
        %convert_element_type3A_492 = arith.fptosi %add3A_491 : vector<16xf32> to vector<16xi32>
        %mul3A_493 = arith.constant 0.3898305 : f32
        %mul3A_494 = vector.broadcast %mul3A_493 : f32 to vector<16xf32>
        %mul3A_495 = arith.mulf %sub3A_47, %mul3A_494 : vector<16xf32>
        %add3A_496 = arith.addf %convert_element_type3A_38, %mul3A_495 : vector<16xf32>
        %convert_element_type3A_497 = arith.fptosi %add3A_496 : vector<16xf32> to vector<16xi32>
        %shift_left3A_498 = arith.constant 7 : i32
        %shift_left3A_499 = vector.broadcast %shift_left3A_498 : i32 to vector<16xi32>
        %shift_left3A_500 = arith.shli %convert_element_type3A_492, %shift_left3A_499 : vector<16xi32>
        %add3A_501 = arith.addi %shift_left3A_500, %convert_element_type3A_497 : vector<16xi32>
        %gather3A_502 = tpu.vector_load_idx %arg7[%add3A_501] : memref<16384xf32, #tpu.memory_space<vmem>>[vector<16xi32>], vector<16xf32>,
        %add3A_503 = arith.addf %add3A_484, %gather3A_502 : vector<16xf32>
        %add3A_504 = arith.constant 23 : i32
        %add3A_505 = vector.broadcast %add3A_504 : i32 to vector<16xi32>
        %add3A_506 = arith.addi %add3A_52, %add3A_505 : vector<16xi32>
        tpu.vector_store_idx %arg11[%add3A_506], %add3A_501 : memref<61440xi32, #tpu.memory_space<vmem>>[vector<16xi32>], vector<16xi32>,
        %mul3A_507 = arith.constant 0.406779647 : f32
        %mul3A_508 = vector.broadcast %mul3A_507 : f32 to vector<16xf32>
        %mul3A_509 = arith.mulf %sub3A, %mul3A_508 : vector<16xf32>
        %add3A_510 = arith.addf %convert_element_type3A, %mul3A_509 : vector<16xf32>
        %convert_element_type3A_511 = arith.fptosi %add3A_510 : vector<16xf32> to vector<16xi32>
        %mul3A_512 = arith.constant 0.406779647 : f32
        %mul3A_513 = vector.broadcast %mul3A_512 : f32 to vector<16xf32>
        %mul3A_514 = arith.mulf %sub3A_47, %mul3A_513 : vector<16xf32>
        %add3A_515 = arith.addf %convert_element_type3A_38, %mul3A_514 : vector<16xf32>
        %convert_element_type3A_516 = arith.fptosi %add3A_515 : vector<16xf32> to vector<16xi32>
        %shift_left3A_517 = arith.constant 7 : i32
        %shift_left3A_518 = vector.broadcast %shift_left3A_517 : i32 to vector<16xi32>
        %shift_left3A_519 = arith.shli %convert_element_type3A_511, %shift_left3A_518 : vector<16xi32>
        %add3A_520 = arith.addi %shift_left3A_519, %convert_element_type3A_516 : vector<16xi32>
        %gather3A_521 = tpu.vector_load_idx %arg7[%add3A_520] : memref<16384xf32, #tpu.memory_space<vmem>>[vector<16xi32>], vector<16xf32>,
        %add3A_522 = arith.addf %add3A_503, %gather3A_521 : vector<16xf32>
        %add3A_523 = arith.constant 24 : i32
        %add3A_524 = vector.broadcast %add3A_523 : i32 to vector<16xi32>
        %add3A_525 = arith.addi %add3A_52, %add3A_524 : vector<16xi32>
        tpu.vector_store_idx %arg11[%add3A_525], %add3A_520 : memref<61440xi32, #tpu.memory_space<vmem>>[vector<16xi32>], vector<16xi32>,
        %mul3A_526 = arith.constant 0.423728824 : f32
        %mul3A_527 = vector.broadcast %mul3A_526 : f32 to vector<16xf32>
        %mul3A_528 = arith.mulf %sub3A, %mul3A_527 : vector<16xf32>
        %add3A_529 = arith.addf %convert_element_type3A, %mul3A_528 : vector<16xf32>
        %convert_element_type3A_530 = arith.fptosi %add3A_529 : vector<16xf32> to vector<16xi32>
        %mul3A_531 = arith.constant 0.423728824 : f32
        %mul3A_532 = vector.broadcast %mul3A_531 : f32 to vector<16xf32>
        %mul3A_533 = arith.mulf %sub3A_47, %mul3A_532 : vector<16xf32>
        %add3A_534 = arith.addf %convert_element_type3A_38, %mul3A_533 : vector<16xf32>
        %convert_element_type3A_535 = arith.fptosi %add3A_534 : vector<16xf32> to vector<16xi32>
        %shift_left3A_536 = arith.constant 7 : i32
        %shift_left3A_537 = vector.broadcast %shift_left3A_536 : i32 to vector<16xi32>
        %shift_left3A_538 = arith.shli %convert_element_type3A_530, %shift_left3A_537 : vector<16xi32>
        %add3A_539 = arith.addi %shift_left3A_538, %convert_element_type3A_535 : vector<16xi32>
        %gather3A_540 = tpu.vector_load_idx %arg7[%add3A_539] : memref<16384xf32, #tpu.memory_space<vmem>>[vector<16xi32>], vector<16xf32>,
        %add3A_541 = arith.addf %add3A_522, %gather3A_540 : vector<16xf32>
        %add3A_542 = arith.constant 25 : i32
        %add3A_543 = vector.broadcast %add3A_542 : i32 to vector<16xi32>
        %add3A_544 = arith.addi %add3A_52, %add3A_543 : vector<16xi32>
        tpu.vector_store_idx %arg11[%add3A_544], %add3A_539 : memref<61440xi32, #tpu.memory_space<vmem>>[vector<16xi32>], vector<16xi32>,
        %mul3A_545 = arith.constant 0.440677971 : f32
        %mul3A_546 = vector.broadcast %mul3A_545 : f32 to vector<16xf32>
        %mul3A_547 = arith.mulf %sub3A, %mul3A_546 : vector<16xf32>
        %add3A_548 = arith.addf %convert_element_type3A, %mul3A_547 : vector<16xf32>
        %convert_element_type3A_549 = arith.fptosi %add3A_548 : vector<16xf32> to vector<16xi32>
        %mul3A_550 = arith.constant 0.440677971 : f32
        %mul3A_551 = vector.broadcast %mul3A_550 : f32 to vector<16xf32>
        %mul3A_552 = arith.mulf %sub3A_47, %mul3A_551 : vector<16xf32>
        %add3A_553 = arith.addf %convert_element_type3A_38, %mul3A_552 : vector<16xf32>
        %convert_element_type3A_554 = arith.fptosi %add3A_553 : vector<16xf32> to vector<16xi32>
        %shift_left3A_555 = arith.constant 7 : i32
        %shift_left3A_556 = vector.broadcast %shift_left3A_555 : i32 to vector<16xi32>
        %shift_left3A_557 = arith.shli %convert_element_type3A_549, %shift_left3A_556 : vector<16xi32>
        %add3A_558 = arith.addi %shift_left3A_557, %convert_element_type3A_554 : vector<16xi32>
        %gather3A_559 = tpu.vector_load_idx %arg7[%add3A_558] : memref<16384xf32, #tpu.memory_space<vmem>>[vector<16xi32>], vector<16xf32>,
        %add3A_560 = arith.addf %add3A_541, %gather3A_559 : vector<16xf32>
        %add3A_561 = arith.constant 26 : i32
        %add3A_562 = vector.broadcast %add3A_561 : i32 to vector<16xi32>
        %add3A_563 = arith.addi %add3A_52, %add3A_562 : vector<16xi32>
        tpu.vector_store_idx %arg11[%add3A_563], %add3A_558 : memref<61440xi32, #tpu.memory_space<vmem>>[vector<16xi32>], vector<16xi32>,
        %mul3A_564 = arith.constant 0.457627118 : f32
        %mul3A_565 = vector.broadcast %mul3A_564 : f32 to vector<16xf32>
        %mul3A_566 = arith.mulf %sub3A, %mul3A_565 : vector<16xf32>
        %add3A_567 = arith.addf %convert_element_type3A, %mul3A_566 : vector<16xf32>
        %convert_element_type3A_568 = arith.fptosi %add3A_567 : vector<16xf32> to vector<16xi32>
        %mul3A_569 = arith.constant 0.457627118 : f32
        %mul3A_570 = vector.broadcast %mul3A_569 : f32 to vector<16xf32>
        %mul3A_571 = arith.mulf %sub3A_47, %mul3A_570 : vector<16xf32>
        %add3A_572 = arith.addf %convert_element_type3A_38, %mul3A_571 : vector<16xf32>
        %convert_element_type3A_573 = arith.fptosi %add3A_572 : vector<16xf32> to vector<16xi32>
        %shift_left3A_574 = arith.constant 7 : i32
        %shift_left3A_575 = vector.broadcast %shift_left3A_574 : i32 to vector<16xi32>
        %shift_left3A_576 = arith.shli %convert_element_type3A_568, %shift_left3A_575 : vector<16xi32>
        %add3A_577 = arith.addi %shift_left3A_576, %convert_element_type3A_573 : vector<16xi32>
        %gather3A_578 = tpu.vector_load_idx %arg7[%add3A_577] : memref<16384xf32, #tpu.memory_space<vmem>>[vector<16xi32>], vector<16xf32>,
        %add3A_579 = arith.addf %add3A_560, %gather3A_578 : vector<16xf32>
        %add3A_580 = arith.constant 27 : i32
        %add3A_581 = vector.broadcast %add3A_580 : i32 to vector<16xi32>
        %add3A_582 = arith.addi %add3A_52, %add3A_581 : vector<16xi32>
        tpu.vector_store_idx %arg11[%add3A_582], %add3A_577 : memref<61440xi32, #tpu.memory_space<vmem>>[vector<16xi32>], vector<16xi32>,
        %mul3A_583 = arith.constant 0.474576265 : f32
        %mul3A_584 = vector.broadcast %mul3A_583 : f32 to vector<16xf32>
        %mul3A_585 = arith.mulf %sub3A, %mul3A_584 : vector<16xf32>
        %add3A_586 = arith.addf %convert_element_type3A, %mul3A_585 : vector<16xf32>
        %convert_element_type3A_587 = arith.fptosi %add3A_586 : vector<16xf32> to vector<16xi32>
        %mul3A_588 = arith.constant 0.474576265 : f32
        %mul3A_589 = vector.broadcast %mul3A_588 : f32 to vector<16xf32>
        %mul3A_590 = arith.mulf %sub3A_47, %mul3A_589 : vector<16xf32>
        %add3A_591 = arith.addf %convert_element_type3A_38, %mul3A_590 : vector<16xf32>
        %convert_element_type3A_592 = arith.fptosi %add3A_591 : vector<16xf32> to vector<16xi32>
        %shift_left3A_593 = arith.constant 7 : i32
        %shift_left3A_594 = vector.broadcast %shift_left3A_593 : i32 to vector<16xi32>
        %shift_left3A_595 = arith.shli %convert_element_type3A_587, %shift_left3A_594 : vector<16xi32>
        %add3A_596 = arith.addi %shift_left3A_595, %convert_element_type3A_592 : vector<16xi32>
        %gather3A_597 = tpu.vector_load_idx %arg7[%add3A_596] : memref<16384xf32, #tpu.memory_space<vmem>>[vector<16xi32>], vector<16xf32>,
        %add3A_598 = arith.addf %add3A_579, %gather3A_597 : vector<16xf32>
        %add3A_599 = arith.constant 28 : i32
        %add3A_600 = vector.broadcast %add3A_599 : i32 to vector<16xi32>
        %add3A_601 = arith.addi %add3A_52, %add3A_600 : vector<16xi32>
        tpu.vector_store_idx %arg11[%add3A_601], %add3A_596 : memref<61440xi32, #tpu.memory_space<vmem>>[vector<16xi32>], vector<16xi32>,
        %mul3A_602 = arith.constant 0.491525412 : f32
        %mul3A_603 = vector.broadcast %mul3A_602 : f32 to vector<16xf32>
        %mul3A_604 = arith.mulf %sub3A, %mul3A_603 : vector<16xf32>
        %add3A_605 = arith.addf %convert_element_type3A, %mul3A_604 : vector<16xf32>
        %convert_element_type3A_606 = arith.fptosi %add3A_605 : vector<16xf32> to vector<16xi32>
        %mul3A_607 = arith.constant 0.491525412 : f32
        %mul3A_608 = vector.broadcast %mul3A_607 : f32 to vector<16xf32>
        %mul3A_609 = arith.mulf %sub3A_47, %mul3A_608 : vector<16xf32>
        %add3A_610 = arith.addf %convert_element_type3A_38, %mul3A_609 : vector<16xf32>
        %convert_element_type3A_611 = arith.fptosi %add3A_610 : vector<16xf32> to vector<16xi32>
        %shift_left3A_612 = arith.constant 7 : i32
        %shift_left3A_613 = vector.broadcast %shift_left3A_612 : i32 to vector<16xi32>
        %shift_left3A_614 = arith.shli %convert_element_type3A_606, %shift_left3A_613 : vector<16xi32>
        %add3A_615 = arith.addi %shift_left3A_614, %convert_element_type3A_611 : vector<16xi32>
        %gather3A_616 = tpu.vector_load_idx %arg7[%add3A_615] : memref<16384xf32, #tpu.memory_space<vmem>>[vector<16xi32>], vector<16xf32>,
        %add3A_617 = arith.addf %add3A_598, %gather3A_616 : vector<16xf32>
        %add3A_618 = arith.constant 29 : i32
        %add3A_619 = vector.broadcast %add3A_618 : i32 to vector<16xi32>
        %add3A_620 = arith.addi %add3A_52, %add3A_619 : vector<16xi32>
        tpu.vector_store_idx %arg11[%add3A_620], %add3A_615 : memref<61440xi32, #tpu.memory_space<vmem>>[vector<16xi32>], vector<16xi32>,
        %mul3A_621 = arith.constant 0.508474588 : f32
        %mul3A_622 = vector.broadcast %mul3A_621 : f32 to vector<16xf32>
        %mul3A_623 = arith.mulf %sub3A, %mul3A_622 : vector<16xf32>
        %add3A_624 = arith.addf %convert_element_type3A, %mul3A_623 : vector<16xf32>
        %convert_element_type3A_625 = arith.fptosi %add3A_624 : vector<16xf32> to vector<16xi32>
        %mul3A_626 = arith.constant 0.508474588 : f32
        %mul3A_627 = vector.broadcast %mul3A_626 : f32 to vector<16xf32>
        %mul3A_628 = arith.mulf %sub3A_47, %mul3A_627 : vector<16xf32>
        %add3A_629 = arith.addf %convert_element_type3A_38, %mul3A_628 : vector<16xf32>
        %convert_element_type3A_630 = arith.fptosi %add3A_629 : vector<16xf32> to vector<16xi32>
        %shift_left3A_631 = arith.constant 7 : i32
        %shift_left3A_632 = vector.broadcast %shift_left3A_631 : i32 to vector<16xi32>
        %shift_left3A_633 = arith.shli %convert_element_type3A_625, %shift_left3A_632 : vector<16xi32>
        %add3A_634 = arith.addi %shift_left3A_633, %convert_element_type3A_630 : vector<16xi32>
        %gather3A_635 = tpu.vector_load_idx %arg7[%add3A_634] : memref<16384xf32, #tpu.memory_space<vmem>>[vector<16xi32>], vector<16xf32>,
        %add3A_636 = arith.addf %add3A_617, %gather3A_635 : vector<16xf32>
        %add3A_637 = arith.constant 30 : i32
        %add3A_638 = vector.broadcast %add3A_637 : i32 to vector<16xi32>
        %add3A_639 = arith.addi %add3A_52, %add3A_638 : vector<16xi32>
        tpu.vector_store_idx %arg11[%add3A_639], %add3A_634 : memref<61440xi32, #tpu.memory_space<vmem>>[vector<16xi32>], vector<16xi32>,
        %mul3A_640 = arith.constant 0.525423706 : f32
        %mul3A_641 = vector.broadcast %mul3A_640 : f32 to vector<16xf32>
        %mul3A_642 = arith.mulf %sub3A, %mul3A_641 : vector<16xf32>
        %add3A_643 = arith.addf %convert_element_type3A, %mul3A_642 : vector<16xf32>
        %convert_element_type3A_644 = arith.fptosi %add3A_643 : vector<16xf32> to vector<16xi32>
        %mul3A_645 = arith.constant 0.525423706 : f32
        %mul3A_646 = vector.broadcast %mul3A_645 : f32 to vector<16xf32>
        %mul3A_647 = arith.mulf %sub3A_47, %mul3A_646 : vector<16xf32>
        %add3A_648 = arith.addf %convert_element_type3A_38, %mul3A_647 : vector<16xf32>
        %convert_element_type3A_649 = arith.fptosi %add3A_648 : vector<16xf32> to vector<16xi32>
        %shift_left3A_650 = arith.constant 7 : i32
        %shift_left3A_651 = vector.broadcast %shift_left3A_650 : i32 to vector<16xi32>
        %shift_left3A_652 = arith.shli %convert_element_type3A_644, %shift_left3A_651 : vector<16xi32>
        %add3A_653 = arith.addi %shift_left3A_652, %convert_element_type3A_649 : vector<16xi32>
        %gather3A_654 = tpu.vector_load_idx %arg7[%add3A_653] : memref<16384xf32, #tpu.memory_space<vmem>>[vector<16xi32>], vector<16xf32>,
        %add3A_655 = arith.addf %add3A_636, %gather3A_654 : vector<16xf32>
        %add3A_656 = arith.constant 31 : i32
        %add3A_657 = vector.broadcast %add3A_656 : i32 to vector<16xi32>
        %add3A_658 = arith.addi %add3A_52, %add3A_657 : vector<16xi32>
        tpu.vector_store_idx %arg11[%add3A_658], %add3A_653 : memref<61440xi32, #tpu.memory_space<vmem>>[vector<16xi32>], vector<16xi32>,
        %mul3A_659 = arith.constant 0.542372882 : f32
        %mul3A_660 = vector.broadcast %mul3A_659 : f32 to vector<16xf32>
        %mul3A_661 = arith.mulf %sub3A, %mul3A_660 : vector<16xf32>
        %add3A_662 = arith.addf %convert_element_type3A, %mul3A_661 : vector<16xf32>
        %convert_element_type3A_663 = arith.fptosi %add3A_662 : vector<16xf32> to vector<16xi32>
        %mul3A_664 = arith.constant 0.542372882 : f32
        %mul3A_665 = vector.broadcast %mul3A_664 : f32 to vector<16xf32>
        %mul3A_666 = arith.mulf %sub3A_47, %mul3A_665 : vector<16xf32>
        %add3A_667 = arith.addf %convert_element_type3A_38, %mul3A_666 : vector<16xf32>
        %convert_element_type3A_668 = arith.fptosi %add3A_667 : vector<16xf32> to vector<16xi32>
        %shift_left3A_669 = arith.constant 7 : i32
        %shift_left3A_670 = vector.broadcast %shift_left3A_669 : i32 to vector<16xi32>
        %shift_left3A_671 = arith.shli %convert_element_type3A_663, %shift_left3A_670 : vector<16xi32>
        %add3A_672 = arith.addi %shift_left3A_671, %convert_element_type3A_668 : vector<16xi32>
        %gather3A_673 = tpu.vector_load_idx %arg7[%add3A_672] : memref<16384xf32, #tpu.memory_space<vmem>>[vector<16xi32>], vector<16xf32>,
        %add3A_674 = arith.addf %add3A_655, %gather3A_673 : vector<16xf32>
        %add3A_675 = arith.constant 32 : i32
        %add3A_676 = vector.broadcast %add3A_675 : i32 to vector<16xi32>
        %add3A_677 = arith.addi %add3A_52, %add3A_676 : vector<16xi32>
        tpu.vector_store_idx %arg11[%add3A_677], %add3A_672 : memref<61440xi32, #tpu.memory_space<vmem>>[vector<16xi32>], vector<16xi32>,
        %mul3A_678 = arith.constant 0.559322059 : f32
        %mul3A_679 = vector.broadcast %mul3A_678 : f32 to vector<16xf32>
        %mul3A_680 = arith.mulf %sub3A, %mul3A_679 : vector<16xf32>
        %add3A_681 = arith.addf %convert_element_type3A, %mul3A_680 : vector<16xf32>
        %convert_element_type3A_682 = arith.fptosi %add3A_681 : vector<16xf32> to vector<16xi32>
        %mul3A_683 = arith.constant 0.559322059 : f32
        %mul3A_684 = vector.broadcast %mul3A_683 : f32 to vector<16xf32>
        %mul3A_685 = arith.mulf %sub3A_47, %mul3A_684 : vector<16xf32>
        %add3A_686 = arith.addf %convert_element_type3A_38, %mul3A_685 : vector<16xf32>
        %convert_element_type3A_687 = arith.fptosi %add3A_686 : vector<16xf32> to vector<16xi32>
        %shift_left3A_688 = arith.constant 7 : i32
        %shift_left3A_689 = vector.broadcast %shift_left3A_688 : i32 to vector<16xi32>
        %shift_left3A_690 = arith.shli %convert_element_type3A_682, %shift_left3A_689 : vector<16xi32>
        %add3A_691 = arith.addi %shift_left3A_690, %convert_element_type3A_687 : vector<16xi32>
        %gather3A_692 = tpu.vector_load_idx %arg7[%add3A_691] : memref<16384xf32, #tpu.memory_space<vmem>>[vector<16xi32>], vector<16xf32>,
        %add3A_693 = arith.addf %add3A_674, %gather3A_692 : vector<16xf32>
        %add3A_694 = arith.constant 33 : i32
        %add3A_695 = vector.broadcast %add3A_694 : i32 to vector<16xi32>
        %add3A_696 = arith.addi %add3A_52, %add3A_695 : vector<16xi32>
        tpu.vector_store_idx %arg11[%add3A_696], %add3A_691 : memref<61440xi32, #tpu.memory_space<vmem>>[vector<16xi32>], vector<16xi32>,
        %mul3A_697 = arith.constant 0.576271176 : f32
        %mul3A_698 = vector.broadcast %mul3A_697 : f32 to vector<16xf32>
        %mul3A_699 = arith.mulf %sub3A, %mul3A_698 : vector<16xf32>
        %add3A_700 = arith.addf %convert_element_type3A, %mul3A_699 : vector<16xf32>
        %convert_element_type3A_701 = arith.fptosi %add3A_700 : vector<16xf32> to vector<16xi32>
        %mul3A_702 = arith.constant 0.576271176 : f32
        %mul3A_703 = vector.broadcast %mul3A_702 : f32 to vector<16xf32>
        %mul3A_704 = arith.mulf %sub3A_47, %mul3A_703 : vector<16xf32>
        %add3A_705 = arith.addf %convert_element_type3A_38, %mul3A_704 : vector<16xf32>
        %convert_element_type3A_706 = arith.fptosi %add3A_705 : vector<16xf32> to vector<16xi32>
        %shift_left3A_707 = arith.constant 7 : i32
        %shift_left3A_708 = vector.broadcast %shift_left3A_707 : i32 to vector<16xi32>
        %shift_left3A_709 = arith.shli %convert_element_type3A_701, %shift_left3A_708 : vector<16xi32>
        %add3A_710 = arith.addi %shift_left3A_709, %convert_element_type3A_706 : vector<16xi32>
        %gather3A_711 = tpu.vector_load_idx %arg7[%add3A_710] : memref<16384xf32, #tpu.memory_space<vmem>>[vector<16xi32>], vector<16xf32>,
        %add3A_712 = arith.addf %add3A_693, %gather3A_711 : vector<16xf32>
        %add3A_713 = arith.constant 34 : i32
        %add3A_714 = vector.broadcast %add3A_713 : i32 to vector<16xi32>
        %add3A_715 = arith.addi %add3A_52, %add3A_714 : vector<16xi32>
        tpu.vector_store_idx %arg11[%add3A_715], %add3A_710 : memref<61440xi32, #tpu.memory_space<vmem>>[vector<16xi32>], vector<16xi32>,
        %mul3A_716 = arith.constant 0.593220353 : f32
        %mul3A_717 = vector.broadcast %mul3A_716 : f32 to vector<16xf32>
        %mul3A_718 = arith.mulf %sub3A, %mul3A_717 : vector<16xf32>
        %add3A_719 = arith.addf %convert_element_type3A, %mul3A_718 : vector<16xf32>
        %convert_element_type3A_720 = arith.fptosi %add3A_719 : vector<16xf32> to vector<16xi32>
        %mul3A_721 = arith.constant 0.593220353 : f32
        %mul3A_722 = vector.broadcast %mul3A_721 : f32 to vector<16xf32>
        %mul3A_723 = arith.mulf %sub3A_47, %mul3A_722 : vector<16xf32>
        %add3A_724 = arith.addf %convert_element_type3A_38, %mul3A_723 : vector<16xf32>
        %convert_element_type3A_725 = arith.fptosi %add3A_724 : vector<16xf32> to vector<16xi32>
        %shift_left3A_726 = arith.constant 7 : i32
        %shift_left3A_727 = vector.broadcast %shift_left3A_726 : i32 to vector<16xi32>
        %shift_left3A_728 = arith.shli %convert_element_type3A_720, %shift_left3A_727 : vector<16xi32>
        %add3A_729 = arith.addi %shift_left3A_728, %convert_element_type3A_725 : vector<16xi32>
        %gather3A_730 = tpu.vector_load_idx %arg7[%add3A_729] : memref<16384xf32, #tpu.memory_space<vmem>>[vector<16xi32>], vector<16xf32>,
        %add3A_731 = arith.addf %add3A_712, %gather3A_730 : vector<16xf32>
        %add3A_732 = arith.constant 35 : i32
        %add3A_733 = vector.broadcast %add3A_732 : i32 to vector<16xi32>
        %add3A_734 = arith.addi %add3A_52, %add3A_733 : vector<16xi32>
        tpu.vector_store_idx %arg11[%add3A_734], %add3A_729 : memref<61440xi32, #tpu.memory_space<vmem>>[vector<16xi32>], vector<16xi32>,
        %mul3A_735 = arith.constant 0.61016947 : f32
        %mul3A_736 = vector.broadcast %mul3A_735 : f32 to vector<16xf32>
        %mul3A_737 = arith.mulf %sub3A, %mul3A_736 : vector<16xf32>
        %add3A_738 = arith.addf %convert_element_type3A, %mul3A_737 : vector<16xf32>
        %convert_element_type3A_739 = arith.fptosi %add3A_738 : vector<16xf32> to vector<16xi32>
        %mul3A_740 = arith.constant 0.61016947 : f32
        %mul3A_741 = vector.broadcast %mul3A_740 : f32 to vector<16xf32>
        %mul3A_742 = arith.mulf %sub3A_47, %mul3A_741 : vector<16xf32>
        %add3A_743 = arith.addf %convert_element_type3A_38, %mul3A_742 : vector<16xf32>
        %convert_element_type3A_744 = arith.fptosi %add3A_743 : vector<16xf32> to vector<16xi32>
        %shift_left3A_745 = arith.constant 7 : i32
        %shift_left3A_746 = vector.broadcast %shift_left3A_745 : i32 to vector<16xi32>
        %shift_left3A_747 = arith.shli %convert_element_type3A_739, %shift_left3A_746 : vector<16xi32>
        %add3A_748 = arith.addi %shift_left3A_747, %convert_element_type3A_744 : vector<16xi32>
        %gather3A_749 = tpu.vector_load_idx %arg7[%add3A_748] : memref<16384xf32, #tpu.memory_space<vmem>>[vector<16xi32>], vector<16xf32>,
        %add3A_750 = arith.addf %add3A_731, %gather3A_749 : vector<16xf32>
        %add3A_751 = arith.constant 36 : i32
        %add3A_752 = vector.broadcast %add3A_751 : i32 to vector<16xi32>
        %add3A_753 = arith.addi %add3A_52, %add3A_752 : vector<16xi32>
        tpu.vector_store_idx %arg11[%add3A_753], %add3A_748 : memref<61440xi32, #tpu.memory_space<vmem>>[vector<16xi32>], vector<16xi32>,
        %mul3A_754 = arith.constant 0.627118647 : f32
        %mul3A_755 = vector.broadcast %mul3A_754 : f32 to vector<16xf32>
        %mul3A_756 = arith.mulf %sub3A, %mul3A_755 : vector<16xf32>
        %add3A_757 = arith.addf %convert_element_type3A, %mul3A_756 : vector<16xf32>
        %convert_element_type3A_758 = arith.fptosi %add3A_757 : vector<16xf32> to vector<16xi32>
        %mul3A_759 = arith.constant 0.627118647 : f32
        %mul3A_760 = vector.broadcast %mul3A_759 : f32 to vector<16xf32>
        %mul3A_761 = arith.mulf %sub3A_47, %mul3A_760 : vector<16xf32>
        %add3A_762 = arith.addf %convert_element_type3A_38, %mul3A_761 : vector<16xf32>
        %convert_element_type3A_763 = arith.fptosi %add3A_762 : vector<16xf32> to vector<16xi32>
        %shift_left3A_764 = arith.constant 7 : i32
        %shift_left3A_765 = vector.broadcast %shift_left3A_764 : i32 to vector<16xi32>
        %shift_left3A_766 = arith.shli %convert_element_type3A_758, %shift_left3A_765 : vector<16xi32>
        %add3A_767 = arith.addi %shift_left3A_766, %convert_element_type3A_763 : vector<16xi32>
        %gather3A_768 = tpu.vector_load_idx %arg7[%add3A_767] : memref<16384xf32, #tpu.memory_space<vmem>>[vector<16xi32>], vector<16xf32>,
        %add3A_769 = arith.addf %add3A_750, %gather3A_768 : vector<16xf32>
        %add3A_770 = arith.constant 37 : i32
        %add3A_771 = vector.broadcast %add3A_770 : i32 to vector<16xi32>
        %add3A_772 = arith.addi %add3A_52, %add3A_771 : vector<16xi32>
        tpu.vector_store_idx %arg11[%add3A_772], %add3A_767 : memref<61440xi32, #tpu.memory_space<vmem>>[vector<16xi32>], vector<16xi32>,
        %mul3A_773 = arith.constant 0.644067823 : f32
        %mul3A_774 = vector.broadcast %mul3A_773 : f32 to vector<16xf32>
        %mul3A_775 = arith.mulf %sub3A, %mul3A_774 : vector<16xf32>
        %add3A_776 = arith.addf %convert_element_type3A, %mul3A_775 : vector<16xf32>
        %convert_element_type3A_777 = arith.fptosi %add3A_776 : vector<16xf32> to vector<16xi32>
        %mul3A_778 = arith.constant 0.644067823 : f32
        %mul3A_779 = vector.broadcast %mul3A_778 : f32 to vector<16xf32>
        %mul3A_780 = arith.mulf %sub3A_47, %mul3A_779 : vector<16xf32>
        %add3A_781 = arith.addf %convert_element_type3A_38, %mul3A_780 : vector<16xf32>
        %convert_element_type3A_782 = arith.fptosi %add3A_781 : vector<16xf32> to vector<16xi32>
        %shift_left3A_783 = arith.constant 7 : i32
        %shift_left3A_784 = vector.broadcast %shift_left3A_783 : i32 to vector<16xi32>
        %shift_left3A_785 = arith.shli %convert_element_type3A_777, %shift_left3A_784 : vector<16xi32>
        %add3A_786 = arith.addi %shift_left3A_785, %convert_element_type3A_782 : vector<16xi32>
        %gather3A_787 = tpu.vector_load_idx %arg7[%add3A_786] : memref<16384xf32, #tpu.memory_space<vmem>>[vector<16xi32>], vector<16xf32>,
        %add3A_788 = arith.addf %add3A_769, %gather3A_787 : vector<16xf32>
        %add3A_789 = arith.constant 38 : i32
        %add3A_790 = vector.broadcast %add3A_789 : i32 to vector<16xi32>
        %add3A_791 = arith.addi %add3A_52, %add3A_790 : vector<16xi32>
        tpu.vector_store_idx %arg11[%add3A_791], %add3A_786 : memref<61440xi32, #tpu.memory_space<vmem>>[vector<16xi32>], vector<16xi32>,
        %mul3A_792 = arith.constant 0.661016941 : f32
        %mul3A_793 = vector.broadcast %mul3A_792 : f32 to vector<16xf32>
        %mul3A_794 = arith.mulf %sub3A, %mul3A_793 : vector<16xf32>
        %add3A_795 = arith.addf %convert_element_type3A, %mul3A_794 : vector<16xf32>
        %convert_element_type3A_796 = arith.fptosi %add3A_795 : vector<16xf32> to vector<16xi32>
        %mul3A_797 = arith.constant 0.661016941 : f32
        %mul3A_798 = vector.broadcast %mul3A_797 : f32 to vector<16xf32>
        %mul3A_799 = arith.mulf %sub3A_47, %mul3A_798 : vector<16xf32>
        %add3A_800 = arith.addf %convert_element_type3A_38, %mul3A_799 : vector<16xf32>
        %convert_element_type3A_801 = arith.fptosi %add3A_800 : vector<16xf32> to vector<16xi32>
        %shift_left3A_802 = arith.constant 7 : i32
        %shift_left3A_803 = vector.broadcast %shift_left3A_802 : i32 to vector<16xi32>
        %shift_left3A_804 = arith.shli %convert_element_type3A_796, %shift_left3A_803 : vector<16xi32>
        %add3A_805 = arith.addi %shift_left3A_804, %convert_element_type3A_801 : vector<16xi32>
        %gather3A_806 = tpu.vector_load_idx %arg7[%add3A_805] : memref<16384xf32, #tpu.memory_space<vmem>>[vector<16xi32>], vector<16xf32>,
        %add3A_807 = arith.addf %add3A_788, %gather3A_806 : vector<16xf32>
        %add3A_808 = arith.constant 39 : i32
        %add3A_809 = vector.broadcast %add3A_808 : i32 to vector<16xi32>
        %add3A_810 = arith.addi %add3A_52, %add3A_809 : vector<16xi32>
        tpu.vector_store_idx %arg11[%add3A_810], %add3A_805 : memref<61440xi32, #tpu.memory_space<vmem>>[vector<16xi32>], vector<16xi32>,
        %mul3A_811 = arith.constant 0.677966118 : f32
        %mul3A_812 = vector.broadcast %mul3A_811 : f32 to vector<16xf32>
        %mul3A_813 = arith.mulf %sub3A, %mul3A_812 : vector<16xf32>
        %add3A_814 = arith.addf %convert_element_type3A, %mul3A_813 : vector<16xf32>
        %convert_element_type3A_815 = arith.fptosi %add3A_814 : vector<16xf32> to vector<16xi32>
        %mul3A_816 = arith.constant 0.677966118 : f32
        %mul3A_817 = vector.broadcast %mul3A_816 : f32 to vector<16xf32>
        %mul3A_818 = arith.mulf %sub3A_47, %mul3A_817 : vector<16xf32>
        %add3A_819 = arith.addf %convert_element_type3A_38, %mul3A_818 : vector<16xf32>
        %convert_element_type3A_820 = arith.fptosi %add3A_819 : vector<16xf32> to vector<16xi32>
        %shift_left3A_821 = arith.constant 7 : i32
        %shift_left3A_822 = vector.broadcast %shift_left3A_821 : i32 to vector<16xi32>
        %shift_left3A_823 = arith.shli %convert_element_type3A_815, %shift_left3A_822 : vector<16xi32>
        %add3A_824 = arith.addi %shift_left3A_823, %convert_element_type3A_820 : vector<16xi32>
        %gather3A_825 = tpu.vector_load_idx %arg7[%add3A_824] : memref<16384xf32, #tpu.memory_space<vmem>>[vector<16xi32>], vector<16xf32>,
        %add3A_826 = arith.addf %add3A_807, %gather3A_825 : vector<16xf32>
        %add3A_827 = arith.constant 40 : i32
        %add3A_828 = vector.broadcast %add3A_827 : i32 to vector<16xi32>
        %add3A_829 = arith.addi %add3A_52, %add3A_828 : vector<16xi32>
        tpu.vector_store_idx %arg11[%add3A_829], %add3A_824 : memref<61440xi32, #tpu.memory_space<vmem>>[vector<16xi32>], vector<16xi32>,
        %mul3A_830 = arith.constant 0.694915235 : f32
        %mul3A_831 = vector.broadcast %mul3A_830 : f32 to vector<16xf32>
        %mul3A_832 = arith.mulf %sub3A, %mul3A_831 : vector<16xf32>
        %add3A_833 = arith.addf %convert_element_type3A, %mul3A_832 : vector<16xf32>
        %convert_element_type3A_834 = arith.fptosi %add3A_833 : vector<16xf32> to vector<16xi32>
        %mul3A_835 = arith.constant 0.694915235 : f32
        %mul3A_836 = vector.broadcast %mul3A_835 : f32 to vector<16xf32>
        %mul3A_837 = arith.mulf %sub3A_47, %mul3A_836 : vector<16xf32>
        %add3A_838 = arith.addf %convert_element_type3A_38, %mul3A_837 : vector<16xf32>
        %convert_element_type3A_839 = arith.fptosi %add3A_838 : vector<16xf32> to vector<16xi32>
        %shift_left3A_840 = arith.constant 7 : i32
        %shift_left3A_841 = vector.broadcast %shift_left3A_840 : i32 to vector<16xi32>
        %shift_left3A_842 = arith.shli %convert_element_type3A_834, %shift_left3A_841 : vector<16xi32>
        %add3A_843 = arith.addi %shift_left3A_842, %convert_element_type3A_839 : vector<16xi32>
        %gather3A_844 = tpu.vector_load_idx %arg7[%add3A_843] : memref<16384xf32, #tpu.memory_space<vmem>>[vector<16xi32>], vector<16xf32>,
        %add3A_845 = arith.addf %add3A_826, %gather3A_844 : vector<16xf32>
        %add3A_846 = arith.constant 41 : i32
        %add3A_847 = vector.broadcast %add3A_846 : i32 to vector<16xi32>
        %add3A_848 = arith.addi %add3A_52, %add3A_847 : vector<16xi32>
        tpu.vector_store_idx %arg11[%add3A_848], %add3A_843 : memref<61440xi32, #tpu.memory_space<vmem>>[vector<16xi32>], vector<16xi32>,
        %mul3A_849 = arith.constant 0.711864411 : f32
        %mul3A_850 = vector.broadcast %mul3A_849 : f32 to vector<16xf32>
        %mul3A_851 = arith.mulf %sub3A, %mul3A_850 : vector<16xf32>
        %add3A_852 = arith.addf %convert_element_type3A, %mul3A_851 : vector<16xf32>
        %convert_element_type3A_853 = arith.fptosi %add3A_852 : vector<16xf32> to vector<16xi32>
        %mul3A_854 = arith.constant 0.711864411 : f32
        %mul3A_855 = vector.broadcast %mul3A_854 : f32 to vector<16xf32>
        %mul3A_856 = arith.mulf %sub3A_47, %mul3A_855 : vector<16xf32>
        %add3A_857 = arith.addf %convert_element_type3A_38, %mul3A_856 : vector<16xf32>
        %convert_element_type3A_858 = arith.fptosi %add3A_857 : vector<16xf32> to vector<16xi32>
        %shift_left3A_859 = arith.constant 7 : i32
        %shift_left3A_860 = vector.broadcast %shift_left3A_859 : i32 to vector<16xi32>
        %shift_left3A_861 = arith.shli %convert_element_type3A_853, %shift_left3A_860 : vector<16xi32>
        %add3A_862 = arith.addi %shift_left3A_861, %convert_element_type3A_858 : vector<16xi32>
        %gather3A_863 = tpu.vector_load_idx %arg7[%add3A_862] : memref<16384xf32, #tpu.memory_space<vmem>>[vector<16xi32>], vector<16xf32>,
        %add3A_864 = arith.addf %add3A_845, %gather3A_863 : vector<16xf32>
        %add3A_865 = arith.constant 42 : i32
        %add3A_866 = vector.broadcast %add3A_865 : i32 to vector<16xi32>
        %add3A_867 = arith.addi %add3A_52, %add3A_866 : vector<16xi32>
        tpu.vector_store_idx %arg11[%add3A_867], %add3A_862 : memref<61440xi32, #tpu.memory_space<vmem>>[vector<16xi32>], vector<16xi32>,
        %mul3A_868 = arith.constant 0.728813588 : f32
        %mul3A_869 = vector.broadcast %mul3A_868 : f32 to vector<16xf32>
        %mul3A_870 = arith.mulf %sub3A, %mul3A_869 : vector<16xf32>
        %add3A_871 = arith.addf %convert_element_type3A, %mul3A_870 : vector<16xf32>
        %convert_element_type3A_872 = arith.fptosi %add3A_871 : vector<16xf32> to vector<16xi32>
        %mul3A_873 = arith.constant 0.728813588 : f32
        %mul3A_874 = vector.broadcast %mul3A_873 : f32 to vector<16xf32>
        %mul3A_875 = arith.mulf %sub3A_47, %mul3A_874 : vector<16xf32>
        %add3A_876 = arith.addf %convert_element_type3A_38, %mul3A_875 : vector<16xf32>
        %convert_element_type3A_877 = arith.fptosi %add3A_876 : vector<16xf32> to vector<16xi32>
        %shift_left3A_878 = arith.constant 7 : i32
        %shift_left3A_879 = vector.broadcast %shift_left3A_878 : i32 to vector<16xi32>
        %shift_left3A_880 = arith.shli %convert_element_type3A_872, %shift_left3A_879 : vector<16xi32>
        %add3A_881 = arith.addi %shift_left3A_880, %convert_element_type3A_877 : vector<16xi32>
        %gather3A_882 = tpu.vector_load_idx %arg7[%add3A_881] : memref<16384xf32, #tpu.memory_space<vmem>>[vector<16xi32>], vector<16xf32>,
        %add3A_883 = arith.addf %add3A_864, %gather3A_882 : vector<16xf32>
        %add3A_884 = arith.constant 43 : i32
        %add3A_885 = vector.broadcast %add3A_884 : i32 to vector<16xi32>
        %add3A_886 = arith.addi %add3A_52, %add3A_885 : vector<16xi32>
        tpu.vector_store_idx %arg11[%add3A_886], %add3A_881 : memref<61440xi32, #tpu.memory_space<vmem>>[vector<16xi32>], vector<16xi32>,
        %mul3A_887 = arith.constant 0.745762706 : f32
        %mul3A_888 = vector.broadcast %mul3A_887 : f32 to vector<16xf32>
        %mul3A_889 = arith.mulf %sub3A, %mul3A_888 : vector<16xf32>
        %add3A_890 = arith.addf %convert_element_type3A, %mul3A_889 : vector<16xf32>
        %convert_element_type3A_891 = arith.fptosi %add3A_890 : vector<16xf32> to vector<16xi32>
        %mul3A_892 = arith.constant 0.745762706 : f32
        %mul3A_893 = vector.broadcast %mul3A_892 : f32 to vector<16xf32>
        %mul3A_894 = arith.mulf %sub3A_47, %mul3A_893 : vector<16xf32>
        %add3A_895 = arith.addf %convert_element_type3A_38, %mul3A_894 : vector<16xf32>
        %convert_element_type3A_896 = arith.fptosi %add3A_895 : vector<16xf32> to vector<16xi32>
        %shift_left3A_897 = arith.constant 7 : i32
        %shift_left3A_898 = vector.broadcast %shift_left3A_897 : i32 to vector<16xi32>
        %shift_left3A_899 = arith.shli %convert_element_type3A_891, %shift_left3A_898 : vector<16xi32>
        %add3A_900 = arith.addi %shift_left3A_899, %convert_element_type3A_896 : vector<16xi32>
        %gather3A_901 = tpu.vector_load_idx %arg7[%add3A_900] : memref<16384xf32, #tpu.memory_space<vmem>>[vector<16xi32>], vector<16xf32>,
        %add3A_902 = arith.addf %add3A_883, %gather3A_901 : vector<16xf32>
        %add3A_903 = arith.constant 44 : i32
        %add3A_904 = vector.broadcast %add3A_903 : i32 to vector<16xi32>
        %add3A_905 = arith.addi %add3A_52, %add3A_904 : vector<16xi32>
        tpu.vector_store_idx %arg11[%add3A_905], %add3A_900 : memref<61440xi32, #tpu.memory_space<vmem>>[vector<16xi32>], vector<16xi32>,
        %mul3A_906 = arith.constant 0.762711882 : f32
        %mul3A_907 = vector.broadcast %mul3A_906 : f32 to vector<16xf32>
        %mul3A_908 = arith.mulf %sub3A, %mul3A_907 : vector<16xf32>
        %add3A_909 = arith.addf %convert_element_type3A, %mul3A_908 : vector<16xf32>
        %convert_element_type3A_910 = arith.fptosi %add3A_909 : vector<16xf32> to vector<16xi32>
        %mul3A_911 = arith.constant 0.762711882 : f32
        %mul3A_912 = vector.broadcast %mul3A_911 : f32 to vector<16xf32>
        %mul3A_913 = arith.mulf %sub3A_47, %mul3A_912 : vector<16xf32>
        %add3A_914 = arith.addf %convert_element_type3A_38, %mul3A_913 : vector<16xf32>
        %convert_element_type3A_915 = arith.fptosi %add3A_914 : vector<16xf32> to vector<16xi32>
        %shift_left3A_916 = arith.constant 7 : i32
        %shift_left3A_917 = vector.broadcast %shift_left3A_916 : i32 to vector<16xi32>
        %shift_left3A_918 = arith.shli %convert_element_type3A_910, %shift_left3A_917 : vector<16xi32>
        %add3A_919 = arith.addi %shift_left3A_918, %convert_element_type3A_915 : vector<16xi32>
        %gather3A_920 = tpu.vector_load_idx %arg7[%add3A_919] : memref<16384xf32, #tpu.memory_space<vmem>>[vector<16xi32>], vector<16xf32>,
        %add3A_921 = arith.addf %add3A_902, %gather3A_920 : vector<16xf32>
        %add3A_922 = arith.constant 45 : i32
        %add3A_923 = vector.broadcast %add3A_922 : i32 to vector<16xi32>
        %add3A_924 = arith.addi %add3A_52, %add3A_923 : vector<16xi32>
        tpu.vector_store_idx %arg11[%add3A_924], %add3A_919 : memref<61440xi32, #tpu.memory_space<vmem>>[vector<16xi32>], vector<16xi32>,
        %mul3A_925 = arith.constant 0.779660999 : f32
        %mul3A_926 = vector.broadcast %mul3A_925 : f32 to vector<16xf32>
        %mul3A_927 = arith.mulf %sub3A, %mul3A_926 : vector<16xf32>
        %add3A_928 = arith.addf %convert_element_type3A, %mul3A_927 : vector<16xf32>
        %convert_element_type3A_929 = arith.fptosi %add3A_928 : vector<16xf32> to vector<16xi32>
        %mul3A_930 = arith.constant 0.779660999 : f32
        %mul3A_931 = vector.broadcast %mul3A_930 : f32 to vector<16xf32>
        %mul3A_932 = arith.mulf %sub3A_47, %mul3A_931 : vector<16xf32>
        %add3A_933 = arith.addf %convert_element_type3A_38, %mul3A_932 : vector<16xf32>
        %convert_element_type3A_934 = arith.fptosi %add3A_933 : vector<16xf32> to vector<16xi32>
        %shift_left3A_935 = arith.constant 7 : i32
        %shift_left3A_936 = vector.broadcast %shift_left3A_935 : i32 to vector<16xi32>
        %shift_left3A_937 = arith.shli %convert_element_type3A_929, %shift_left3A_936 : vector<16xi32>
        %add3A_938 = arith.addi %shift_left3A_937, %convert_element_type3A_934 : vector<16xi32>
        %gather3A_939 = tpu.vector_load_idx %arg7[%add3A_938] : memref<16384xf32, #tpu.memory_space<vmem>>[vector<16xi32>], vector<16xf32>,
        %add3A_940 = arith.addf %add3A_921, %gather3A_939 : vector<16xf32>
        %add3A_941 = arith.constant 46 : i32
        %add3A_942 = vector.broadcast %add3A_941 : i32 to vector<16xi32>
        %add3A_943 = arith.addi %add3A_52, %add3A_942 : vector<16xi32>
        tpu.vector_store_idx %arg11[%add3A_943], %add3A_938 : memref<61440xi32, #tpu.memory_space<vmem>>[vector<16xi32>], vector<16xi32>,
        %mul3A_944 = arith.constant 0.796610176 : f32
        %mul3A_945 = vector.broadcast %mul3A_944 : f32 to vector<16xf32>
        %mul3A_946 = arith.mulf %sub3A, %mul3A_945 : vector<16xf32>
        %add3A_947 = arith.addf %convert_element_type3A, %mul3A_946 : vector<16xf32>
        %convert_element_type3A_948 = arith.fptosi %add3A_947 : vector<16xf32> to vector<16xi32>
        %mul3A_949 = arith.constant 0.796610176 : f32
        %mul3A_950 = vector.broadcast %mul3A_949 : f32 to vector<16xf32>
        %mul3A_951 = arith.mulf %sub3A_47, %mul3A_950 : vector<16xf32>
        %add3A_952 = arith.addf %convert_element_type3A_38, %mul3A_951 : vector<16xf32>
        %convert_element_type3A_953 = arith.fptosi %add3A_952 : vector<16xf32> to vector<16xi32>
        %shift_left3A_954 = arith.constant 7 : i32
        %shift_left3A_955 = vector.broadcast %shift_left3A_954 : i32 to vector<16xi32>
        %shift_left3A_956 = arith.shli %convert_element_type3A_948, %shift_left3A_955 : vector<16xi32>
        %add3A_957 = arith.addi %shift_left3A_956, %convert_element_type3A_953 : vector<16xi32>
        %gather3A_958 = tpu.vector_load_idx %arg7[%add3A_957] : memref<16384xf32, #tpu.memory_space<vmem>>[vector<16xi32>], vector<16xf32>,
        %add3A_959 = arith.addf %add3A_940, %gather3A_958 : vector<16xf32>
        %add3A_960 = arith.constant 47 : i32
        %add3A_961 = vector.broadcast %add3A_960 : i32 to vector<16xi32>
        %add3A_962 = arith.addi %add3A_52, %add3A_961 : vector<16xi32>
        tpu.vector_store_idx %arg11[%add3A_962], %add3A_957 : memref<61440xi32, #tpu.memory_space<vmem>>[vector<16xi32>], vector<16xi32>,
        %mul3A_963 = arith.constant 0.813559294 : f32
        %mul3A_964 = vector.broadcast %mul3A_963 : f32 to vector<16xf32>
        %mul3A_965 = arith.mulf %sub3A, %mul3A_964 : vector<16xf32>
        %add3A_966 = arith.addf %convert_element_type3A, %mul3A_965 : vector<16xf32>
        %convert_element_type3A_967 = arith.fptosi %add3A_966 : vector<16xf32> to vector<16xi32>
        %mul3A_968 = arith.constant 0.813559294 : f32
        %mul3A_969 = vector.broadcast %mul3A_968 : f32 to vector<16xf32>
        %mul3A_970 = arith.mulf %sub3A_47, %mul3A_969 : vector<16xf32>
        %add3A_971 = arith.addf %convert_element_type3A_38, %mul3A_970 : vector<16xf32>
        %convert_element_type3A_972 = arith.fptosi %add3A_971 : vector<16xf32> to vector<16xi32>
        %shift_left3A_973 = arith.constant 7 : i32
        %shift_left3A_974 = vector.broadcast %shift_left3A_973 : i32 to vector<16xi32>
        %shift_left3A_975 = arith.shli %convert_element_type3A_967, %shift_left3A_974 : vector<16xi32>
        %add3A_976 = arith.addi %shift_left3A_975, %convert_element_type3A_972 : vector<16xi32>
        %gather3A_977 = tpu.vector_load_idx %arg7[%add3A_976] : memref<16384xf32, #tpu.memory_space<vmem>>[vector<16xi32>], vector<16xf32>,
        %add3A_978 = arith.addf %add3A_959, %gather3A_977 : vector<16xf32>
        %add3A_979 = arith.constant 48 : i32
        %add3A_980 = vector.broadcast %add3A_979 : i32 to vector<16xi32>
        %add3A_981 = arith.addi %add3A_52, %add3A_980 : vector<16xi32>
        tpu.vector_store_idx %arg11[%add3A_981], %add3A_976 : memref<61440xi32, #tpu.memory_space<vmem>>[vector<16xi32>], vector<16xi32>,
        %mul3A_982 = arith.constant 0.830508471 : f32
        %mul3A_983 = vector.broadcast %mul3A_982 : f32 to vector<16xf32>
        %mul3A_984 = arith.mulf %sub3A, %mul3A_983 : vector<16xf32>
        %add3A_985 = arith.addf %convert_element_type3A, %mul3A_984 : vector<16xf32>
        %convert_element_type3A_986 = arith.fptosi %add3A_985 : vector<16xf32> to vector<16xi32>
        %mul3A_987 = arith.constant 0.830508471 : f32
        %mul3A_988 = vector.broadcast %mul3A_987 : f32 to vector<16xf32>
        %mul3A_989 = arith.mulf %sub3A_47, %mul3A_988 : vector<16xf32>
        %add3A_990 = arith.addf %convert_element_type3A_38, %mul3A_989 : vector<16xf32>
        %convert_element_type3A_991 = arith.fptosi %add3A_990 : vector<16xf32> to vector<16xi32>
        %shift_left3A_992 = arith.constant 7 : i32
        %shift_left3A_993 = vector.broadcast %shift_left3A_992 : i32 to vector<16xi32>
        %shift_left3A_994 = arith.shli %convert_element_type3A_986, %shift_left3A_993 : vector<16xi32>
        %add3A_995 = arith.addi %shift_left3A_994, %convert_element_type3A_991 : vector<16xi32>
        %gather3A_996 = tpu.vector_load_idx %arg7[%add3A_995] : memref<16384xf32, #tpu.memory_space<vmem>>[vector<16xi32>], vector<16xf32>,
        %add3A_997 = arith.addf %add3A_978, %gather3A_996 : vector<16xf32>
        %add3A_998 = arith.constant 49 : i32
        %add3A_999 = vector.broadcast %add3A_998 : i32 to vector<16xi32>
        %add3A_1000 = arith.addi %add3A_52, %add3A_999 : vector<16xi32>
        tpu.vector_store_idx %arg11[%add3A_1000], %add3A_995 : memref<61440xi32, #tpu.memory_space<vmem>>[vector<16xi32>], vector<16xi32>,
        %mul3A_1001 = arith.constant 0.847457647 : f32
        %mul3A_1002 = vector.broadcast %mul3A_1001 : f32 to vector<16xf32>
        %mul3A_1003 = arith.mulf %sub3A, %mul3A_1002 : vector<16xf32>
        %add3A_1004 = arith.addf %convert_element_type3A, %mul3A_1003 : vector<16xf32>
        %convert_element_type3A_1005 = arith.fptosi %add3A_1004 : vector<16xf32> to vector<16xi32>
        %mul3A_1006 = arith.constant 0.847457647 : f32
        %mul3A_1007 = vector.broadcast %mul3A_1006 : f32 to vector<16xf32>
        %mul3A_1008 = arith.mulf %sub3A_47, %mul3A_1007 : vector<16xf32>
        %add3A_1009 = arith.addf %convert_element_type3A_38, %mul3A_1008 : vector<16xf32>
        %convert_element_type3A_1010 = arith.fptosi %add3A_1009 : vector<16xf32> to vector<16xi32>
        %shift_left3A_1011 = arith.constant 7 : i32
        %shift_left3A_1012 = vector.broadcast %shift_left3A_1011 : i32 to vector<16xi32>
        %shift_left3A_1013 = arith.shli %convert_element_type3A_1005, %shift_left3A_1012 : vector<16xi32>
        %add3A_1014 = arith.addi %shift_left3A_1013, %convert_element_type3A_1010 : vector<16xi32>
        %gather3A_1015 = tpu.vector_load_idx %arg7[%add3A_1014] : memref<16384xf32, #tpu.memory_space<vmem>>[vector<16xi32>], vector<16xf32>,
        %add3A_1016 = arith.addf %add3A_997, %gather3A_1015 : vector<16xf32>
        %add3A_1017 = arith.constant 50 : i32
        %add3A_1018 = vector.broadcast %add3A_1017 : i32 to vector<16xi32>
        %add3A_1019 = arith.addi %add3A_52, %add3A_1018 : vector<16xi32>
        tpu.vector_store_idx %arg11[%add3A_1019], %add3A_1014 : memref<61440xi32, #tpu.memory_space<vmem>>[vector<16xi32>], vector<16xi32>,
        %mul3A_1020 = arith.constant 0.864406764 : f32
        %mul3A_1021 = vector.broadcast %mul3A_1020 : f32 to vector<16xf32>
        %mul3A_1022 = arith.mulf %sub3A, %mul3A_1021 : vector<16xf32>
        %add3A_1023 = arith.addf %convert_element_type3A, %mul3A_1022 : vector<16xf32>
        %convert_element_type3A_1024 = arith.fptosi %add3A_1023 : vector<16xf32> to vector<16xi32>
        %mul3A_1025 = arith.constant 0.864406764 : f32
        %mul3A_1026 = vector.broadcast %mul3A_1025 : f32 to vector<16xf32>
        %mul3A_1027 = arith.mulf %sub3A_47, %mul3A_1026 : vector<16xf32>
        %add3A_1028 = arith.addf %convert_element_type3A_38, %mul3A_1027 : vector<16xf32>
        %convert_element_type3A_1029 = arith.fptosi %add3A_1028 : vector<16xf32> to vector<16xi32>
        %shift_left3A_1030 = arith.constant 7 : i32
        %shift_left3A_1031 = vector.broadcast %shift_left3A_1030 : i32 to vector<16xi32>
        %shift_left3A_1032 = arith.shli %convert_element_type3A_1024, %shift_left3A_1031 : vector<16xi32>
        %add3A_1033 = arith.addi %shift_left3A_1032, %convert_element_type3A_1029 : vector<16xi32>
        %gather3A_1034 = tpu.vector_load_idx %arg7[%add3A_1033] : memref<16384xf32, #tpu.memory_space<vmem>>[vector<16xi32>], vector<16xf32>,
        %add3A_1035 = arith.addf %add3A_1016, %gather3A_1034 : vector<16xf32>
        %add3A_1036 = arith.constant 51 : i32
        %add3A_1037 = vector.broadcast %add3A_1036 : i32 to vector<16xi32>
        %add3A_1038 = arith.addi %add3A_52, %add3A_1037 : vector<16xi32>
        tpu.vector_store_idx %arg11[%add3A_1038], %add3A_1033 : memref<61440xi32, #tpu.memory_space<vmem>>[vector<16xi32>], vector<16xi32>,
        %mul3A_1039 = arith.constant 0.881355941 : f32
        %mul3A_1040 = vector.broadcast %mul3A_1039 : f32 to vector<16xf32>
        %mul3A_1041 = arith.mulf %sub3A, %mul3A_1040 : vector<16xf32>
        %add3A_1042 = arith.addf %convert_element_type3A, %mul3A_1041 : vector<16xf32>
        %convert_element_type3A_1043 = arith.fptosi %add3A_1042 : vector<16xf32> to vector<16xi32>
        %mul3A_1044 = arith.constant 0.881355941 : f32
        %mul3A_1045 = vector.broadcast %mul3A_1044 : f32 to vector<16xf32>
        %mul3A_1046 = arith.mulf %sub3A_47, %mul3A_1045 : vector<16xf32>
        %add3A_1047 = arith.addf %convert_element_type3A_38, %mul3A_1046 : vector<16xf32>
        %convert_element_type3A_1048 = arith.fptosi %add3A_1047 : vector<16xf32> to vector<16xi32>
        %shift_left3A_1049 = arith.constant 7 : i32
        %shift_left3A_1050 = vector.broadcast %shift_left3A_1049 : i32 to vector<16xi32>
        %shift_left3A_1051 = arith.shli %convert_element_type3A_1043, %shift_left3A_1050 : vector<16xi32>
        %add3A_1052 = arith.addi %shift_left3A_1051, %convert_element_type3A_1048 : vector<16xi32>
        %gather3A_1053 = tpu.vector_load_idx %arg7[%add3A_1052] : memref<16384xf32, #tpu.memory_space<vmem>>[vector<16xi32>], vector<16xf32>,
        %add3A_1054 = arith.addf %add3A_1035, %gather3A_1053 : vector<16xf32>
        %add3A_1055 = arith.constant 52 : i32
        %add3A_1056 = vector.broadcast %add3A_1055 : i32 to vector<16xi32>
        %add3A_1057 = arith.addi %add3A_52, %add3A_1056 : vector<16xi32>
        tpu.vector_store_idx %arg11[%add3A_1057], %add3A_1052 : memref<61440xi32, #tpu.memory_space<vmem>>[vector<16xi32>], vector<16xi32>,
        %mul3A_1058 = arith.constant 0.898305058 : f32
        %mul3A_1059 = vector.broadcast %mul3A_1058 : f32 to vector<16xf32>
        %mul3A_1060 = arith.mulf %sub3A, %mul3A_1059 : vector<16xf32>
        %add3A_1061 = arith.addf %convert_element_type3A, %mul3A_1060 : vector<16xf32>
        %convert_element_type3A_1062 = arith.fptosi %add3A_1061 : vector<16xf32> to vector<16xi32>
        %mul3A_1063 = arith.constant 0.898305058 : f32
        %mul3A_1064 = vector.broadcast %mul3A_1063 : f32 to vector<16xf32>
        %mul3A_1065 = arith.mulf %sub3A_47, %mul3A_1064 : vector<16xf32>
        %add3A_1066 = arith.addf %convert_element_type3A_38, %mul3A_1065 : vector<16xf32>
        %convert_element_type3A_1067 = arith.fptosi %add3A_1066 : vector<16xf32> to vector<16xi32>
        %shift_left3A_1068 = arith.constant 7 : i32
        %shift_left3A_1069 = vector.broadcast %shift_left3A_1068 : i32 to vector<16xi32>
        %shift_left3A_1070 = arith.shli %convert_element_type3A_1062, %shift_left3A_1069 : vector<16xi32>
        %add3A_1071 = arith.addi %shift_left3A_1070, %convert_element_type3A_1067 : vector<16xi32>
        %gather3A_1072 = tpu.vector_load_idx %arg7[%add3A_1071] : memref<16384xf32, #tpu.memory_space<vmem>>[vector<16xi32>], vector<16xf32>,
        %add3A_1073 = arith.addf %add3A_1054, %gather3A_1072 : vector<16xf32>
        %add3A_1074 = arith.constant 53 : i32
        %add3A_1075 = vector.broadcast %add3A_1074 : i32 to vector<16xi32>
        %add3A_1076 = arith.addi %add3A_52, %add3A_1075 : vector<16xi32>
        tpu.vector_store_idx %arg11[%add3A_1076], %add3A_1071 : memref<61440xi32, #tpu.memory_space<vmem>>[vector<16xi32>], vector<16xi32>,
        %mul3A_1077 = arith.constant 0.915254235 : f32
        %mul3A_1078 = vector.broadcast %mul3A_1077 : f32 to vector<16xf32>
        %mul3A_1079 = arith.mulf %sub3A, %mul3A_1078 : vector<16xf32>
        %add3A_1080 = arith.addf %convert_element_type3A, %mul3A_1079 : vector<16xf32>
        %convert_element_type3A_1081 = arith.fptosi %add3A_1080 : vector<16xf32> to vector<16xi32>
        %mul3A_1082 = arith.constant 0.915254235 : f32
        %mul3A_1083 = vector.broadcast %mul3A_1082 : f32 to vector<16xf32>
        %mul3A_1084 = arith.mulf %sub3A_47, %mul3A_1083 : vector<16xf32>
        %add3A_1085 = arith.addf %convert_element_type3A_38, %mul3A_1084 : vector<16xf32>
        %convert_element_type3A_1086 = arith.fptosi %add3A_1085 : vector<16xf32> to vector<16xi32>
        %shift_left3A_1087 = arith.constant 7 : i32
        %shift_left3A_1088 = vector.broadcast %shift_left3A_1087 : i32 to vector<16xi32>
        %shift_left3A_1089 = arith.shli %convert_element_type3A_1081, %shift_left3A_1088 : vector<16xi32>
        %add3A_1090 = arith.addi %shift_left3A_1089, %convert_element_type3A_1086 : vector<16xi32>
        %gather3A_1091 = tpu.vector_load_idx %arg7[%add3A_1090] : memref<16384xf32, #tpu.memory_space<vmem>>[vector<16xi32>], vector<16xf32>,
        %add3A_1092 = arith.addf %add3A_1073, %gather3A_1091 : vector<16xf32>
        %add3A_1093 = arith.constant 54 : i32
        %add3A_1094 = vector.broadcast %add3A_1093 : i32 to vector<16xi32>
        %add3A_1095 = arith.addi %add3A_52, %add3A_1094 : vector<16xi32>
        tpu.vector_store_idx %arg11[%add3A_1095], %add3A_1090 : memref<61440xi32, #tpu.memory_space<vmem>>[vector<16xi32>], vector<16xi32>,
        %mul3A_1096 = arith.constant 0.932203412 : f32
        %mul3A_1097 = vector.broadcast %mul3A_1096 : f32 to vector<16xf32>
        %mul3A_1098 = arith.mulf %sub3A, %mul3A_1097 : vector<16xf32>
        %add3A_1099 = arith.addf %convert_element_type3A, %mul3A_1098 : vector<16xf32>
        %convert_element_type3A_1100 = arith.fptosi %add3A_1099 : vector<16xf32> to vector<16xi32>
        %mul3A_1101 = arith.constant 0.932203412 : f32
        %mul3A_1102 = vector.broadcast %mul3A_1101 : f32 to vector<16xf32>
        %mul3A_1103 = arith.mulf %sub3A_47, %mul3A_1102 : vector<16xf32>
        %add3A_1104 = arith.addf %convert_element_type3A_38, %mul3A_1103 : vector<16xf32>
        %convert_element_type3A_1105 = arith.fptosi %add3A_1104 : vector<16xf32> to vector<16xi32>
        %shift_left3A_1106 = arith.constant 7 : i32
        %shift_left3A_1107 = vector.broadcast %shift_left3A_1106 : i32 to vector<16xi32>
        %shift_left3A_1108 = arith.shli %convert_element_type3A_1100, %shift_left3A_1107 : vector<16xi32>
        %add3A_1109 = arith.addi %shift_left3A_1108, %convert_element_type3A_1105 : vector<16xi32>
        %gather3A_1110 = tpu.vector_load_idx %arg7[%add3A_1109] : memref<16384xf32, #tpu.memory_space<vmem>>[vector<16xi32>], vector<16xf32>,
        %add3A_1111 = arith.addf %add3A_1092, %gather3A_1110 : vector<16xf32>
        %add3A_1112 = arith.constant 55 : i32
        %add3A_1113 = vector.broadcast %add3A_1112 : i32 to vector<16xi32>
        %add3A_1114 = arith.addi %add3A_52, %add3A_1113 : vector<16xi32>
        tpu.vector_store_idx %arg11[%add3A_1114], %add3A_1109 : memref<61440xi32, #tpu.memory_space<vmem>>[vector<16xi32>], vector<16xi32>,
        %mul3A_1115 = arith.constant 0.949152529 : f32
        %mul3A_1116 = vector.broadcast %mul3A_1115 : f32 to vector<16xf32>
        %mul3A_1117 = arith.mulf %sub3A, %mul3A_1116 : vector<16xf32>
        %add3A_1118 = arith.addf %convert_element_type3A, %mul3A_1117 : vector<16xf32>
        %convert_element_type3A_1119 = arith.fptosi %add3A_1118 : vector<16xf32> to vector<16xi32>
        %mul3A_1120 = arith.constant 0.949152529 : f32
        %mul3A_1121 = vector.broadcast %mul3A_1120 : f32 to vector<16xf32>
        %mul3A_1122 = arith.mulf %sub3A_47, %mul3A_1121 : vector<16xf32>
        %add3A_1123 = arith.addf %convert_element_type3A_38, %mul3A_1122 : vector<16xf32>
        %convert_element_type3A_1124 = arith.fptosi %add3A_1123 : vector<16xf32> to vector<16xi32>
        %shift_left3A_1125 = arith.constant 7 : i32
        %shift_left3A_1126 = vector.broadcast %shift_left3A_1125 : i32 to vector<16xi32>
        %shift_left3A_1127 = arith.shli %convert_element_type3A_1119, %shift_left3A_1126 : vector<16xi32>
        %add3A_1128 = arith.addi %shift_left3A_1127, %convert_element_type3A_1124 : vector<16xi32>
        %gather3A_1129 = tpu.vector_load_idx %arg7[%add3A_1128] : memref<16384xf32, #tpu.memory_space<vmem>>[vector<16xi32>], vector<16xf32>,
        %add3A_1130 = arith.addf %add3A_1111, %gather3A_1129 : vector<16xf32>
        %add3A_1131 = arith.constant 56 : i32
        %add3A_1132 = vector.broadcast %add3A_1131 : i32 to vector<16xi32>
        %add3A_1133 = arith.addi %add3A_52, %add3A_1132 : vector<16xi32>
        tpu.vector_store_idx %arg11[%add3A_1133], %add3A_1128 : memref<61440xi32, #tpu.memory_space<vmem>>[vector<16xi32>], vector<16xi32>,
        %mul3A_1134 = arith.constant 0.966101706 : f32
        %mul3A_1135 = vector.broadcast %mul3A_1134 : f32 to vector<16xf32>
        %mul3A_1136 = arith.mulf %sub3A, %mul3A_1135 : vector<16xf32>
        %add3A_1137 = arith.addf %convert_element_type3A, %mul3A_1136 : vector<16xf32>
        %convert_element_type3A_1138 = arith.fptosi %add3A_1137 : vector<16xf32> to vector<16xi32>
        %mul3A_1139 = arith.constant 0.966101706 : f32
        %mul3A_1140 = vector.broadcast %mul3A_1139 : f32 to vector<16xf32>
        %mul3A_1141 = arith.mulf %sub3A_47, %mul3A_1140 : vector<16xf32>
        %add3A_1142 = arith.addf %convert_element_type3A_38, %mul3A_1141 : vector<16xf32>
        %convert_element_type3A_1143 = arith.fptosi %add3A_1142 : vector<16xf32> to vector<16xi32>
        %shift_left3A_1144 = arith.constant 7 : i32
        %shift_left3A_1145 = vector.broadcast %shift_left3A_1144 : i32 to vector<16xi32>
        %shift_left3A_1146 = arith.shli %convert_element_type3A_1138, %shift_left3A_1145 : vector<16xi32>
        %add3A_1147 = arith.addi %shift_left3A_1146, %convert_element_type3A_1143 : vector<16xi32>
        %gather3A_1148 = tpu.vector_load_idx %arg7[%add3A_1147] : memref<16384xf32, #tpu.memory_space<vmem>>[vector<16xi32>], vector<16xf32>,
        %add3A_1149 = arith.addf %add3A_1130, %gather3A_1148 : vector<16xf32>
        %add3A_1150 = arith.constant 57 : i32
        %add3A_1151 = vector.broadcast %add3A_1150 : i32 to vector<16xi32>
        %add3A_1152 = arith.addi %add3A_52, %add3A_1151 : vector<16xi32>
        tpu.vector_store_idx %arg11[%add3A_1152], %add3A_1147 : memref<61440xi32, #tpu.memory_space<vmem>>[vector<16xi32>], vector<16xi32>,
        %mul3A_1153 = arith.constant 0.983050823 : f32
        %mul3A_1154 = vector.broadcast %mul3A_1153 : f32 to vector<16xf32>
        %mul3A_1155 = arith.mulf %sub3A, %mul3A_1154 : vector<16xf32>
        %add3A_1156 = arith.addf %convert_element_type3A, %mul3A_1155 : vector<16xf32>
        %convert_element_type3A_1157 = arith.fptosi %add3A_1156 : vector<16xf32> to vector<16xi32>
        %mul3A_1158 = arith.constant 0.983050823 : f32
        %mul3A_1159 = vector.broadcast %mul3A_1158 : f32 to vector<16xf32>
        %mul3A_1160 = arith.mulf %sub3A_47, %mul3A_1159 : vector<16xf32>
        %add3A_1161 = arith.addf %convert_element_type3A_38, %mul3A_1160 : vector<16xf32>
        %convert_element_type3A_1162 = arith.fptosi %add3A_1161 : vector<16xf32> to vector<16xi32>
        %shift_left3A_1163 = arith.constant 7 : i32
        %shift_left3A_1164 = vector.broadcast %shift_left3A_1163 : i32 to vector<16xi32>
        %shift_left3A_1165 = arith.shli %convert_element_type3A_1157, %shift_left3A_1164 : vector<16xi32>
        %add3A_1166 = arith.addi %shift_left3A_1165, %convert_element_type3A_1162 : vector<16xi32>
        %gather3A_1167 = tpu.vector_load_idx %arg7[%add3A_1166] : memref<16384xf32, #tpu.memory_space<vmem>>[vector<16xi32>], vector<16xf32>,
        %add3A_1168 = arith.addf %add3A_1149, %gather3A_1167 : vector<16xf32>
        %add3A_1169 = arith.constant 58 : i32
        %add3A_1170 = vector.broadcast %add3A_1169 : i32 to vector<16xi32>
        %add3A_1171 = arith.addi %add3A_52, %add3A_1170 : vector<16xi32>
        tpu.vector_store_idx %arg11[%add3A_1171], %add3A_1166 : memref<61440xi32, #tpu.memory_space<vmem>>[vector<16xi32>], vector<16xi32>,
        %mul3A_1172 = arith.constant 1.000000e+00 : f32
        %mul3A_1173 = vector.broadcast %mul3A_1172 : f32 to vector<16xf32>
        %mul3A_1174 = arith.mulf %sub3A, %mul3A_1173 : vector<16xf32>
        %add3A_1175 = arith.addf %convert_element_type3A, %mul3A_1174 : vector<16xf32>
        %convert_element_type3A_1176 = arith.fptosi %add3A_1175 : vector<16xf32> to vector<16xi32>
        %mul3A_1177 = arith.constant 1.000000e+00 : f32
        %mul3A_1178 = vector.broadcast %mul3A_1177 : f32 to vector<16xf32>
        %mul3A_1179 = arith.mulf %sub3A_47, %mul3A_1178 : vector<16xf32>
        %add3A_1180 = arith.addf %convert_element_type3A_38, %mul3A_1179 : vector<16xf32>
        %convert_element_type3A_1181 = arith.fptosi %add3A_1180 : vector<16xf32> to vector<16xi32>
        %shift_left3A_1182 = arith.constant 7 : i32
        %shift_left3A_1183 = vector.broadcast %shift_left3A_1182 : i32 to vector<16xi32>
        %shift_left3A_1184 = arith.shli %convert_element_type3A_1176, %shift_left3A_1183 : vector<16xi32>
        %add3A_1185 = arith.addi %shift_left3A_1184, %convert_element_type3A_1181 : vector<16xi32>
        %gather3A_1186 = tpu.vector_load_idx %arg7[%add3A_1185] : memref<16384xf32, #tpu.memory_space<vmem>>[vector<16xi32>], vector<16xf32>,
        %add3A_1187 = arith.addf %add3A_1168, %gather3A_1186 : vector<16xf32>
        %add3A_1188 = arith.constant 59 : i32
        %add3A_1189 = vector.broadcast %add3A_1188 : i32 to vector<16xi32>
        %add3A_1190 = arith.addi %add3A_52, %add3A_1189 : vector<16xi32>
        tpu.vector_store_idx %arg11[%add3A_1190], %add3A_1185 : memref<61440xi32, #tpu.memory_space<vmem>>[vector<16xi32>], vector<16xi32>,
        %swap3A = arith.index_cast %mul3A_30 : i32 to index
        %swap3A_1191 = tpu.vector_load %arg10[%swap3A] {strides = array<i32>} : memref<1024xf32, #tpu.memory_space<vmem>>, vector<16xf32>,
        tpu.vector_store %arg10[%swap3A], %add3A_1187 {strides = array<i32>} : memref<1024xf32, #tpu.memory_space<vmem>>, vector<16xf32>,
        %scan3A_1192 = arith.constant 0 : i32
        scf.yield %scan3A_1192 : i32
      }
      %scan3A_20 = arith.constant 64 : i32
      "tpu.region"() ({
        %run_scoped3A = tpu.sem_alloc : memref<!tpu.dma_semaphore, #tpu.memory_space<semaphore_mem>>
        %dma_start3A = tpu.memref_slice %arg5[%add3A_13] : memref<950272xf32, #tpu.memory_space<hbm>> -> memref<1024xf32, #tpu.memory_space<hbm>>
        %dma_start3A_24 = tpu.memref_slice %arg5[%add3A_13] : memref<950272xf32, #tpu.memory_space<hbm>> -> memref<1024xf32, #tpu.memory_space<hbm>>
        tpu.enqueue_dma source(%arg10 : memref<1024xf32, #tpu.memory_space<vmem>>) target(%dma_start3A_24 : memref<1024xf32, #tpu.memory_space<hbm>>) target_semaphore(%run_scoped3A : memref<!tpu.dma_semaphore, #tpu.memory_space<semaphore_mem>>)
        %dma_wait3A = tpu.memref_slice %arg5[%add3A_13] : memref<950272xf32, #tpu.memory_space<hbm>> -> memref<1024xf32, #tpu.memory_space<hbm>>
        %dma_wait3A_25 = tpu.memref_slice %arg5[%add3A_13] : memref<950272xf32, #tpu.memory_space<hbm>> -> memref<1024xf32, #tpu.memory_space<hbm>>
        tpu.wait_dma2 semaphore(%run_scoped3A : memref<!tpu.dma_semaphore, #tpu.memory_space<semaphore_mem>>) src(%arg10 : memref<1024xf32, #tpu.memory_space<vmem>>) dst(%dma_wait3A_25 : memref<1024xf32, #tpu.memory_space<hbm>>)
        tpu.yield
      }) : () -> ()
      %mul3A_21 = arith.constant 60 : i32
      %mul3A_22 = arith.muli %add3A_13, %mul3A_21 : i32
      "tpu.region"() ({
        %run_scoped3A = tpu.sem_alloc : memref<!tpu.dma_semaphore, #tpu.memory_space<semaphore_mem>>
        %dma_start3A = tpu.memref_slice %arg6[%mul3A_22] : memref<57016320xi32, #tpu.memory_space<hbm>> -> memref<61440xi32, #tpu.memory_space<hbm>>
        %dma_start3A_24 = tpu.memref_slice %arg6[%mul3A_22] : memref<57016320xi32, #tpu.memory_space<hbm>> -> memref<61440xi32, #tpu.memory_space<hbm>>
        tpu.enqueue_dma source(%arg11 : memref<61440xi32, #tpu.memory_space<vmem>>) target(%dma_start3A_24 : memref<61440xi32, #tpu.memory_space<hbm>>) target_semaphore(%run_scoped3A : memref<!tpu.dma_semaphore, #tpu.memory_space<semaphore_mem>>)
        %dma_wait3A = tpu.memref_slice %arg6[%mul3A_22] : memref<57016320xi32, #tpu.memory_space<hbm>> -> memref<61440xi32, #tpu.memory_space<hbm>>
        %dma_wait3A_25 = tpu.memref_slice %arg6[%mul3A_22] : memref<57016320xi32, #tpu.memory_space<hbm>> -> memref<61440xi32, #tpu.memory_space<hbm>>
        tpu.wait_dma2 semaphore(%run_scoped3A : memref<!tpu.dma_semaphore, #tpu.memory_space<semaphore_mem>>) src(%arg11 : memref<61440xi32, #tpu.memory_space<vmem>>) dst(%dma_wait3A_25 : memref<61440xi32, #tpu.memory_space<hbm>>)
        tpu.yield
      }) : () -> ()
      %scan3A_23 = arith.constant 0 : i32
      scf.yield %scan3A_23 : i32
    }
    %scan3A_8 = arith.constant 29 : i32
    return
  }
}

module attributes {stable_mosaic.version = 14 : i64} {
  func.func @_local_body(%arg0: i32, %arg1: memref<16x128x128xf32, #tpu.memory_space<vmem>>, %arg2: memref<49x128x128xf32, #tpu.memory_space<vmem>>, %arg3: memref<16x128x128xf32, #tpu.memory_space<vmem>>) attributes {dimension_semantics = [#tpu.dimension_semantics<arbitrary>], iteration_bounds = array<i64: 4>, scalar_prefetch = 0 : i64, scratch_operands = 0 : i64, tpu.core_type = #tpu.core_type<tc>, window_params = [{transform_indices = @transform_0, window_bounds = array<i64: 16, 128, 128>}, {pipeline_mode = #tpu.pipeline_mode<synchronous>, transform_indices = @transform_1, window_bounds = array<i64: 49, 128, 128>}, {transform_indices = @transform_2, window_bounds = array<i64: 16, 128, 128>}]} {
    %get3A = arith.constant 0 : index
    %get3A_0 = arith.constant 0 : index
    %get3A_1 = arith.constant 0 : index
    %get3A_2 = vector.load %arg1[%get3A, %get3A_0, %get3A_1] : memref<16x128x128xf32, #tpu.memory_space<vmem>>, vector<16x128x128xf32>
    %get3A_3 = arith.constant 0 : index
    %get3A_4 = arith.constant 0 : index
    %get3A_5 = arith.constant 0 : index
    %get3A_6 = vector.load %arg2[%get3A_3, %get3A_4, %get3A_5] : memref<49x128x128xf32, #tpu.memory_space<vmem>>, vector<1x128x128xf32>
    %get3A_7 = vector.shape_cast %get3A_6 : vector<1x128x128xf32> to vector<128x128xf32>
    %broadcast_in_dim3A = vector.shape_cast %get3A_7 : vector<128x128xf32> to vector<1x128x128xf32>
    %mul3A = vector.broadcast %broadcast_in_dim3A : vector<1x128x128xf32> to vector<16x128x128xf32>
    %mul3A_8 = arith.mulf %mul3A, %get3A_2 : vector<16x128x128xf32>
    %slice3A = vector.extract_strided_slice %mul3A_8 {offsets = [0, 0, 0], sizes = [16, 128, 4], strides = [1, 1, 1]} : vector<16x128x128xf32> to vector<16x128x4xf32>
    %reduce_sum3A = arith.constant dense<0.000000e+00> : vector<16x128xf32>
    %reduce_sum3A_9 = vector.multi_reduction <add>, %slice3A, %reduce_sum3A [2] : vector<16x128x4xf32> to vector<16x128xf32>
    %broadcast_in_dim3A_10 = vector.shape_cast %reduce_sum3A_9 : vector<16x128xf32> to vector<16x128x1xf32>
    %slice3A_11 = vector.extract_strided_slice %mul3A_8 {offsets = [0, 0, 4], sizes = [16, 128, 124], strides = [1, 1, 1]} : vector<16x128x128xf32> to vector<16x128x124xf32>
    %broadcast_in_dim3A_12 = arith.constant 0.000000e+00 : f32
    %broadcast_in_dim3A_13 = vector.broadcast %broadcast_in_dim3A_12 : f32 to vector<16x128x3xf32>
    %concatenate3A = tpu.concatenate %broadcast_in_dim3A_10, %slice3A_11, %broadcast_in_dim3A_13 in 2 : vector<16x128x1xf32>, vector<16x128x124xf32>, vector<16x128x3xf32> -> vector<16x128x128xf32>
    %get3A_14 = arith.constant 1 : index
    %get3A_15 = arith.constant 0 : index
    %get3A_16 = arith.constant 0 : index
    %get3A_17 = vector.load %arg2[%get3A_14, %get3A_15, %get3A_16] : memref<49x128x128xf32, #tpu.memory_space<vmem>>, vector<1x128x128xf32>
    %get3A_18 = vector.shape_cast %get3A_17 : vector<1x128x128xf32> to vector<128x128xf32>
    %broadcast_in_dim3A_19 = vector.shape_cast %get3A_18 : vector<128x128xf32> to vector<1x128x128xf32>
    %mul3A_20 = vector.broadcast %broadcast_in_dim3A_19 : vector<1x128x128xf32> to vector<16x128x128xf32>
    %mul3A_21 = arith.mulf %mul3A_20, %get3A_2 : vector<16x128x128xf32>
    %slice3A_22 = vector.extract_strided_slice %mul3A_21 {offsets = [0, 0, 0], sizes = [16, 128, 3], strides = [1, 1, 1]} : vector<16x128x128xf32> to vector<16x128x3xf32>
    %reduce_sum3A_23 = arith.constant dense<0.000000e+00> : vector<16x128xf32>
    %reduce_sum3A_24 = vector.multi_reduction <add>, %slice3A_22, %reduce_sum3A_23 [2] : vector<16x128x3xf32> to vector<16x128xf32>
    %broadcast_in_dim3A_25 = vector.shape_cast %reduce_sum3A_24 : vector<16x128xf32> to vector<16x128x1xf32>
    %slice3A_26 = vector.extract_strided_slice %mul3A_21 {offsets = [0, 0, 3], sizes = [16, 128, 125], strides = [1, 1, 1]} : vector<16x128x128xf32> to vector<16x128x125xf32>
    %broadcast_in_dim3A_27 = arith.constant 0.000000e+00 : f32
    %broadcast_in_dim3A_28 = vector.broadcast %broadcast_in_dim3A_27 : f32 to vector<16x128x2xf32>
    %concatenate3A_29 = tpu.concatenate %broadcast_in_dim3A_25, %slice3A_26, %broadcast_in_dim3A_28 in 2 : vector<16x128x1xf32>, vector<16x128x125xf32>, vector<16x128x2xf32> -> vector<16x128x128xf32>
    %add3A = arith.addf %concatenate3A, %concatenate3A_29 : vector<16x128x128xf32>
    %get3A_30 = arith.constant 2 : index
    %get3A_31 = arith.constant 0 : index
    %get3A_32 = arith.constant 0 : index
    %get3A_33 = vector.load %arg2[%get3A_30, %get3A_31, %get3A_32] : memref<49x128x128xf32, #tpu.memory_space<vmem>>, vector<1x128x128xf32>
    %get3A_34 = vector.shape_cast %get3A_33 : vector<1x128x128xf32> to vector<128x128xf32>
    %broadcast_in_dim3A_35 = vector.shape_cast %get3A_34 : vector<128x128xf32> to vector<1x128x128xf32>
    %mul3A_36 = vector.broadcast %broadcast_in_dim3A_35 : vector<1x128x128xf32> to vector<16x128x128xf32>
    %mul3A_37 = arith.mulf %mul3A_36, %get3A_2 : vector<16x128x128xf32>
    %slice3A_38 = vector.extract_strided_slice %mul3A_37 {offsets = [0, 0, 0], sizes = [16, 128, 2], strides = [1, 1, 1]} : vector<16x128x128xf32> to vector<16x128x2xf32>
    %reduce_sum3A_39 = arith.constant dense<0.000000e+00> : vector<16x128xf32>
    %reduce_sum3A_40 = vector.multi_reduction <add>, %slice3A_38, %reduce_sum3A_39 [2] : vector<16x128x2xf32> to vector<16x128xf32>
    %broadcast_in_dim3A_41 = vector.shape_cast %reduce_sum3A_40 : vector<16x128xf32> to vector<16x128x1xf32>
    %slice3A_42 = vector.extract_strided_slice %mul3A_37 {offsets = [0, 0, 2], sizes = [16, 128, 126], strides = [1, 1, 1]} : vector<16x128x128xf32> to vector<16x128x126xf32>
    %broadcast_in_dim3A_43 = arith.constant 0.000000e+00 : f32
    %broadcast_in_dim3A_44 = vector.broadcast %broadcast_in_dim3A_43 : f32 to vector<16x128x1xf32>
    %concatenate3A_45 = tpu.concatenate %broadcast_in_dim3A_41, %slice3A_42, %broadcast_in_dim3A_44 in 2 : vector<16x128x1xf32>, vector<16x128x126xf32>, vector<16x128x1xf32> -> vector<16x128x128xf32>
    %add3A_46 = arith.addf %add3A, %concatenate3A_45 : vector<16x128x128xf32>
    %get3A_47 = arith.constant 3 : index
    %get3A_48 = arith.constant 0 : index
    %get3A_49 = arith.constant 0 : index
    %get3A_50 = vector.load %arg2[%get3A_47, %get3A_48, %get3A_49] : memref<49x128x128xf32, #tpu.memory_space<vmem>>, vector<1x128x128xf32>
    %get3A_51 = vector.shape_cast %get3A_50 : vector<1x128x128xf32> to vector<128x128xf32>
    %broadcast_in_dim3A_52 = vector.shape_cast %get3A_51 : vector<128x128xf32> to vector<1x128x128xf32>
    %mul3A_53 = vector.broadcast %broadcast_in_dim3A_52 : vector<1x128x128xf32> to vector<16x128x128xf32>
    %mul3A_54 = arith.mulf %mul3A_53, %get3A_2 : vector<16x128x128xf32>
    %add3A_55 = arith.addf %add3A_46, %mul3A_54 : vector<16x128x128xf32>
    %get3A_56 = arith.constant 4 : index
    %get3A_57 = arith.constant 0 : index
    %get3A_58 = arith.constant 0 : index
    %get3A_59 = vector.load %arg2[%get3A_56, %get3A_57, %get3A_58] : memref<49x128x128xf32, #tpu.memory_space<vmem>>, vector<1x128x128xf32>
    %get3A_60 = vector.shape_cast %get3A_59 : vector<1x128x128xf32> to vector<128x128xf32>
    %broadcast_in_dim3A_61 = vector.shape_cast %get3A_60 : vector<128x128xf32> to vector<1x128x128xf32>
    %mul3A_62 = vector.broadcast %broadcast_in_dim3A_61 : vector<1x128x128xf32> to vector<16x128x128xf32>
    %mul3A_63 = arith.mulf %mul3A_62, %get3A_2 : vector<16x128x128xf32>
    %slice3A_64 = vector.extract_strided_slice %mul3A_63 {offsets = [0, 0, 126], sizes = [16, 128, 2], strides = [1, 1, 1]} : vector<16x128x128xf32> to vector<16x128x2xf32>
    %reduce_sum3A_65 = arith.constant dense<0.000000e+00> : vector<16x128xf32>
    %reduce_sum3A_66 = vector.multi_reduction <add>, %slice3A_64, %reduce_sum3A_65 [2] : vector<16x128x2xf32> to vector<16x128xf32>
    %broadcast_in_dim3A_67 = vector.shape_cast %reduce_sum3A_66 : vector<16x128xf32> to vector<16x128x1xf32>
    %broadcast_in_dim3A_68 = arith.constant 0.000000e+00 : f32
    %broadcast_in_dim3A_69 = vector.broadcast %broadcast_in_dim3A_68 : f32 to vector<16x128x1xf32>
    %slice3A_70 = vector.extract_strided_slice %mul3A_63 {offsets = [0, 0, 0], sizes = [16, 128, 126], strides = [1, 1, 1]} : vector<16x128x128xf32> to vector<16x128x126xf32>
    %concatenate3A_71 = tpu.concatenate %broadcast_in_dim3A_69, %slice3A_70, %broadcast_in_dim3A_67 in 2 : vector<16x128x1xf32>, vector<16x128x126xf32>, vector<16x128x1xf32> -> vector<16x128x128xf32>
    %add3A_72 = arith.addf %add3A_55, %concatenate3A_71 : vector<16x128x128xf32>
    %get3A_73 = arith.constant 5 : index
    %get3A_74 = arith.constant 0 : index
    %get3A_75 = arith.constant 0 : index
    %get3A_76 = vector.load %arg2[%get3A_73, %get3A_74, %get3A_75] : memref<49x128x128xf32, #tpu.memory_space<vmem>>, vector<1x128x128xf32>
    %get3A_77 = vector.shape_cast %get3A_76 : vector<1x128x128xf32> to vector<128x128xf32>
    %broadcast_in_dim3A_78 = vector.shape_cast %get3A_77 : vector<128x128xf32> to vector<1x128x128xf32>
    %mul3A_79 = vector.broadcast %broadcast_in_dim3A_78 : vector<1x128x128xf32> to vector<16x128x128xf32>
    %mul3A_80 = arith.mulf %mul3A_79, %get3A_2 : vector<16x128x128xf32>
    %slice3A_81 = vector.extract_strided_slice %mul3A_80 {offsets = [0, 0, 125], sizes = [16, 128, 3], strides = [1, 1, 1]} : vector<16x128x128xf32> to vector<16x128x3xf32>
    %reduce_sum3A_82 = arith.constant dense<0.000000e+00> : vector<16x128xf32>
    %reduce_sum3A_83 = vector.multi_reduction <add>, %slice3A_81, %reduce_sum3A_82 [2] : vector<16x128x3xf32> to vector<16x128xf32>
    %broadcast_in_dim3A_84 = vector.shape_cast %reduce_sum3A_83 : vector<16x128xf32> to vector<16x128x1xf32>
    %broadcast_in_dim3A_85 = arith.constant 0.000000e+00 : f32
    %broadcast_in_dim3A_86 = vector.broadcast %broadcast_in_dim3A_85 : f32 to vector<16x128x2xf32>
    %slice3A_87 = vector.extract_strided_slice %mul3A_80 {offsets = [0, 0, 0], sizes = [16, 128, 125], strides = [1, 1, 1]} : vector<16x128x128xf32> to vector<16x128x125xf32>
    %concatenate3A_88 = tpu.concatenate %broadcast_in_dim3A_86, %slice3A_87, %broadcast_in_dim3A_84 in 2 : vector<16x128x2xf32>, vector<16x128x125xf32>, vector<16x128x1xf32> -> vector<16x128x128xf32>
    %add3A_89 = arith.addf %add3A_72, %concatenate3A_88 : vector<16x128x128xf32>
    %get3A_90 = arith.constant 6 : index
    %get3A_91 = arith.constant 0 : index
    %get3A_92 = arith.constant 0 : index
    %get3A_93 = vector.load %arg2[%get3A_90, %get3A_91, %get3A_92] : memref<49x128x128xf32, #tpu.memory_space<vmem>>, vector<1x128x128xf32>
    %get3A_94 = vector.shape_cast %get3A_93 : vector<1x128x128xf32> to vector<128x128xf32>
    %broadcast_in_dim3A_95 = vector.shape_cast %get3A_94 : vector<128x128xf32> to vector<1x128x128xf32>
    %mul3A_96 = vector.broadcast %broadcast_in_dim3A_95 : vector<1x128x128xf32> to vector<16x128x128xf32>
    %mul3A_97 = arith.mulf %mul3A_96, %get3A_2 : vector<16x128x128xf32>
    %slice3A_98 = vector.extract_strided_slice %mul3A_97 {offsets = [0, 0, 124], sizes = [16, 128, 4], strides = [1, 1, 1]} : vector<16x128x128xf32> to vector<16x128x4xf32>
    %reduce_sum3A_99 = arith.constant dense<0.000000e+00> : vector<16x128xf32>
    %reduce_sum3A_100 = vector.multi_reduction <add>, %slice3A_98, %reduce_sum3A_99 [2] : vector<16x128x4xf32> to vector<16x128xf32>
    %broadcast_in_dim3A_101 = vector.shape_cast %reduce_sum3A_100 : vector<16x128xf32> to vector<16x128x1xf32>
    %broadcast_in_dim3A_102 = arith.constant 0.000000e+00 : f32
    %broadcast_in_dim3A_103 = vector.broadcast %broadcast_in_dim3A_102 : f32 to vector<16x128x3xf32>
    %slice3A_104 = vector.extract_strided_slice %mul3A_97 {offsets = [0, 0, 0], sizes = [16, 128, 124], strides = [1, 1, 1]} : vector<16x128x128xf32> to vector<16x128x124xf32>
    %concatenate3A_105 = tpu.concatenate %broadcast_in_dim3A_103, %slice3A_104, %broadcast_in_dim3A_101 in 2 : vector<16x128x3xf32>, vector<16x128x124xf32>, vector<16x128x1xf32> -> vector<16x128x128xf32>
    %add3A_106 = arith.addf %add3A_89, %concatenate3A_105 : vector<16x128x128xf32>
    %slice3A_107 = vector.extract_strided_slice %add3A_106 {offsets = [0, 0, 0], sizes = [16, 4, 128], strides = [1, 1, 1]} : vector<16x128x128xf32> to vector<16x4x128xf32>
    %reduce_sum3A_108 = arith.constant dense<0.000000e+00> : vector<16x128xf32>
    %reduce_sum3A_109 = vector.multi_reduction <add>, %slice3A_107, %reduce_sum3A_108 [1] : vector<16x4x128xf32> to vector<16x128xf32>
    %broadcast_in_dim3A_110 = vector.shape_cast %reduce_sum3A_109 : vector<16x128xf32> to vector<16x1x128xf32>
    %slice3A_111 = vector.extract_strided_slice %add3A_106 {offsets = [0, 4, 0], sizes = [16, 124, 128], strides = [1, 1, 1]} : vector<16x128x128xf32> to vector<16x124x128xf32>
    %broadcast_in_dim3A_112 = arith.constant 0.000000e+00 : f32
    %broadcast_in_dim3A_113 = vector.broadcast %broadcast_in_dim3A_112 : f32 to vector<16x3x128xf32>
    %concatenate3A_114 = tpu.concatenate %broadcast_in_dim3A_110, %slice3A_111, %broadcast_in_dim3A_113 in 1 : vector<16x1x128xf32>, vector<16x124x128xf32>, vector<16x3x128xf32> -> vector<16x128x128xf32>
    %swap3A = arith.constant 0 : index
    %swap3A_115 = arith.constant 0 : index
    %swap3A_116 = arith.constant 0 : index
    %swap3A_117 = vector.load %arg3[%swap3A, %swap3A_115, %swap3A_116] : memref<16x128x128xf32, #tpu.memory_space<vmem>>, vector<16x128x128xf32>
    tpu.vector_store %arg3[%swap3A, %swap3A_115, %swap3A_116], %concatenate3A_114 {strides = array<i32>} : memref<16x128x128xf32, #tpu.memory_space<vmem>>, vector<16x128x128xf32>,
    %get3A_118 = arith.constant 7 : index
    %get3A_119 = arith.constant 0 : index
    %get3A_120 = arith.constant 0 : index
    %get3A_121 = vector.load %arg2[%get3A_118, %get3A_119, %get3A_120] : memref<49x128x128xf32, #tpu.memory_space<vmem>>, vector<1x128x128xf32>
    %get3A_122 = vector.shape_cast %get3A_121 : vector<1x128x128xf32> to vector<128x128xf32>
    %broadcast_in_dim3A_123 = vector.shape_cast %get3A_122 : vector<128x128xf32> to vector<1x128x128xf32>
    %mul3A_124 = vector.broadcast %broadcast_in_dim3A_123 : vector<1x128x128xf32> to vector<16x128x128xf32>
    %mul3A_125 = arith.mulf %mul3A_124, %get3A_2 : vector<16x128x128xf32>
    %slice3A_126 = vector.extract_strided_slice %mul3A_125 {offsets = [0, 0, 0], sizes = [16, 128, 4], strides = [1, 1, 1]} : vector<16x128x128xf32> to vector<16x128x4xf32>
    %reduce_sum3A_127 = arith.constant dense<0.000000e+00> : vector<16x128xf32>
    %reduce_sum3A_128 = vector.multi_reduction <add>, %slice3A_126, %reduce_sum3A_127 [2] : vector<16x128x4xf32> to vector<16x128xf32>
    %broadcast_in_dim3A_129 = vector.shape_cast %reduce_sum3A_128 : vector<16x128xf32> to vector<16x128x1xf32>
    %slice3A_130 = vector.extract_strided_slice %mul3A_125 {offsets = [0, 0, 4], sizes = [16, 128, 124], strides = [1, 1, 1]} : vector<16x128x128xf32> to vector<16x128x124xf32>
    %broadcast_in_dim3A_131 = arith.constant 0.000000e+00 : f32
    %broadcast_in_dim3A_132 = vector.broadcast %broadcast_in_dim3A_131 : f32 to vector<16x128x3xf32>
    %concatenate3A_133 = tpu.concatenate %broadcast_in_dim3A_129, %slice3A_130, %broadcast_in_dim3A_132 in 2 : vector<16x128x1xf32>, vector<16x128x124xf32>, vector<16x128x3xf32> -> vector<16x128x128xf32>
    %get3A_134 = arith.constant 8 : index
    %get3A_135 = arith.constant 0 : index
    %get3A_136 = arith.constant 0 : index
    %get3A_137 = vector.load %arg2[%get3A_134, %get3A_135, %get3A_136] : memref<49x128x128xf32, #tpu.memory_space<vmem>>, vector<1x128x128xf32>
    %get3A_138 = vector.shape_cast %get3A_137 : vector<1x128x128xf32> to vector<128x128xf32>
    %broadcast_in_dim3A_139 = vector.shape_cast %get3A_138 : vector<128x128xf32> to vector<1x128x128xf32>
    %mul3A_140 = vector.broadcast %broadcast_in_dim3A_139 : vector<1x128x128xf32> to vector<16x128x128xf32>
    %mul3A_141 = arith.mulf %mul3A_140, %get3A_2 : vector<16x128x128xf32>
    %slice3A_142 = vector.extract_strided_slice %mul3A_141 {offsets = [0, 0, 0], sizes = [16, 128, 3], strides = [1, 1, 1]} : vector<16x128x128xf32> to vector<16x128x3xf32>
    %reduce_sum3A_143 = arith.constant dense<0.000000e+00> : vector<16x128xf32>
    %reduce_sum3A_144 = vector.multi_reduction <add>, %slice3A_142, %reduce_sum3A_143 [2] : vector<16x128x3xf32> to vector<16x128xf32>
    %broadcast_in_dim3A_145 = vector.shape_cast %reduce_sum3A_144 : vector<16x128xf32> to vector<16x128x1xf32>
    %slice3A_146 = vector.extract_strided_slice %mul3A_141 {offsets = [0, 0, 3], sizes = [16, 128, 125], strides = [1, 1, 1]} : vector<16x128x128xf32> to vector<16x128x125xf32>
    %broadcast_in_dim3A_147 = arith.constant 0.000000e+00 : f32
    %broadcast_in_dim3A_148 = vector.broadcast %broadcast_in_dim3A_147 : f32 to vector<16x128x2xf32>
    %concatenate3A_149 = tpu.concatenate %broadcast_in_dim3A_145, %slice3A_146, %broadcast_in_dim3A_148 in 2 : vector<16x128x1xf32>, vector<16x128x125xf32>, vector<16x128x2xf32> -> vector<16x128x128xf32>
    %add3A_150 = arith.addf %concatenate3A_133, %concatenate3A_149 : vector<16x128x128xf32>
    %get3A_151 = arith.constant 9 : index
    %get3A_152 = arith.constant 0 : index
    %get3A_153 = arith.constant 0 : index
    %get3A_154 = vector.load %arg2[%get3A_151, %get3A_152, %get3A_153] : memref<49x128x128xf32, #tpu.memory_space<vmem>>, vector<1x128x128xf32>
    %get3A_155 = vector.shape_cast %get3A_154 : vector<1x128x128xf32> to vector<128x128xf32>
    %broadcast_in_dim3A_156 = vector.shape_cast %get3A_155 : vector<128x128xf32> to vector<1x128x128xf32>
    %mul3A_157 = vector.broadcast %broadcast_in_dim3A_156 : vector<1x128x128xf32> to vector<16x128x128xf32>
    %mul3A_158 = arith.mulf %mul3A_157, %get3A_2 : vector<16x128x128xf32>
    %slice3A_159 = vector.extract_strided_slice %mul3A_158 {offsets = [0, 0, 0], sizes = [16, 128, 2], strides = [1, 1, 1]} : vector<16x128x128xf32> to vector<16x128x2xf32>
    %reduce_sum3A_160 = arith.constant dense<0.000000e+00> : vector<16x128xf32>
    %reduce_sum3A_161 = vector.multi_reduction <add>, %slice3A_159, %reduce_sum3A_160 [2] : vector<16x128x2xf32> to vector<16x128xf32>
    %broadcast_in_dim3A_162 = vector.shape_cast %reduce_sum3A_161 : vector<16x128xf32> to vector<16x128x1xf32>
    %slice3A_163 = vector.extract_strided_slice %mul3A_158 {offsets = [0, 0, 2], sizes = [16, 128, 126], strides = [1, 1, 1]} : vector<16x128x128xf32> to vector<16x128x126xf32>
    %broadcast_in_dim3A_164 = arith.constant 0.000000e+00 : f32
    %broadcast_in_dim3A_165 = vector.broadcast %broadcast_in_dim3A_164 : f32 to vector<16x128x1xf32>
    %concatenate3A_166 = tpu.concatenate %broadcast_in_dim3A_162, %slice3A_163, %broadcast_in_dim3A_165 in 2 : vector<16x128x1xf32>, vector<16x128x126xf32>, vector<16x128x1xf32> -> vector<16x128x128xf32>
    %add3A_167 = arith.addf %add3A_150, %concatenate3A_166 : vector<16x128x128xf32>
    %get3A_168 = arith.constant 10 : index
    %get3A_169 = arith.constant 0 : index
    %get3A_170 = arith.constant 0 : index
    %get3A_171 = vector.load %arg2[%get3A_168, %get3A_169, %get3A_170] : memref<49x128x128xf32, #tpu.memory_space<vmem>>, vector<1x128x128xf32>
    %get3A_172 = vector.shape_cast %get3A_171 : vector<1x128x128xf32> to vector<128x128xf32>
    %broadcast_in_dim3A_173 = vector.shape_cast %get3A_172 : vector<128x128xf32> to vector<1x128x128xf32>
    %mul3A_174 = vector.broadcast %broadcast_in_dim3A_173 : vector<1x128x128xf32> to vector<16x128x128xf32>
    %mul3A_175 = arith.mulf %mul3A_174, %get3A_2 : vector<16x128x128xf32>
    %add3A_176 = arith.addf %add3A_167, %mul3A_175 : vector<16x128x128xf32>
    %get3A_177 = arith.constant 11 : index
    %get3A_178 = arith.constant 0 : index
    %get3A_179 = arith.constant 0 : index
    %get3A_180 = vector.load %arg2[%get3A_177, %get3A_178, %get3A_179] : memref<49x128x128xf32, #tpu.memory_space<vmem>>, vector<1x128x128xf32>
    %get3A_181 = vector.shape_cast %get3A_180 : vector<1x128x128xf32> to vector<128x128xf32>
    %broadcast_in_dim3A_182 = vector.shape_cast %get3A_181 : vector<128x128xf32> to vector<1x128x128xf32>
    %mul3A_183 = vector.broadcast %broadcast_in_dim3A_182 : vector<1x128x128xf32> to vector<16x128x128xf32>
    %mul3A_184 = arith.mulf %mul3A_183, %get3A_2 : vector<16x128x128xf32>
    %slice3A_185 = vector.extract_strided_slice %mul3A_184 {offsets = [0, 0, 126], sizes = [16, 128, 2], strides = [1, 1, 1]} : vector<16x128x128xf32> to vector<16x128x2xf32>
    %reduce_sum3A_186 = arith.constant dense<0.000000e+00> : vector<16x128xf32>
    %reduce_sum3A_187 = vector.multi_reduction <add>, %slice3A_185, %reduce_sum3A_186 [2] : vector<16x128x2xf32> to vector<16x128xf32>
    %broadcast_in_dim3A_188 = vector.shape_cast %reduce_sum3A_187 : vector<16x128xf32> to vector<16x128x1xf32>
    %broadcast_in_dim3A_189 = arith.constant 0.000000e+00 : f32
    %broadcast_in_dim3A_190 = vector.broadcast %broadcast_in_dim3A_189 : f32 to vector<16x128x1xf32>
    %slice3A_191 = vector.extract_strided_slice %mul3A_184 {offsets = [0, 0, 0], sizes = [16, 128, 126], strides = [1, 1, 1]} : vector<16x128x128xf32> to vector<16x128x126xf32>
    %concatenate3A_192 = tpu.concatenate %broadcast_in_dim3A_190, %slice3A_191, %broadcast_in_dim3A_188 in 2 : vector<16x128x1xf32>, vector<16x128x126xf32>, vector<16x128x1xf32> -> vector<16x128x128xf32>
    %add3A_193 = arith.addf %add3A_176, %concatenate3A_192 : vector<16x128x128xf32>
    %get3A_194 = arith.constant 12 : index
    %get3A_195 = arith.constant 0 : index
    %get3A_196 = arith.constant 0 : index
    %get3A_197 = vector.load %arg2[%get3A_194, %get3A_195, %get3A_196] : memref<49x128x128xf32, #tpu.memory_space<vmem>>, vector<1x128x128xf32>
    %get3A_198 = vector.shape_cast %get3A_197 : vector<1x128x128xf32> to vector<128x128xf32>
    %broadcast_in_dim3A_199 = vector.shape_cast %get3A_198 : vector<128x128xf32> to vector<1x128x128xf32>
    %mul3A_200 = vector.broadcast %broadcast_in_dim3A_199 : vector<1x128x128xf32> to vector<16x128x128xf32>
    %mul3A_201 = arith.mulf %mul3A_200, %get3A_2 : vector<16x128x128xf32>
    %slice3A_202 = vector.extract_strided_slice %mul3A_201 {offsets = [0, 0, 125], sizes = [16, 128, 3], strides = [1, 1, 1]} : vector<16x128x128xf32> to vector<16x128x3xf32>
    %reduce_sum3A_203 = arith.constant dense<0.000000e+00> : vector<16x128xf32>
    %reduce_sum3A_204 = vector.multi_reduction <add>, %slice3A_202, %reduce_sum3A_203 [2] : vector<16x128x3xf32> to vector<16x128xf32>
    %broadcast_in_dim3A_205 = vector.shape_cast %reduce_sum3A_204 : vector<16x128xf32> to vector<16x128x1xf32>
    %broadcast_in_dim3A_206 = arith.constant 0.000000e+00 : f32
    %broadcast_in_dim3A_207 = vector.broadcast %broadcast_in_dim3A_206 : f32 to vector<16x128x2xf32>
    %slice3A_208 = vector.extract_strided_slice %mul3A_201 {offsets = [0, 0, 0], sizes = [16, 128, 125], strides = [1, 1, 1]} : vector<16x128x128xf32> to vector<16x128x125xf32>
    %concatenate3A_209 = tpu.concatenate %broadcast_in_dim3A_207, %slice3A_208, %broadcast_in_dim3A_205 in 2 : vector<16x128x2xf32>, vector<16x128x125xf32>, vector<16x128x1xf32> -> vector<16x128x128xf32>
    %add3A_210 = arith.addf %add3A_193, %concatenate3A_209 : vector<16x128x128xf32>
    %get3A_211 = arith.constant 13 : index
    %get3A_212 = arith.constant 0 : index
    %get3A_213 = arith.constant 0 : index
    %get3A_214 = vector.load %arg2[%get3A_211, %get3A_212, %get3A_213] : memref<49x128x128xf32, #tpu.memory_space<vmem>>, vector<1x128x128xf32>
    %get3A_215 = vector.shape_cast %get3A_214 : vector<1x128x128xf32> to vector<128x128xf32>
    %broadcast_in_dim3A_216 = vector.shape_cast %get3A_215 : vector<128x128xf32> to vector<1x128x128xf32>
    %mul3A_217 = vector.broadcast %broadcast_in_dim3A_216 : vector<1x128x128xf32> to vector<16x128x128xf32>
    %mul3A_218 = arith.mulf %mul3A_217, %get3A_2 : vector<16x128x128xf32>
    %slice3A_219 = vector.extract_strided_slice %mul3A_218 {offsets = [0, 0, 124], sizes = [16, 128, 4], strides = [1, 1, 1]} : vector<16x128x128xf32> to vector<16x128x4xf32>
    %reduce_sum3A_220 = arith.constant dense<0.000000e+00> : vector<16x128xf32>
    %reduce_sum3A_221 = vector.multi_reduction <add>, %slice3A_219, %reduce_sum3A_220 [2] : vector<16x128x4xf32> to vector<16x128xf32>
    %broadcast_in_dim3A_222 = vector.shape_cast %reduce_sum3A_221 : vector<16x128xf32> to vector<16x128x1xf32>
    %broadcast_in_dim3A_223 = arith.constant 0.000000e+00 : f32
    %broadcast_in_dim3A_224 = vector.broadcast %broadcast_in_dim3A_223 : f32 to vector<16x128x3xf32>
    %slice3A_225 = vector.extract_strided_slice %mul3A_218 {offsets = [0, 0, 0], sizes = [16, 128, 124], strides = [1, 1, 1]} : vector<16x128x128xf32> to vector<16x128x124xf32>
    %concatenate3A_226 = tpu.concatenate %broadcast_in_dim3A_224, %slice3A_225, %broadcast_in_dim3A_222 in 2 : vector<16x128x3xf32>, vector<16x128x124xf32>, vector<16x128x1xf32> -> vector<16x128x128xf32>
    %add3A_227 = arith.addf %add3A_210, %concatenate3A_226 : vector<16x128x128xf32>
    %slice3A_228 = vector.extract_strided_slice %add3A_227 {offsets = [0, 0, 0], sizes = [16, 3, 128], strides = [1, 1, 1]} : vector<16x128x128xf32> to vector<16x3x128xf32>
    %reduce_sum3A_229 = arith.constant dense<0.000000e+00> : vector<16x128xf32>
    %reduce_sum3A_230 = vector.multi_reduction <add>, %slice3A_228, %reduce_sum3A_229 [1] : vector<16x3x128xf32> to vector<16x128xf32>
    %broadcast_in_dim3A_231 = vector.shape_cast %reduce_sum3A_230 : vector<16x128xf32> to vector<16x1x128xf32>
    %slice3A_232 = vector.extract_strided_slice %add3A_227 {offsets = [0, 3, 0], sizes = [16, 125, 128], strides = [1, 1, 1]} : vector<16x128x128xf32> to vector<16x125x128xf32>
    %broadcast_in_dim3A_233 = arith.constant 0.000000e+00 : f32
    %broadcast_in_dim3A_234 = vector.broadcast %broadcast_in_dim3A_233 : f32 to vector<16x2x128xf32>
    %concatenate3A_235 = tpu.concatenate %broadcast_in_dim3A_231, %slice3A_232, %broadcast_in_dim3A_234 in 1 : vector<16x1x128xf32>, vector<16x125x128xf32>, vector<16x2x128xf32> -> vector<16x128x128xf32>
    %get3A_236 = arith.constant 0 : index
    %get3A_237 = arith.constant 0 : index
    %get3A_238 = arith.constant 0 : index
    %get3A_239 = vector.load %arg3[%get3A_236, %get3A_237, %get3A_238] : memref<16x128x128xf32, #tpu.memory_space<vmem>>, vector<16x128x128xf32>
    %add3A_240 = arith.addf %get3A_239, %concatenate3A_235 : vector<16x128x128xf32>
    %swap3A_241 = arith.constant 0 : index
    %swap3A_242 = arith.constant 0 : index
    %swap3A_243 = arith.constant 0 : index
    %swap3A_244 = vector.load %arg3[%swap3A_241, %swap3A_242, %swap3A_243] : memref<16x128x128xf32, #tpu.memory_space<vmem>>, vector<16x128x128xf32>
    tpu.vector_store %arg3[%swap3A_241, %swap3A_242, %swap3A_243], %add3A_240 {strides = array<i32>} : memref<16x128x128xf32, #tpu.memory_space<vmem>>, vector<16x128x128xf32>,
    %get3A_245 = arith.constant 14 : index
    %get3A_246 = arith.constant 0 : index
    %get3A_247 = arith.constant 0 : index
    %get3A_248 = vector.load %arg2[%get3A_245, %get3A_246, %get3A_247] : memref<49x128x128xf32, #tpu.memory_space<vmem>>, vector<1x128x128xf32>
    %get3A_249 = vector.shape_cast %get3A_248 : vector<1x128x128xf32> to vector<128x128xf32>
    %broadcast_in_dim3A_250 = vector.shape_cast %get3A_249 : vector<128x128xf32> to vector<1x128x128xf32>
    %mul3A_251 = vector.broadcast %broadcast_in_dim3A_250 : vector<1x128x128xf32> to vector<16x128x128xf32>
    %mul3A_252 = arith.mulf %mul3A_251, %get3A_2 : vector<16x128x128xf32>
    %slice3A_253 = vector.extract_strided_slice %mul3A_252 {offsets = [0, 0, 0], sizes = [16, 128, 4], strides = [1, 1, 1]} : vector<16x128x128xf32> to vector<16x128x4xf32>
    %reduce_sum3A_254 = arith.constant dense<0.000000e+00> : vector<16x128xf32>
    %reduce_sum3A_255 = vector.multi_reduction <add>, %slice3A_253, %reduce_sum3A_254 [2] : vector<16x128x4xf32> to vector<16x128xf32>
    %broadcast_in_dim3A_256 = vector.shape_cast %reduce_sum3A_255 : vector<16x128xf32> to vector<16x128x1xf32>
    %slice3A_257 = vector.extract_strided_slice %mul3A_252 {offsets = [0, 0, 4], sizes = [16, 128, 124], strides = [1, 1, 1]} : vector<16x128x128xf32> to vector<16x128x124xf32>
    %broadcast_in_dim3A_258 = arith.constant 0.000000e+00 : f32
    %broadcast_in_dim3A_259 = vector.broadcast %broadcast_in_dim3A_258 : f32 to vector<16x128x3xf32>
    %concatenate3A_260 = tpu.concatenate %broadcast_in_dim3A_256, %slice3A_257, %broadcast_in_dim3A_259 in 2 : vector<16x128x1xf32>, vector<16x128x124xf32>, vector<16x128x3xf32> -> vector<16x128x128xf32>
    %get3A_261 = arith.constant 15 : index
    %get3A_262 = arith.constant 0 : index
    %get3A_263 = arith.constant 0 : index
    %get3A_264 = vector.load %arg2[%get3A_261, %get3A_262, %get3A_263] : memref<49x128x128xf32, #tpu.memory_space<vmem>>, vector<1x128x128xf32>
    %get3A_265 = vector.shape_cast %get3A_264 : vector<1x128x128xf32> to vector<128x128xf32>
    %broadcast_in_dim3A_266 = vector.shape_cast %get3A_265 : vector<128x128xf32> to vector<1x128x128xf32>
    %mul3A_267 = vector.broadcast %broadcast_in_dim3A_266 : vector<1x128x128xf32> to vector<16x128x128xf32>
    %mul3A_268 = arith.mulf %mul3A_267, %get3A_2 : vector<16x128x128xf32>
    %slice3A_269 = vector.extract_strided_slice %mul3A_268 {offsets = [0, 0, 0], sizes = [16, 128, 3], strides = [1, 1, 1]} : vector<16x128x128xf32> to vector<16x128x3xf32>
    %reduce_sum3A_270 = arith.constant dense<0.000000e+00> : vector<16x128xf32>
    %reduce_sum3A_271 = vector.multi_reduction <add>, %slice3A_269, %reduce_sum3A_270 [2] : vector<16x128x3xf32> to vector<16x128xf32>
    %broadcast_in_dim3A_272 = vector.shape_cast %reduce_sum3A_271 : vector<16x128xf32> to vector<16x128x1xf32>
    %slice3A_273 = vector.extract_strided_slice %mul3A_268 {offsets = [0, 0, 3], sizes = [16, 128, 125], strides = [1, 1, 1]} : vector<16x128x128xf32> to vector<16x128x125xf32>
    %broadcast_in_dim3A_274 = arith.constant 0.000000e+00 : f32
    %broadcast_in_dim3A_275 = vector.broadcast %broadcast_in_dim3A_274 : f32 to vector<16x128x2xf32>
    %concatenate3A_276 = tpu.concatenate %broadcast_in_dim3A_272, %slice3A_273, %broadcast_in_dim3A_275 in 2 : vector<16x128x1xf32>, vector<16x128x125xf32>, vector<16x128x2xf32> -> vector<16x128x128xf32>
    %add3A_277 = arith.addf %concatenate3A_260, %concatenate3A_276 : vector<16x128x128xf32>
    %get3A_278 = arith.constant 16 : index
    %get3A_279 = arith.constant 0 : index
    %get3A_280 = arith.constant 0 : index
    %get3A_281 = vector.load %arg2[%get3A_278, %get3A_279, %get3A_280] : memref<49x128x128xf32, #tpu.memory_space<vmem>>, vector<1x128x128xf32>
    %get3A_282 = vector.shape_cast %get3A_281 : vector<1x128x128xf32> to vector<128x128xf32>
    %broadcast_in_dim3A_283 = vector.shape_cast %get3A_282 : vector<128x128xf32> to vector<1x128x128xf32>
    %mul3A_284 = vector.broadcast %broadcast_in_dim3A_283 : vector<1x128x128xf32> to vector<16x128x128xf32>
    %mul3A_285 = arith.mulf %mul3A_284, %get3A_2 : vector<16x128x128xf32>
    %slice3A_286 = vector.extract_strided_slice %mul3A_285 {offsets = [0, 0, 0], sizes = [16, 128, 2], strides = [1, 1, 1]} : vector<16x128x128xf32> to vector<16x128x2xf32>
    %reduce_sum3A_287 = arith.constant dense<0.000000e+00> : vector<16x128xf32>
    %reduce_sum3A_288 = vector.multi_reduction <add>, %slice3A_286, %reduce_sum3A_287 [2] : vector<16x128x2xf32> to vector<16x128xf32>
    %broadcast_in_dim3A_289 = vector.shape_cast %reduce_sum3A_288 : vector<16x128xf32> to vector<16x128x1xf32>
    %slice3A_290 = vector.extract_strided_slice %mul3A_285 {offsets = [0, 0, 2], sizes = [16, 128, 126], strides = [1, 1, 1]} : vector<16x128x128xf32> to vector<16x128x126xf32>
    %broadcast_in_dim3A_291 = arith.constant 0.000000e+00 : f32
    %broadcast_in_dim3A_292 = vector.broadcast %broadcast_in_dim3A_291 : f32 to vector<16x128x1xf32>
    %concatenate3A_293 = tpu.concatenate %broadcast_in_dim3A_289, %slice3A_290, %broadcast_in_dim3A_292 in 2 : vector<16x128x1xf32>, vector<16x128x126xf32>, vector<16x128x1xf32> -> vector<16x128x128xf32>
    %add3A_294 = arith.addf %add3A_277, %concatenate3A_293 : vector<16x128x128xf32>
    %get3A_295 = arith.constant 17 : index
    %get3A_296 = arith.constant 0 : index
    %get3A_297 = arith.constant 0 : index
    %get3A_298 = vector.load %arg2[%get3A_295, %get3A_296, %get3A_297] : memref<49x128x128xf32, #tpu.memory_space<vmem>>, vector<1x128x128xf32>
    %get3A_299 = vector.shape_cast %get3A_298 : vector<1x128x128xf32> to vector<128x128xf32>
    %broadcast_in_dim3A_300 = vector.shape_cast %get3A_299 : vector<128x128xf32> to vector<1x128x128xf32>
    %mul3A_301 = vector.broadcast %broadcast_in_dim3A_300 : vector<1x128x128xf32> to vector<16x128x128xf32>
    %mul3A_302 = arith.mulf %mul3A_301, %get3A_2 : vector<16x128x128xf32>
    %add3A_303 = arith.addf %add3A_294, %mul3A_302 : vector<16x128x128xf32>
    %get3A_304 = arith.constant 18 : index
    %get3A_305 = arith.constant 0 : index
    %get3A_306 = arith.constant 0 : index
    %get3A_307 = vector.load %arg2[%get3A_304, %get3A_305, %get3A_306] : memref<49x128x128xf32, #tpu.memory_space<vmem>>, vector<1x128x128xf32>
    %get3A_308 = vector.shape_cast %get3A_307 : vector<1x128x128xf32> to vector<128x128xf32>
    %broadcast_in_dim3A_309 = vector.shape_cast %get3A_308 : vector<128x128xf32> to vector<1x128x128xf32>
    %mul3A_310 = vector.broadcast %broadcast_in_dim3A_309 : vector<1x128x128xf32> to vector<16x128x128xf32>
    %mul3A_311 = arith.mulf %mul3A_310, %get3A_2 : vector<16x128x128xf32>
    %slice3A_312 = vector.extract_strided_slice %mul3A_311 {offsets = [0, 0, 126], sizes = [16, 128, 2], strides = [1, 1, 1]} : vector<16x128x128xf32> to vector<16x128x2xf32>
    %reduce_sum3A_313 = arith.constant dense<0.000000e+00> : vector<16x128xf32>
    %reduce_sum3A_314 = vector.multi_reduction <add>, %slice3A_312, %reduce_sum3A_313 [2] : vector<16x128x2xf32> to vector<16x128xf32>
    %broadcast_in_dim3A_315 = vector.shape_cast %reduce_sum3A_314 : vector<16x128xf32> to vector<16x128x1xf32>
    %broadcast_in_dim3A_316 = arith.constant 0.000000e+00 : f32
    %broadcast_in_dim3A_317 = vector.broadcast %broadcast_in_dim3A_316 : f32 to vector<16x128x1xf32>
    %slice3A_318 = vector.extract_strided_slice %mul3A_311 {offsets = [0, 0, 0], sizes = [16, 128, 126], strides = [1, 1, 1]} : vector<16x128x128xf32> to vector<16x128x126xf32>
    %concatenate3A_319 = tpu.concatenate %broadcast_in_dim3A_317, %slice3A_318, %broadcast_in_dim3A_315 in 2 : vector<16x128x1xf32>, vector<16x128x126xf32>, vector<16x128x1xf32> -> vector<16x128x128xf32>
    %add3A_320 = arith.addf %add3A_303, %concatenate3A_319 : vector<16x128x128xf32>
    %get3A_321 = arith.constant 19 : index
    %get3A_322 = arith.constant 0 : index
    %get3A_323 = arith.constant 0 : index
    %get3A_324 = vector.load %arg2[%get3A_321, %get3A_322, %get3A_323] : memref<49x128x128xf32, #tpu.memory_space<vmem>>, vector<1x128x128xf32>
    %get3A_325 = vector.shape_cast %get3A_324 : vector<1x128x128xf32> to vector<128x128xf32>
    %broadcast_in_dim3A_326 = vector.shape_cast %get3A_325 : vector<128x128xf32> to vector<1x128x128xf32>
    %mul3A_327 = vector.broadcast %broadcast_in_dim3A_326 : vector<1x128x128xf32> to vector<16x128x128xf32>
    %mul3A_328 = arith.mulf %mul3A_327, %get3A_2 : vector<16x128x128xf32>
    %slice3A_329 = vector.extract_strided_slice %mul3A_328 {offsets = [0, 0, 125], sizes = [16, 128, 3], strides = [1, 1, 1]} : vector<16x128x128xf32> to vector<16x128x3xf32>
    %reduce_sum3A_330 = arith.constant dense<0.000000e+00> : vector<16x128xf32>
    %reduce_sum3A_331 = vector.multi_reduction <add>, %slice3A_329, %reduce_sum3A_330 [2] : vector<16x128x3xf32> to vector<16x128xf32>
    %broadcast_in_dim3A_332 = vector.shape_cast %reduce_sum3A_331 : vector<16x128xf32> to vector<16x128x1xf32>
    %broadcast_in_dim3A_333 = arith.constant 0.000000e+00 : f32
    %broadcast_in_dim3A_334 = vector.broadcast %broadcast_in_dim3A_333 : f32 to vector<16x128x2xf32>
    %slice3A_335 = vector.extract_strided_slice %mul3A_328 {offsets = [0, 0, 0], sizes = [16, 128, 125], strides = [1, 1, 1]} : vector<16x128x128xf32> to vector<16x128x125xf32>
    %concatenate3A_336 = tpu.concatenate %broadcast_in_dim3A_334, %slice3A_335, %broadcast_in_dim3A_332 in 2 : vector<16x128x2xf32>, vector<16x128x125xf32>, vector<16x128x1xf32> -> vector<16x128x128xf32>
    %add3A_337 = arith.addf %add3A_320, %concatenate3A_336 : vector<16x128x128xf32>
    %get3A_338 = arith.constant 20 : index
    %get3A_339 = arith.constant 0 : index
    %get3A_340 = arith.constant 0 : index
    %get3A_341 = vector.load %arg2[%get3A_338, %get3A_339, %get3A_340] : memref<49x128x128xf32, #tpu.memory_space<vmem>>, vector<1x128x128xf32>
    %get3A_342 = vector.shape_cast %get3A_341 : vector<1x128x128xf32> to vector<128x128xf32>
    %broadcast_in_dim3A_343 = vector.shape_cast %get3A_342 : vector<128x128xf32> to vector<1x128x128xf32>
    %mul3A_344 = vector.broadcast %broadcast_in_dim3A_343 : vector<1x128x128xf32> to vector<16x128x128xf32>
    %mul3A_345 = arith.mulf %mul3A_344, %get3A_2 : vector<16x128x128xf32>
    %slice3A_346 = vector.extract_strided_slice %mul3A_345 {offsets = [0, 0, 124], sizes = [16, 128, 4], strides = [1, 1, 1]} : vector<16x128x128xf32> to vector<16x128x4xf32>
    %reduce_sum3A_347 = arith.constant dense<0.000000e+00> : vector<16x128xf32>
    %reduce_sum3A_348 = vector.multi_reduction <add>, %slice3A_346, %reduce_sum3A_347 [2] : vector<16x128x4xf32> to vector<16x128xf32>
    %broadcast_in_dim3A_349 = vector.shape_cast %reduce_sum3A_348 : vector<16x128xf32> to vector<16x128x1xf32>
    %broadcast_in_dim3A_350 = arith.constant 0.000000e+00 : f32
    %broadcast_in_dim3A_351 = vector.broadcast %broadcast_in_dim3A_350 : f32 to vector<16x128x3xf32>
    %slice3A_352 = vector.extract_strided_slice %mul3A_345 {offsets = [0, 0, 0], sizes = [16, 128, 124], strides = [1, 1, 1]} : vector<16x128x128xf32> to vector<16x128x124xf32>
    %concatenate3A_353 = tpu.concatenate %broadcast_in_dim3A_351, %slice3A_352, %broadcast_in_dim3A_349 in 2 : vector<16x128x3xf32>, vector<16x128x124xf32>, vector<16x128x1xf32> -> vector<16x128x128xf32>
    %add3A_354 = arith.addf %add3A_337, %concatenate3A_353 : vector<16x128x128xf32>
    %slice3A_355 = vector.extract_strided_slice %add3A_354 {offsets = [0, 0, 0], sizes = [16, 2, 128], strides = [1, 1, 1]} : vector<16x128x128xf32> to vector<16x2x128xf32>
    %reduce_sum3A_356 = arith.constant dense<0.000000e+00> : vector<16x128xf32>
    %reduce_sum3A_357 = vector.multi_reduction <add>, %slice3A_355, %reduce_sum3A_356 [1] : vector<16x2x128xf32> to vector<16x128xf32>
    %broadcast_in_dim3A_358 = vector.shape_cast %reduce_sum3A_357 : vector<16x128xf32> to vector<16x1x128xf32>
    %slice3A_359 = vector.extract_strided_slice %add3A_354 {offsets = [0, 2, 0], sizes = [16, 126, 128], strides = [1, 1, 1]} : vector<16x128x128xf32> to vector<16x126x128xf32>
    %broadcast_in_dim3A_360 = arith.constant 0.000000e+00 : f32
    %broadcast_in_dim3A_361 = vector.broadcast %broadcast_in_dim3A_360 : f32 to vector<16x1x128xf32>
    %concatenate3A_362 = tpu.concatenate %broadcast_in_dim3A_358, %slice3A_359, %broadcast_in_dim3A_361 in 1 : vector<16x1x128xf32>, vector<16x126x128xf32>, vector<16x1x128xf32> -> vector<16x128x128xf32>
    %get3A_363 = arith.constant 0 : index
    %get3A_364 = arith.constant 0 : index
    %get3A_365 = arith.constant 0 : index
    %get3A_366 = vector.load %arg3[%get3A_363, %get3A_364, %get3A_365] : memref<16x128x128xf32, #tpu.memory_space<vmem>>, vector<16x128x128xf32>
    %add3A_367 = arith.addf %get3A_366, %concatenate3A_362 : vector<16x128x128xf32>
    %swap3A_368 = arith.constant 0 : index
    %swap3A_369 = arith.constant 0 : index
    %swap3A_370 = arith.constant 0 : index
    %swap3A_371 = vector.load %arg3[%swap3A_368, %swap3A_369, %swap3A_370] : memref<16x128x128xf32, #tpu.memory_space<vmem>>, vector<16x128x128xf32>
    tpu.vector_store %arg3[%swap3A_368, %swap3A_369, %swap3A_370], %add3A_367 {strides = array<i32>} : memref<16x128x128xf32, #tpu.memory_space<vmem>>, vector<16x128x128xf32>,
    %get3A_372 = arith.constant 21 : index
    %get3A_373 = arith.constant 0 : index
    %get3A_374 = arith.constant 0 : index
    %get3A_375 = vector.load %arg2[%get3A_372, %get3A_373, %get3A_374] : memref<49x128x128xf32, #tpu.memory_space<vmem>>, vector<1x128x128xf32>
    %get3A_376 = vector.shape_cast %get3A_375 : vector<1x128x128xf32> to vector<128x128xf32>
    %broadcast_in_dim3A_377 = vector.shape_cast %get3A_376 : vector<128x128xf32> to vector<1x128x128xf32>
    %mul3A_378 = vector.broadcast %broadcast_in_dim3A_377 : vector<1x128x128xf32> to vector<16x128x128xf32>
    %mul3A_379 = arith.mulf %mul3A_378, %get3A_2 : vector<16x128x128xf32>
    %slice3A_380 = vector.extract_strided_slice %mul3A_379 {offsets = [0, 0, 0], sizes = [16, 128, 4], strides = [1, 1, 1]} : vector<16x128x128xf32> to vector<16x128x4xf32>
    %reduce_sum3A_381 = arith.constant dense<0.000000e+00> : vector<16x128xf32>
    %reduce_sum3A_382 = vector.multi_reduction <add>, %slice3A_380, %reduce_sum3A_381 [2] : vector<16x128x4xf32> to vector<16x128xf32>
    %broadcast_in_dim3A_383 = vector.shape_cast %reduce_sum3A_382 : vector<16x128xf32> to vector<16x128x1xf32>
    %slice3A_384 = vector.extract_strided_slice %mul3A_379 {offsets = [0, 0, 4], sizes = [16, 128, 124], strides = [1, 1, 1]} : vector<16x128x128xf32> to vector<16x128x124xf32>
    %broadcast_in_dim3A_385 = arith.constant 0.000000e+00 : f32
    %broadcast_in_dim3A_386 = vector.broadcast %broadcast_in_dim3A_385 : f32 to vector<16x128x3xf32>
    %concatenate3A_387 = tpu.concatenate %broadcast_in_dim3A_383, %slice3A_384, %broadcast_in_dim3A_386 in 2 : vector<16x128x1xf32>, vector<16x128x124xf32>, vector<16x128x3xf32> -> vector<16x128x128xf32>
    %get3A_388 = arith.constant 22 : index
    %get3A_389 = arith.constant 0 : index
    %get3A_390 = arith.constant 0 : index
    %get3A_391 = vector.load %arg2[%get3A_388, %get3A_389, %get3A_390] : memref<49x128x128xf32, #tpu.memory_space<vmem>>, vector<1x128x128xf32>
    %get3A_392 = vector.shape_cast %get3A_391 : vector<1x128x128xf32> to vector<128x128xf32>
    %broadcast_in_dim3A_393 = vector.shape_cast %get3A_392 : vector<128x128xf32> to vector<1x128x128xf32>
    %mul3A_394 = vector.broadcast %broadcast_in_dim3A_393 : vector<1x128x128xf32> to vector<16x128x128xf32>
    %mul3A_395 = arith.mulf %mul3A_394, %get3A_2 : vector<16x128x128xf32>
    %slice3A_396 = vector.extract_strided_slice %mul3A_395 {offsets = [0, 0, 0], sizes = [16, 128, 3], strides = [1, 1, 1]} : vector<16x128x128xf32> to vector<16x128x3xf32>
    %reduce_sum3A_397 = arith.constant dense<0.000000e+00> : vector<16x128xf32>
    %reduce_sum3A_398 = vector.multi_reduction <add>, %slice3A_396, %reduce_sum3A_397 [2] : vector<16x128x3xf32> to vector<16x128xf32>
    %broadcast_in_dim3A_399 = vector.shape_cast %reduce_sum3A_398 : vector<16x128xf32> to vector<16x128x1xf32>
    %slice3A_400 = vector.extract_strided_slice %mul3A_395 {offsets = [0, 0, 3], sizes = [16, 128, 125], strides = [1, 1, 1]} : vector<16x128x128xf32> to vector<16x128x125xf32>
    %broadcast_in_dim3A_401 = arith.constant 0.000000e+00 : f32
    %broadcast_in_dim3A_402 = vector.broadcast %broadcast_in_dim3A_401 : f32 to vector<16x128x2xf32>
    %concatenate3A_403 = tpu.concatenate %broadcast_in_dim3A_399, %slice3A_400, %broadcast_in_dim3A_402 in 2 : vector<16x128x1xf32>, vector<16x128x125xf32>, vector<16x128x2xf32> -> vector<16x128x128xf32>
    %add3A_404 = arith.addf %concatenate3A_387, %concatenate3A_403 : vector<16x128x128xf32>
    %get3A_405 = arith.constant 23 : index
    %get3A_406 = arith.constant 0 : index
    %get3A_407 = arith.constant 0 : index
    %get3A_408 = vector.load %arg2[%get3A_405, %get3A_406, %get3A_407] : memref<49x128x128xf32, #tpu.memory_space<vmem>>, vector<1x128x128xf32>
    %get3A_409 = vector.shape_cast %get3A_408 : vector<1x128x128xf32> to vector<128x128xf32>
    %broadcast_in_dim3A_410 = vector.shape_cast %get3A_409 : vector<128x128xf32> to vector<1x128x128xf32>
    %mul3A_411 = vector.broadcast %broadcast_in_dim3A_410 : vector<1x128x128xf32> to vector<16x128x128xf32>
    %mul3A_412 = arith.mulf %mul3A_411, %get3A_2 : vector<16x128x128xf32>
    %slice3A_413 = vector.extract_strided_slice %mul3A_412 {offsets = [0, 0, 0], sizes = [16, 128, 2], strides = [1, 1, 1]} : vector<16x128x128xf32> to vector<16x128x2xf32>
    %reduce_sum3A_414 = arith.constant dense<0.000000e+00> : vector<16x128xf32>
    %reduce_sum3A_415 = vector.multi_reduction <add>, %slice3A_413, %reduce_sum3A_414 [2] : vector<16x128x2xf32> to vector<16x128xf32>
    %broadcast_in_dim3A_416 = vector.shape_cast %reduce_sum3A_415 : vector<16x128xf32> to vector<16x128x1xf32>
    %slice3A_417 = vector.extract_strided_slice %mul3A_412 {offsets = [0, 0, 2], sizes = [16, 128, 126], strides = [1, 1, 1]} : vector<16x128x128xf32> to vector<16x128x126xf32>
    %broadcast_in_dim3A_418 = arith.constant 0.000000e+00 : f32
    %broadcast_in_dim3A_419 = vector.broadcast %broadcast_in_dim3A_418 : f32 to vector<16x128x1xf32>
    %concatenate3A_420 = tpu.concatenate %broadcast_in_dim3A_416, %slice3A_417, %broadcast_in_dim3A_419 in 2 : vector<16x128x1xf32>, vector<16x128x126xf32>, vector<16x128x1xf32> -> vector<16x128x128xf32>
    %add3A_421 = arith.addf %add3A_404, %concatenate3A_420 : vector<16x128x128xf32>
    %get3A_422 = arith.constant 24 : index
    %get3A_423 = arith.constant 0 : index
    %get3A_424 = arith.constant 0 : index
    %get3A_425 = vector.load %arg2[%get3A_422, %get3A_423, %get3A_424] : memref<49x128x128xf32, #tpu.memory_space<vmem>>, vector<1x128x128xf32>
    %get3A_426 = vector.shape_cast %get3A_425 : vector<1x128x128xf32> to vector<128x128xf32>
    %broadcast_in_dim3A_427 = vector.shape_cast %get3A_426 : vector<128x128xf32> to vector<1x128x128xf32>
    %mul3A_428 = vector.broadcast %broadcast_in_dim3A_427 : vector<1x128x128xf32> to vector<16x128x128xf32>
    %mul3A_429 = arith.mulf %mul3A_428, %get3A_2 : vector<16x128x128xf32>
    %add3A_430 = arith.addf %add3A_421, %mul3A_429 : vector<16x128x128xf32>
    %get3A_431 = arith.constant 25 : index
    %get3A_432 = arith.constant 0 : index
    %get3A_433 = arith.constant 0 : index
    %get3A_434 = vector.load %arg2[%get3A_431, %get3A_432, %get3A_433] : memref<49x128x128xf32, #tpu.memory_space<vmem>>, vector<1x128x128xf32>
    %get3A_435 = vector.shape_cast %get3A_434 : vector<1x128x128xf32> to vector<128x128xf32>
    %broadcast_in_dim3A_436 = vector.shape_cast %get3A_435 : vector<128x128xf32> to vector<1x128x128xf32>
    %mul3A_437 = vector.broadcast %broadcast_in_dim3A_436 : vector<1x128x128xf32> to vector<16x128x128xf32>
    %mul3A_438 = arith.mulf %mul3A_437, %get3A_2 : vector<16x128x128xf32>
    %slice3A_439 = vector.extract_strided_slice %mul3A_438 {offsets = [0, 0, 126], sizes = [16, 128, 2], strides = [1, 1, 1]} : vector<16x128x128xf32> to vector<16x128x2xf32>
    %reduce_sum3A_440 = arith.constant dense<0.000000e+00> : vector<16x128xf32>
    %reduce_sum3A_441 = vector.multi_reduction <add>, %slice3A_439, %reduce_sum3A_440 [2] : vector<16x128x2xf32> to vector<16x128xf32>
    %broadcast_in_dim3A_442 = vector.shape_cast %reduce_sum3A_441 : vector<16x128xf32> to vector<16x128x1xf32>
    %broadcast_in_dim3A_443 = arith.constant 0.000000e+00 : f32
    %broadcast_in_dim3A_444 = vector.broadcast %broadcast_in_dim3A_443 : f32 to vector<16x128x1xf32>
    %slice3A_445 = vector.extract_strided_slice %mul3A_438 {offsets = [0, 0, 0], sizes = [16, 128, 126], strides = [1, 1, 1]} : vector<16x128x128xf32> to vector<16x128x126xf32>
    %concatenate3A_446 = tpu.concatenate %broadcast_in_dim3A_444, %slice3A_445, %broadcast_in_dim3A_442 in 2 : vector<16x128x1xf32>, vector<16x128x126xf32>, vector<16x128x1xf32> -> vector<16x128x128xf32>
    %add3A_447 = arith.addf %add3A_430, %concatenate3A_446 : vector<16x128x128xf32>
    %get3A_448 = arith.constant 26 : index
    %get3A_449 = arith.constant 0 : index
    %get3A_450 = arith.constant 0 : index
    %get3A_451 = vector.load %arg2[%get3A_448, %get3A_449, %get3A_450] : memref<49x128x128xf32, #tpu.memory_space<vmem>>, vector<1x128x128xf32>
    %get3A_452 = vector.shape_cast %get3A_451 : vector<1x128x128xf32> to vector<128x128xf32>
    %broadcast_in_dim3A_453 = vector.shape_cast %get3A_452 : vector<128x128xf32> to vector<1x128x128xf32>
    %mul3A_454 = vector.broadcast %broadcast_in_dim3A_453 : vector<1x128x128xf32> to vector<16x128x128xf32>
    %mul3A_455 = arith.mulf %mul3A_454, %get3A_2 : vector<16x128x128xf32>
    %slice3A_456 = vector.extract_strided_slice %mul3A_455 {offsets = [0, 0, 125], sizes = [16, 128, 3], strides = [1, 1, 1]} : vector<16x128x128xf32> to vector<16x128x3xf32>
    %reduce_sum3A_457 = arith.constant dense<0.000000e+00> : vector<16x128xf32>
    %reduce_sum3A_458 = vector.multi_reduction <add>, %slice3A_456, %reduce_sum3A_457 [2] : vector<16x128x3xf32> to vector<16x128xf32>
    %broadcast_in_dim3A_459 = vector.shape_cast %reduce_sum3A_458 : vector<16x128xf32> to vector<16x128x1xf32>
    %broadcast_in_dim3A_460 = arith.constant 0.000000e+00 : f32
    %broadcast_in_dim3A_461 = vector.broadcast %broadcast_in_dim3A_460 : f32 to vector<16x128x2xf32>
    %slice3A_462 = vector.extract_strided_slice %mul3A_455 {offsets = [0, 0, 0], sizes = [16, 128, 125], strides = [1, 1, 1]} : vector<16x128x128xf32> to vector<16x128x125xf32>
    %concatenate3A_463 = tpu.concatenate %broadcast_in_dim3A_461, %slice3A_462, %broadcast_in_dim3A_459 in 2 : vector<16x128x2xf32>, vector<16x128x125xf32>, vector<16x128x1xf32> -> vector<16x128x128xf32>
    %add3A_464 = arith.addf %add3A_447, %concatenate3A_463 : vector<16x128x128xf32>
    %get3A_465 = arith.constant 27 : index
    %get3A_466 = arith.constant 0 : index
    %get3A_467 = arith.constant 0 : index
    %get3A_468 = vector.load %arg2[%get3A_465, %get3A_466, %get3A_467] : memref<49x128x128xf32, #tpu.memory_space<vmem>>, vector<1x128x128xf32>
    %get3A_469 = vector.shape_cast %get3A_468 : vector<1x128x128xf32> to vector<128x128xf32>
    %broadcast_in_dim3A_470 = vector.shape_cast %get3A_469 : vector<128x128xf32> to vector<1x128x128xf32>
    %mul3A_471 = vector.broadcast %broadcast_in_dim3A_470 : vector<1x128x128xf32> to vector<16x128x128xf32>
    %mul3A_472 = arith.mulf %mul3A_471, %get3A_2 : vector<16x128x128xf32>
    %slice3A_473 = vector.extract_strided_slice %mul3A_472 {offsets = [0, 0, 124], sizes = [16, 128, 4], strides = [1, 1, 1]} : vector<16x128x128xf32> to vector<16x128x4xf32>
    %reduce_sum3A_474 = arith.constant dense<0.000000e+00> : vector<16x128xf32>
    %reduce_sum3A_475 = vector.multi_reduction <add>, %slice3A_473, %reduce_sum3A_474 [2] : vector<16x128x4xf32> to vector<16x128xf32>
    %broadcast_in_dim3A_476 = vector.shape_cast %reduce_sum3A_475 : vector<16x128xf32> to vector<16x128x1xf32>
    %broadcast_in_dim3A_477 = arith.constant 0.000000e+00 : f32
    %broadcast_in_dim3A_478 = vector.broadcast %broadcast_in_dim3A_477 : f32 to vector<16x128x3xf32>
    %slice3A_479 = vector.extract_strided_slice %mul3A_472 {offsets = [0, 0, 0], sizes = [16, 128, 124], strides = [1, 1, 1]} : vector<16x128x128xf32> to vector<16x128x124xf32>
    %concatenate3A_480 = tpu.concatenate %broadcast_in_dim3A_478, %slice3A_479, %broadcast_in_dim3A_476 in 2 : vector<16x128x3xf32>, vector<16x128x124xf32>, vector<16x128x1xf32> -> vector<16x128x128xf32>
    %add3A_481 = arith.addf %add3A_464, %concatenate3A_480 : vector<16x128x128xf32>
    %get3A_482 = arith.constant 0 : index
    %get3A_483 = arith.constant 0 : index
    %get3A_484 = arith.constant 0 : index
    %get3A_485 = vector.load %arg3[%get3A_482, %get3A_483, %get3A_484] : memref<16x128x128xf32, #tpu.memory_space<vmem>>, vector<16x128x128xf32>
    %add3A_486 = arith.addf %get3A_485, %add3A_481 : vector<16x128x128xf32>
    %swap3A_487 = arith.constant 0 : index
    %swap3A_488 = arith.constant 0 : index
    %swap3A_489 = arith.constant 0 : index
    %swap3A_490 = vector.load %arg3[%swap3A_487, %swap3A_488, %swap3A_489] : memref<16x128x128xf32, #tpu.memory_space<vmem>>, vector<16x128x128xf32>
    tpu.vector_store %arg3[%swap3A_487, %swap3A_488, %swap3A_489], %add3A_486 {strides = array<i32>} : memref<16x128x128xf32, #tpu.memory_space<vmem>>, vector<16x128x128xf32>,
    %get3A_491 = arith.constant 28 : index
    %get3A_492 = arith.constant 0 : index
    %get3A_493 = arith.constant 0 : index
    %get3A_494 = vector.load %arg2[%get3A_491, %get3A_492, %get3A_493] : memref<49x128x128xf32, #tpu.memory_space<vmem>>, vector<1x128x128xf32>
    %get3A_495 = vector.shape_cast %get3A_494 : vector<1x128x128xf32> to vector<128x128xf32>
    %broadcast_in_dim3A_496 = vector.shape_cast %get3A_495 : vector<128x128xf32> to vector<1x128x128xf32>
    %mul3A_497 = vector.broadcast %broadcast_in_dim3A_496 : vector<1x128x128xf32> to vector<16x128x128xf32>
    %mul3A_498 = arith.mulf %mul3A_497, %get3A_2 : vector<16x128x128xf32>
    %slice3A_499 = vector.extract_strided_slice %mul3A_498 {offsets = [0, 0, 0], sizes = [16, 128, 4], strides = [1, 1, 1]} : vector<16x128x128xf32> to vector<16x128x4xf32>
    %reduce_sum3A_500 = arith.constant dense<0.000000e+00> : vector<16x128xf32>
    %reduce_sum3A_501 = vector.multi_reduction <add>, %slice3A_499, %reduce_sum3A_500 [2] : vector<16x128x4xf32> to vector<16x128xf32>
    %broadcast_in_dim3A_502 = vector.shape_cast %reduce_sum3A_501 : vector<16x128xf32> to vector<16x128x1xf32>
    %slice3A_503 = vector.extract_strided_slice %mul3A_498 {offsets = [0, 0, 4], sizes = [16, 128, 124], strides = [1, 1, 1]} : vector<16x128x128xf32> to vector<16x128x124xf32>
    %broadcast_in_dim3A_504 = arith.constant 0.000000e+00 : f32
    %broadcast_in_dim3A_505 = vector.broadcast %broadcast_in_dim3A_504 : f32 to vector<16x128x3xf32>
    %concatenate3A_506 = tpu.concatenate %broadcast_in_dim3A_502, %slice3A_503, %broadcast_in_dim3A_505 in 2 : vector<16x128x1xf32>, vector<16x128x124xf32>, vector<16x128x3xf32> -> vector<16x128x128xf32>
    %get3A_507 = arith.constant 29 : index
    %get3A_508 = arith.constant 0 : index
    %get3A_509 = arith.constant 0 : index
    %get3A_510 = vector.load %arg2[%get3A_507, %get3A_508, %get3A_509] : memref<49x128x128xf32, #tpu.memory_space<vmem>>, vector<1x128x128xf32>
    %get3A_511 = vector.shape_cast %get3A_510 : vector<1x128x128xf32> to vector<128x128xf32>
    %broadcast_in_dim3A_512 = vector.shape_cast %get3A_511 : vector<128x128xf32> to vector<1x128x128xf32>
    %mul3A_513 = vector.broadcast %broadcast_in_dim3A_512 : vector<1x128x128xf32> to vector<16x128x128xf32>
    %mul3A_514 = arith.mulf %mul3A_513, %get3A_2 : vector<16x128x128xf32>
    %slice3A_515 = vector.extract_strided_slice %mul3A_514 {offsets = [0, 0, 0], sizes = [16, 128, 3], strides = [1, 1, 1]} : vector<16x128x128xf32> to vector<16x128x3xf32>
    %reduce_sum3A_516 = arith.constant dense<0.000000e+00> : vector<16x128xf32>
    %reduce_sum3A_517 = vector.multi_reduction <add>, %slice3A_515, %reduce_sum3A_516 [2] : vector<16x128x3xf32> to vector<16x128xf32>
    %broadcast_in_dim3A_518 = vector.shape_cast %reduce_sum3A_517 : vector<16x128xf32> to vector<16x128x1xf32>
    %slice3A_519 = vector.extract_strided_slice %mul3A_514 {offsets = [0, 0, 3], sizes = [16, 128, 125], strides = [1, 1, 1]} : vector<16x128x128xf32> to vector<16x128x125xf32>
    %broadcast_in_dim3A_520 = arith.constant 0.000000e+00 : f32
    %broadcast_in_dim3A_521 = vector.broadcast %broadcast_in_dim3A_520 : f32 to vector<16x128x2xf32>
    %concatenate3A_522 = tpu.concatenate %broadcast_in_dim3A_518, %slice3A_519, %broadcast_in_dim3A_521 in 2 : vector<16x128x1xf32>, vector<16x128x125xf32>, vector<16x128x2xf32> -> vector<16x128x128xf32>
    %add3A_523 = arith.addf %concatenate3A_506, %concatenate3A_522 : vector<16x128x128xf32>
    %get3A_524 = arith.constant 30 : index
    %get3A_525 = arith.constant 0 : index
    %get3A_526 = arith.constant 0 : index
    %get3A_527 = vector.load %arg2[%get3A_524, %get3A_525, %get3A_526] : memref<49x128x128xf32, #tpu.memory_space<vmem>>, vector<1x128x128xf32>
    %get3A_528 = vector.shape_cast %get3A_527 : vector<1x128x128xf32> to vector<128x128xf32>
    %broadcast_in_dim3A_529 = vector.shape_cast %get3A_528 : vector<128x128xf32> to vector<1x128x128xf32>
    %mul3A_530 = vector.broadcast %broadcast_in_dim3A_529 : vector<1x128x128xf32> to vector<16x128x128xf32>
    %mul3A_531 = arith.mulf %mul3A_530, %get3A_2 : vector<16x128x128xf32>
    %slice3A_532 = vector.extract_strided_slice %mul3A_531 {offsets = [0, 0, 0], sizes = [16, 128, 2], strides = [1, 1, 1]} : vector<16x128x128xf32> to vector<16x128x2xf32>
    %reduce_sum3A_533 = arith.constant dense<0.000000e+00> : vector<16x128xf32>
    %reduce_sum3A_534 = vector.multi_reduction <add>, %slice3A_532, %reduce_sum3A_533 [2] : vector<16x128x2xf32> to vector<16x128xf32>
    %broadcast_in_dim3A_535 = vector.shape_cast %reduce_sum3A_534 : vector<16x128xf32> to vector<16x128x1xf32>
    %slice3A_536 = vector.extract_strided_slice %mul3A_531 {offsets = [0, 0, 2], sizes = [16, 128, 126], strides = [1, 1, 1]} : vector<16x128x128xf32> to vector<16x128x126xf32>
    %broadcast_in_dim3A_537 = arith.constant 0.000000e+00 : f32
    %broadcast_in_dim3A_538 = vector.broadcast %broadcast_in_dim3A_537 : f32 to vector<16x128x1xf32>
    %concatenate3A_539 = tpu.concatenate %broadcast_in_dim3A_535, %slice3A_536, %broadcast_in_dim3A_538 in 2 : vector<16x128x1xf32>, vector<16x128x126xf32>, vector<16x128x1xf32> -> vector<16x128x128xf32>
    %add3A_540 = arith.addf %add3A_523, %concatenate3A_539 : vector<16x128x128xf32>
    %get3A_541 = arith.constant 31 : index
    %get3A_542 = arith.constant 0 : index
    %get3A_543 = arith.constant 0 : index
    %get3A_544 = vector.load %arg2[%get3A_541, %get3A_542, %get3A_543] : memref<49x128x128xf32, #tpu.memory_space<vmem>>, vector<1x128x128xf32>
    %get3A_545 = vector.shape_cast %get3A_544 : vector<1x128x128xf32> to vector<128x128xf32>
    %broadcast_in_dim3A_546 = vector.shape_cast %get3A_545 : vector<128x128xf32> to vector<1x128x128xf32>
    %mul3A_547 = vector.broadcast %broadcast_in_dim3A_546 : vector<1x128x128xf32> to vector<16x128x128xf32>
    %mul3A_548 = arith.mulf %mul3A_547, %get3A_2 : vector<16x128x128xf32>
    %add3A_549 = arith.addf %add3A_540, %mul3A_548 : vector<16x128x128xf32>
    %get3A_550 = arith.constant 32 : index
    %get3A_551 = arith.constant 0 : index
    %get3A_552 = arith.constant 0 : index
    %get3A_553 = vector.load %arg2[%get3A_550, %get3A_551, %get3A_552] : memref<49x128x128xf32, #tpu.memory_space<vmem>>, vector<1x128x128xf32>
    %get3A_554 = vector.shape_cast %get3A_553 : vector<1x128x128xf32> to vector<128x128xf32>
    %broadcast_in_dim3A_555 = vector.shape_cast %get3A_554 : vector<128x128xf32> to vector<1x128x128xf32>
    %mul3A_556 = vector.broadcast %broadcast_in_dim3A_555 : vector<1x128x128xf32> to vector<16x128x128xf32>
    %mul3A_557 = arith.mulf %mul3A_556, %get3A_2 : vector<16x128x128xf32>
    %slice3A_558 = vector.extract_strided_slice %mul3A_557 {offsets = [0, 0, 126], sizes = [16, 128, 2], strides = [1, 1, 1]} : vector<16x128x128xf32> to vector<16x128x2xf32>
    %reduce_sum3A_559 = arith.constant dense<0.000000e+00> : vector<16x128xf32>
    %reduce_sum3A_560 = vector.multi_reduction <add>, %slice3A_558, %reduce_sum3A_559 [2] : vector<16x128x2xf32> to vector<16x128xf32>
    %broadcast_in_dim3A_561 = vector.shape_cast %reduce_sum3A_560 : vector<16x128xf32> to vector<16x128x1xf32>
    %broadcast_in_dim3A_562 = arith.constant 0.000000e+00 : f32
    %broadcast_in_dim3A_563 = vector.broadcast %broadcast_in_dim3A_562 : f32 to vector<16x128x1xf32>
    %slice3A_564 = vector.extract_strided_slice %mul3A_557 {offsets = [0, 0, 0], sizes = [16, 128, 126], strides = [1, 1, 1]} : vector<16x128x128xf32> to vector<16x128x126xf32>
    %concatenate3A_565 = tpu.concatenate %broadcast_in_dim3A_563, %slice3A_564, %broadcast_in_dim3A_561 in 2 : vector<16x128x1xf32>, vector<16x128x126xf32>, vector<16x128x1xf32> -> vector<16x128x128xf32>
    %add3A_566 = arith.addf %add3A_549, %concatenate3A_565 : vector<16x128x128xf32>
    %get3A_567 = arith.constant 33 : index
    %get3A_568 = arith.constant 0 : index
    %get3A_569 = arith.constant 0 : index
    %get3A_570 = vector.load %arg2[%get3A_567, %get3A_568, %get3A_569] : memref<49x128x128xf32, #tpu.memory_space<vmem>>, vector<1x128x128xf32>
    %get3A_571 = vector.shape_cast %get3A_570 : vector<1x128x128xf32> to vector<128x128xf32>
    %broadcast_in_dim3A_572 = vector.shape_cast %get3A_571 : vector<128x128xf32> to vector<1x128x128xf32>
    %mul3A_573 = vector.broadcast %broadcast_in_dim3A_572 : vector<1x128x128xf32> to vector<16x128x128xf32>
    %mul3A_574 = arith.mulf %mul3A_573, %get3A_2 : vector<16x128x128xf32>
    %slice3A_575 = vector.extract_strided_slice %mul3A_574 {offsets = [0, 0, 125], sizes = [16, 128, 3], strides = [1, 1, 1]} : vector<16x128x128xf32> to vector<16x128x3xf32>
    %reduce_sum3A_576 = arith.constant dense<0.000000e+00> : vector<16x128xf32>
    %reduce_sum3A_577 = vector.multi_reduction <add>, %slice3A_575, %reduce_sum3A_576 [2] : vector<16x128x3xf32> to vector<16x128xf32>
    %broadcast_in_dim3A_578 = vector.shape_cast %reduce_sum3A_577 : vector<16x128xf32> to vector<16x128x1xf32>
    %broadcast_in_dim3A_579 = arith.constant 0.000000e+00 : f32
    %broadcast_in_dim3A_580 = vector.broadcast %broadcast_in_dim3A_579 : f32 to vector<16x128x2xf32>
    %slice3A_581 = vector.extract_strided_slice %mul3A_574 {offsets = [0, 0, 0], sizes = [16, 128, 125], strides = [1, 1, 1]} : vector<16x128x128xf32> to vector<16x128x125xf32>
    %concatenate3A_582 = tpu.concatenate %broadcast_in_dim3A_580, %slice3A_581, %broadcast_in_dim3A_578 in 2 : vector<16x128x2xf32>, vector<16x128x125xf32>, vector<16x128x1xf32> -> vector<16x128x128xf32>
    %add3A_583 = arith.addf %add3A_566, %concatenate3A_582 : vector<16x128x128xf32>
    %get3A_584 = arith.constant 34 : index
    %get3A_585 = arith.constant 0 : index
    %get3A_586 = arith.constant 0 : index
    %get3A_587 = vector.load %arg2[%get3A_584, %get3A_585, %get3A_586] : memref<49x128x128xf32, #tpu.memory_space<vmem>>, vector<1x128x128xf32>
    %get3A_588 = vector.shape_cast %get3A_587 : vector<1x128x128xf32> to vector<128x128xf32>
    %broadcast_in_dim3A_589 = vector.shape_cast %get3A_588 : vector<128x128xf32> to vector<1x128x128xf32>
    %mul3A_590 = vector.broadcast %broadcast_in_dim3A_589 : vector<1x128x128xf32> to vector<16x128x128xf32>
    %mul3A_591 = arith.mulf %mul3A_590, %get3A_2 : vector<16x128x128xf32>
    %slice3A_592 = vector.extract_strided_slice %mul3A_591 {offsets = [0, 0, 124], sizes = [16, 128, 4], strides = [1, 1, 1]} : vector<16x128x128xf32> to vector<16x128x4xf32>
    %reduce_sum3A_593 = arith.constant dense<0.000000e+00> : vector<16x128xf32>
    %reduce_sum3A_594 = vector.multi_reduction <add>, %slice3A_592, %reduce_sum3A_593 [2] : vector<16x128x4xf32> to vector<16x128xf32>
    %broadcast_in_dim3A_595 = vector.shape_cast %reduce_sum3A_594 : vector<16x128xf32> to vector<16x128x1xf32>
    %broadcast_in_dim3A_596 = arith.constant 0.000000e+00 : f32
    %broadcast_in_dim3A_597 = vector.broadcast %broadcast_in_dim3A_596 : f32 to vector<16x128x3xf32>
    %slice3A_598 = vector.extract_strided_slice %mul3A_591 {offsets = [0, 0, 0], sizes = [16, 128, 124], strides = [1, 1, 1]} : vector<16x128x128xf32> to vector<16x128x124xf32>
    %concatenate3A_599 = tpu.concatenate %broadcast_in_dim3A_597, %slice3A_598, %broadcast_in_dim3A_595 in 2 : vector<16x128x3xf32>, vector<16x128x124xf32>, vector<16x128x1xf32> -> vector<16x128x128xf32>
    %add3A_600 = arith.addf %add3A_583, %concatenate3A_599 : vector<16x128x128xf32>
    %slice3A_601 = vector.extract_strided_slice %add3A_600 {offsets = [0, 126, 0], sizes = [16, 2, 128], strides = [1, 1, 1]} : vector<16x128x128xf32> to vector<16x2x128xf32>
    %reduce_sum3A_602 = arith.constant dense<0.000000e+00> : vector<16x128xf32>
    %reduce_sum3A_603 = vector.multi_reduction <add>, %slice3A_601, %reduce_sum3A_602 [1] : vector<16x2x128xf32> to vector<16x128xf32>
    %broadcast_in_dim3A_604 = vector.shape_cast %reduce_sum3A_603 : vector<16x128xf32> to vector<16x1x128xf32>
    %broadcast_in_dim3A_605 = arith.constant 0.000000e+00 : f32
    %broadcast_in_dim3A_606 = vector.broadcast %broadcast_in_dim3A_605 : f32 to vector<16x1x128xf32>
    %slice3A_607 = vector.extract_strided_slice %add3A_600 {offsets = [0, 0, 0], sizes = [16, 126, 128], strides = [1, 1, 1]} : vector<16x128x128xf32> to vector<16x126x128xf32>
    %concatenate3A_608 = tpu.concatenate %broadcast_in_dim3A_606, %slice3A_607, %broadcast_in_dim3A_604 in 1 : vector<16x1x128xf32>, vector<16x126x128xf32>, vector<16x1x128xf32> -> vector<16x128x128xf32>
    %get3A_609 = arith.constant 0 : index
    %get3A_610 = arith.constant 0 : index
    %get3A_611 = arith.constant 0 : index
    %get3A_612 = vector.load %arg3[%get3A_609, %get3A_610, %get3A_611] : memref<16x128x128xf32, #tpu.memory_space<vmem>>, vector<16x128x128xf32>
    %add3A_613 = arith.addf %get3A_612, %concatenate3A_608 : vector<16x128x128xf32>
    %swap3A_614 = arith.constant 0 : index
    %swap3A_615 = arith.constant 0 : index
    %swap3A_616 = arith.constant 0 : index
    %swap3A_617 = vector.load %arg3[%swap3A_614, %swap3A_615, %swap3A_616] : memref<16x128x128xf32, #tpu.memory_space<vmem>>, vector<16x128x128xf32>
    tpu.vector_store %arg3[%swap3A_614, %swap3A_615, %swap3A_616], %add3A_613 {strides = array<i32>} : memref<16x128x128xf32, #tpu.memory_space<vmem>>, vector<16x128x128xf32>,
    %get3A_618 = arith.constant 35 : index
    %get3A_619 = arith.constant 0 : index
    %get3A_620 = arith.constant 0 : index
    %get3A_621 = vector.load %arg2[%get3A_618, %get3A_619, %get3A_620] : memref<49x128x128xf32, #tpu.memory_space<vmem>>, vector<1x128x128xf32>
    %get3A_622 = vector.shape_cast %get3A_621 : vector<1x128x128xf32> to vector<128x128xf32>
    %broadcast_in_dim3A_623 = vector.shape_cast %get3A_622 : vector<128x128xf32> to vector<1x128x128xf32>
    %mul3A_624 = vector.broadcast %broadcast_in_dim3A_623 : vector<1x128x128xf32> to vector<16x128x128xf32>
    %mul3A_625 = arith.mulf %mul3A_624, %get3A_2 : vector<16x128x128xf32>
    %slice3A_626 = vector.extract_strided_slice %mul3A_625 {offsets = [0, 0, 0], sizes = [16, 128, 4], strides = [1, 1, 1]} : vector<16x128x128xf32> to vector<16x128x4xf32>
    %reduce_sum3A_627 = arith.constant dense<0.000000e+00> : vector<16x128xf32>
    %reduce_sum3A_628 = vector.multi_reduction <add>, %slice3A_626, %reduce_sum3A_627 [2] : vector<16x128x4xf32> to vector<16x128xf32>
    %broadcast_in_dim3A_629 = vector.shape_cast %reduce_sum3A_628 : vector<16x128xf32> to vector<16x128x1xf32>
    %slice3A_630 = vector.extract_strided_slice %mul3A_625 {offsets = [0, 0, 4], sizes = [16, 128, 124], strides = [1, 1, 1]} : vector<16x128x128xf32> to vector<16x128x124xf32>
    %broadcast_in_dim3A_631 = arith.constant 0.000000e+00 : f32
    %broadcast_in_dim3A_632 = vector.broadcast %broadcast_in_dim3A_631 : f32 to vector<16x128x3xf32>
    %concatenate3A_633 = tpu.concatenate %broadcast_in_dim3A_629, %slice3A_630, %broadcast_in_dim3A_632 in 2 : vector<16x128x1xf32>, vector<16x128x124xf32>, vector<16x128x3xf32> -> vector<16x128x128xf32>
    %get3A_634 = arith.constant 36 : index
    %get3A_635 = arith.constant 0 : index
    %get3A_636 = arith.constant 0 : index
    %get3A_637 = vector.load %arg2[%get3A_634, %get3A_635, %get3A_636] : memref<49x128x128xf32, #tpu.memory_space<vmem>>, vector<1x128x128xf32>
    %get3A_638 = vector.shape_cast %get3A_637 : vector<1x128x128xf32> to vector<128x128xf32>
    %broadcast_in_dim3A_639 = vector.shape_cast %get3A_638 : vector<128x128xf32> to vector<1x128x128xf32>
    %mul3A_640 = vector.broadcast %broadcast_in_dim3A_639 : vector<1x128x128xf32> to vector<16x128x128xf32>
    %mul3A_641 = arith.mulf %mul3A_640, %get3A_2 : vector<16x128x128xf32>
    %slice3A_642 = vector.extract_strided_slice %mul3A_641 {offsets = [0, 0, 0], sizes = [16, 128, 3], strides = [1, 1, 1]} : vector<16x128x128xf32> to vector<16x128x3xf32>
    %reduce_sum3A_643 = arith.constant dense<0.000000e+00> : vector<16x128xf32>
    %reduce_sum3A_644 = vector.multi_reduction <add>, %slice3A_642, %reduce_sum3A_643 [2] : vector<16x128x3xf32> to vector<16x128xf32>
    %broadcast_in_dim3A_645 = vector.shape_cast %reduce_sum3A_644 : vector<16x128xf32> to vector<16x128x1xf32>
    %slice3A_646 = vector.extract_strided_slice %mul3A_641 {offsets = [0, 0, 3], sizes = [16, 128, 125], strides = [1, 1, 1]} : vector<16x128x128xf32> to vector<16x128x125xf32>
    %broadcast_in_dim3A_647 = arith.constant 0.000000e+00 : f32
    %broadcast_in_dim3A_648 = vector.broadcast %broadcast_in_dim3A_647 : f32 to vector<16x128x2xf32>
    %concatenate3A_649 = tpu.concatenate %broadcast_in_dim3A_645, %slice3A_646, %broadcast_in_dim3A_648 in 2 : vector<16x128x1xf32>, vector<16x128x125xf32>, vector<16x128x2xf32> -> vector<16x128x128xf32>
    %add3A_650 = arith.addf %concatenate3A_633, %concatenate3A_649 : vector<16x128x128xf32>
    %get3A_651 = arith.constant 37 : index
    %get3A_652 = arith.constant 0 : index
    %get3A_653 = arith.constant 0 : index
    %get3A_654 = vector.load %arg2[%get3A_651, %get3A_652, %get3A_653] : memref<49x128x128xf32, #tpu.memory_space<vmem>>, vector<1x128x128xf32>
    %get3A_655 = vector.shape_cast %get3A_654 : vector<1x128x128xf32> to vector<128x128xf32>
    %broadcast_in_dim3A_656 = vector.shape_cast %get3A_655 : vector<128x128xf32> to vector<1x128x128xf32>
    %mul3A_657 = vector.broadcast %broadcast_in_dim3A_656 : vector<1x128x128xf32> to vector<16x128x128xf32>
    %mul3A_658 = arith.mulf %mul3A_657, %get3A_2 : vector<16x128x128xf32>
    %slice3A_659 = vector.extract_strided_slice %mul3A_658 {offsets = [0, 0, 0], sizes = [16, 128, 2], strides = [1, 1, 1]} : vector<16x128x128xf32> to vector<16x128x2xf32>
    %reduce_sum3A_660 = arith.constant dense<0.000000e+00> : vector<16x128xf32>
    %reduce_sum3A_661 = vector.multi_reduction <add>, %slice3A_659, %reduce_sum3A_660 [2] : vector<16x128x2xf32> to vector<16x128xf32>
    %broadcast_in_dim3A_662 = vector.shape_cast %reduce_sum3A_661 : vector<16x128xf32> to vector<16x128x1xf32>
    %slice3A_663 = vector.extract_strided_slice %mul3A_658 {offsets = [0, 0, 2], sizes = [16, 128, 126], strides = [1, 1, 1]} : vector<16x128x128xf32> to vector<16x128x126xf32>
    %broadcast_in_dim3A_664 = arith.constant 0.000000e+00 : f32
    %broadcast_in_dim3A_665 = vector.broadcast %broadcast_in_dim3A_664 : f32 to vector<16x128x1xf32>
    %concatenate3A_666 = tpu.concatenate %broadcast_in_dim3A_662, %slice3A_663, %broadcast_in_dim3A_665 in 2 : vector<16x128x1xf32>, vector<16x128x126xf32>, vector<16x128x1xf32> -> vector<16x128x128xf32>
    %add3A_667 = arith.addf %add3A_650, %concatenate3A_666 : vector<16x128x128xf32>
    %get3A_668 = arith.constant 38 : index
    %get3A_669 = arith.constant 0 : index
    %get3A_670 = arith.constant 0 : index
    %get3A_671 = vector.load %arg2[%get3A_668, %get3A_669, %get3A_670] : memref<49x128x128xf32, #tpu.memory_space<vmem>>, vector<1x128x128xf32>
    %get3A_672 = vector.shape_cast %get3A_671 : vector<1x128x128xf32> to vector<128x128xf32>
    %broadcast_in_dim3A_673 = vector.shape_cast %get3A_672 : vector<128x128xf32> to vector<1x128x128xf32>
    %mul3A_674 = vector.broadcast %broadcast_in_dim3A_673 : vector<1x128x128xf32> to vector<16x128x128xf32>
    %mul3A_675 = arith.mulf %mul3A_674, %get3A_2 : vector<16x128x128xf32>
    %add3A_676 = arith.addf %add3A_667, %mul3A_675 : vector<16x128x128xf32>
    %get3A_677 = arith.constant 39 : index
    %get3A_678 = arith.constant 0 : index
    %get3A_679 = arith.constant 0 : index
    %get3A_680 = vector.load %arg2[%get3A_677, %get3A_678, %get3A_679] : memref<49x128x128xf32, #tpu.memory_space<vmem>>, vector<1x128x128xf32>
    %get3A_681 = vector.shape_cast %get3A_680 : vector<1x128x128xf32> to vector<128x128xf32>
    %broadcast_in_dim3A_682 = vector.shape_cast %get3A_681 : vector<128x128xf32> to vector<1x128x128xf32>
    %mul3A_683 = vector.broadcast %broadcast_in_dim3A_682 : vector<1x128x128xf32> to vector<16x128x128xf32>
    %mul3A_684 = arith.mulf %mul3A_683, %get3A_2 : vector<16x128x128xf32>
    %slice3A_685 = vector.extract_strided_slice %mul3A_684 {offsets = [0, 0, 126], sizes = [16, 128, 2], strides = [1, 1, 1]} : vector<16x128x128xf32> to vector<16x128x2xf32>
    %reduce_sum3A_686 = arith.constant dense<0.000000e+00> : vector<16x128xf32>
    %reduce_sum3A_687 = vector.multi_reduction <add>, %slice3A_685, %reduce_sum3A_686 [2] : vector<16x128x2xf32> to vector<16x128xf32>
    %broadcast_in_dim3A_688 = vector.shape_cast %reduce_sum3A_687 : vector<16x128xf32> to vector<16x128x1xf32>
    %broadcast_in_dim3A_689 = arith.constant 0.000000e+00 : f32
    %broadcast_in_dim3A_690 = vector.broadcast %broadcast_in_dim3A_689 : f32 to vector<16x128x1xf32>
    %slice3A_691 = vector.extract_strided_slice %mul3A_684 {offsets = [0, 0, 0], sizes = [16, 128, 126], strides = [1, 1, 1]} : vector<16x128x128xf32> to vector<16x128x126xf32>
    %concatenate3A_692 = tpu.concatenate %broadcast_in_dim3A_690, %slice3A_691, %broadcast_in_dim3A_688 in 2 : vector<16x128x1xf32>, vector<16x128x126xf32>, vector<16x128x1xf32> -> vector<16x128x128xf32>
    %add3A_693 = arith.addf %add3A_676, %concatenate3A_692 : vector<16x128x128xf32>
    %get3A_694 = arith.constant 40 : index
    %get3A_695 = arith.constant 0 : index
    %get3A_696 = arith.constant 0 : index
    %get3A_697 = vector.load %arg2[%get3A_694, %get3A_695, %get3A_696] : memref<49x128x128xf32, #tpu.memory_space<vmem>>, vector<1x128x128xf32>
    %get3A_698 = vector.shape_cast %get3A_697 : vector<1x128x128xf32> to vector<128x128xf32>
    %broadcast_in_dim3A_699 = vector.shape_cast %get3A_698 : vector<128x128xf32> to vector<1x128x128xf32>
    %mul3A_700 = vector.broadcast %broadcast_in_dim3A_699 : vector<1x128x128xf32> to vector<16x128x128xf32>
    %mul3A_701 = arith.mulf %mul3A_700, %get3A_2 : vector<16x128x128xf32>
    %slice3A_702 = vector.extract_strided_slice %mul3A_701 {offsets = [0, 0, 125], sizes = [16, 128, 3], strides = [1, 1, 1]} : vector<16x128x128xf32> to vector<16x128x3xf32>
    %reduce_sum3A_703 = arith.constant dense<0.000000e+00> : vector<16x128xf32>
    %reduce_sum3A_704 = vector.multi_reduction <add>, %slice3A_702, %reduce_sum3A_703 [2] : vector<16x128x3xf32> to vector<16x128xf32>
    %broadcast_in_dim3A_705 = vector.shape_cast %reduce_sum3A_704 : vector<16x128xf32> to vector<16x128x1xf32>
    %broadcast_in_dim3A_706 = arith.constant 0.000000e+00 : f32
    %broadcast_in_dim3A_707 = vector.broadcast %broadcast_in_dim3A_706 : f32 to vector<16x128x2xf32>
    %slice3A_708 = vector.extract_strided_slice %mul3A_701 {offsets = [0, 0, 0], sizes = [16, 128, 125], strides = [1, 1, 1]} : vector<16x128x128xf32> to vector<16x128x125xf32>
    %concatenate3A_709 = tpu.concatenate %broadcast_in_dim3A_707, %slice3A_708, %broadcast_in_dim3A_705 in 2 : vector<16x128x2xf32>, vector<16x128x125xf32>, vector<16x128x1xf32> -> vector<16x128x128xf32>
    %add3A_710 = arith.addf %add3A_693, %concatenate3A_709 : vector<16x128x128xf32>
    %get3A_711 = arith.constant 41 : index
    %get3A_712 = arith.constant 0 : index
    %get3A_713 = arith.constant 0 : index
    %get3A_714 = vector.load %arg2[%get3A_711, %get3A_712, %get3A_713] : memref<49x128x128xf32, #tpu.memory_space<vmem>>, vector<1x128x128xf32>
    %get3A_715 = vector.shape_cast %get3A_714 : vector<1x128x128xf32> to vector<128x128xf32>
    %broadcast_in_dim3A_716 = vector.shape_cast %get3A_715 : vector<128x128xf32> to vector<1x128x128xf32>
    %mul3A_717 = vector.broadcast %broadcast_in_dim3A_716 : vector<1x128x128xf32> to vector<16x128x128xf32>
    %mul3A_718 = arith.mulf %mul3A_717, %get3A_2 : vector<16x128x128xf32>
    %slice3A_719 = vector.extract_strided_slice %mul3A_718 {offsets = [0, 0, 124], sizes = [16, 128, 4], strides = [1, 1, 1]} : vector<16x128x128xf32> to vector<16x128x4xf32>
    %reduce_sum3A_720 = arith.constant dense<0.000000e+00> : vector<16x128xf32>
    %reduce_sum3A_721 = vector.multi_reduction <add>, %slice3A_719, %reduce_sum3A_720 [2] : vector<16x128x4xf32> to vector<16x128xf32>
    %broadcast_in_dim3A_722 = vector.shape_cast %reduce_sum3A_721 : vector<16x128xf32> to vector<16x128x1xf32>
    %broadcast_in_dim3A_723 = arith.constant 0.000000e+00 : f32
    %broadcast_in_dim3A_724 = vector.broadcast %broadcast_in_dim3A_723 : f32 to vector<16x128x3xf32>
    %slice3A_725 = vector.extract_strided_slice %mul3A_718 {offsets = [0, 0, 0], sizes = [16, 128, 124], strides = [1, 1, 1]} : vector<16x128x128xf32> to vector<16x128x124xf32>
    %concatenate3A_726 = tpu.concatenate %broadcast_in_dim3A_724, %slice3A_725, %broadcast_in_dim3A_722 in 2 : vector<16x128x3xf32>, vector<16x128x124xf32>, vector<16x128x1xf32> -> vector<16x128x128xf32>
    %add3A_727 = arith.addf %add3A_710, %concatenate3A_726 : vector<16x128x128xf32>
    %slice3A_728 = vector.extract_strided_slice %add3A_727 {offsets = [0, 125, 0], sizes = [16, 3, 128], strides = [1, 1, 1]} : vector<16x128x128xf32> to vector<16x3x128xf32>
    %reduce_sum3A_729 = arith.constant dense<0.000000e+00> : vector<16x128xf32>
    %reduce_sum3A_730 = vector.multi_reduction <add>, %slice3A_728, %reduce_sum3A_729 [1] : vector<16x3x128xf32> to vector<16x128xf32>
    %broadcast_in_dim3A_731 = vector.shape_cast %reduce_sum3A_730 : vector<16x128xf32> to vector<16x1x128xf32>
    %broadcast_in_dim3A_732 = arith.constant 0.000000e+00 : f32
    %broadcast_in_dim3A_733 = vector.broadcast %broadcast_in_dim3A_732 : f32 to vector<16x2x128xf32>
    %slice3A_734 = vector.extract_strided_slice %add3A_727 {offsets = [0, 0, 0], sizes = [16, 125, 128], strides = [1, 1, 1]} : vector<16x128x128xf32> to vector<16x125x128xf32>
    %concatenate3A_735 = tpu.concatenate %broadcast_in_dim3A_733, %slice3A_734, %broadcast_in_dim3A_731 in 1 : vector<16x2x128xf32>, vector<16x125x128xf32>, vector<16x1x128xf32> -> vector<16x128x128xf32>
    %get3A_736 = arith.constant 0 : index
    %get3A_737 = arith.constant 0 : index
    %get3A_738 = arith.constant 0 : index
    %get3A_739 = vector.load %arg3[%get3A_736, %get3A_737, %get3A_738] : memref<16x128x128xf32, #tpu.memory_space<vmem>>, vector<16x128x128xf32>
    %add3A_740 = arith.addf %get3A_739, %concatenate3A_735 : vector<16x128x128xf32>
    %swap3A_741 = arith.constant 0 : index
    %swap3A_742 = arith.constant 0 : index
    %swap3A_743 = arith.constant 0 : index
    %swap3A_744 = vector.load %arg3[%swap3A_741, %swap3A_742, %swap3A_743] : memref<16x128x128xf32, #tpu.memory_space<vmem>>, vector<16x128x128xf32>
    tpu.vector_store %arg3[%swap3A_741, %swap3A_742, %swap3A_743], %add3A_740 {strides = array<i32>} : memref<16x128x128xf32, #tpu.memory_space<vmem>>, vector<16x128x128xf32>,
    %get3A_745 = arith.constant 42 : index
    %get3A_746 = arith.constant 0 : index
    %get3A_747 = arith.constant 0 : index
    %get3A_748 = vector.load %arg2[%get3A_745, %get3A_746, %get3A_747] : memref<49x128x128xf32, #tpu.memory_space<vmem>>, vector<1x128x128xf32>
    %get3A_749 = vector.shape_cast %get3A_748 : vector<1x128x128xf32> to vector<128x128xf32>
    %broadcast_in_dim3A_750 = vector.shape_cast %get3A_749 : vector<128x128xf32> to vector<1x128x128xf32>
    %mul3A_751 = vector.broadcast %broadcast_in_dim3A_750 : vector<1x128x128xf32> to vector<16x128x128xf32>
    %mul3A_752 = arith.mulf %mul3A_751, %get3A_2 : vector<16x128x128xf32>
    %slice3A_753 = vector.extract_strided_slice %mul3A_752 {offsets = [0, 0, 0], sizes = [16, 128, 4], strides = [1, 1, 1]} : vector<16x128x128xf32> to vector<16x128x4xf32>
    %reduce_sum3A_754 = arith.constant dense<0.000000e+00> : vector<16x128xf32>
    %reduce_sum3A_755 = vector.multi_reduction <add>, %slice3A_753, %reduce_sum3A_754 [2] : vector<16x128x4xf32> to vector<16x128xf32>
    %broadcast_in_dim3A_756 = vector.shape_cast %reduce_sum3A_755 : vector<16x128xf32> to vector<16x128x1xf32>
    %slice3A_757 = vector.extract_strided_slice %mul3A_752 {offsets = [0, 0, 4], sizes = [16, 128, 124], strides = [1, 1, 1]} : vector<16x128x128xf32> to vector<16x128x124xf32>
    %broadcast_in_dim3A_758 = arith.constant 0.000000e+00 : f32
    %broadcast_in_dim3A_759 = vector.broadcast %broadcast_in_dim3A_758 : f32 to vector<16x128x3xf32>
    %concatenate3A_760 = tpu.concatenate %broadcast_in_dim3A_756, %slice3A_757, %broadcast_in_dim3A_759 in 2 : vector<16x128x1xf32>, vector<16x128x124xf32>, vector<16x128x3xf32> -> vector<16x128x128xf32>
    %get3A_761 = arith.constant 43 : index
    %get3A_762 = arith.constant 0 : index
    %get3A_763 = arith.constant 0 : index
    %get3A_764 = vector.load %arg2[%get3A_761, %get3A_762, %get3A_763] : memref<49x128x128xf32, #tpu.memory_space<vmem>>, vector<1x128x128xf32>
    %get3A_765 = vector.shape_cast %get3A_764 : vector<1x128x128xf32> to vector<128x128xf32>
    %broadcast_in_dim3A_766 = vector.shape_cast %get3A_765 : vector<128x128xf32> to vector<1x128x128xf32>
    %mul3A_767 = vector.broadcast %broadcast_in_dim3A_766 : vector<1x128x128xf32> to vector<16x128x128xf32>
    %mul3A_768 = arith.mulf %mul3A_767, %get3A_2 : vector<16x128x128xf32>
    %slice3A_769 = vector.extract_strided_slice %mul3A_768 {offsets = [0, 0, 0], sizes = [16, 128, 3], strides = [1, 1, 1]} : vector<16x128x128xf32> to vector<16x128x3xf32>
    %reduce_sum3A_770 = arith.constant dense<0.000000e+00> : vector<16x128xf32>
    %reduce_sum3A_771 = vector.multi_reduction <add>, %slice3A_769, %reduce_sum3A_770 [2] : vector<16x128x3xf32> to vector<16x128xf32>
    %broadcast_in_dim3A_772 = vector.shape_cast %reduce_sum3A_771 : vector<16x128xf32> to vector<16x128x1xf32>
    %slice3A_773 = vector.extract_strided_slice %mul3A_768 {offsets = [0, 0, 3], sizes = [16, 128, 125], strides = [1, 1, 1]} : vector<16x128x128xf32> to vector<16x128x125xf32>
    %broadcast_in_dim3A_774 = arith.constant 0.000000e+00 : f32
    %broadcast_in_dim3A_775 = vector.broadcast %broadcast_in_dim3A_774 : f32 to vector<16x128x2xf32>
    %concatenate3A_776 = tpu.concatenate %broadcast_in_dim3A_772, %slice3A_773, %broadcast_in_dim3A_775 in 2 : vector<16x128x1xf32>, vector<16x128x125xf32>, vector<16x128x2xf32> -> vector<16x128x128xf32>
    %add3A_777 = arith.addf %concatenate3A_760, %concatenate3A_776 : vector<16x128x128xf32>
    %get3A_778 = arith.constant 44 : index
    %get3A_779 = arith.constant 0 : index
    %get3A_780 = arith.constant 0 : index
    %get3A_781 = vector.load %arg2[%get3A_778, %get3A_779, %get3A_780] : memref<49x128x128xf32, #tpu.memory_space<vmem>>, vector<1x128x128xf32>
    %get3A_782 = vector.shape_cast %get3A_781 : vector<1x128x128xf32> to vector<128x128xf32>
    %broadcast_in_dim3A_783 = vector.shape_cast %get3A_782 : vector<128x128xf32> to vector<1x128x128xf32>
    %mul3A_784 = vector.broadcast %broadcast_in_dim3A_783 : vector<1x128x128xf32> to vector<16x128x128xf32>
    %mul3A_785 = arith.mulf %mul3A_784, %get3A_2 : vector<16x128x128xf32>
    %slice3A_786 = vector.extract_strided_slice %mul3A_785 {offsets = [0, 0, 0], sizes = [16, 128, 2], strides = [1, 1, 1]} : vector<16x128x128xf32> to vector<16x128x2xf32>
    %reduce_sum3A_787 = arith.constant dense<0.000000e+00> : vector<16x128xf32>
    %reduce_sum3A_788 = vector.multi_reduction <add>, %slice3A_786, %reduce_sum3A_787 [2] : vector<16x128x2xf32> to vector<16x128xf32>
    %broadcast_in_dim3A_789 = vector.shape_cast %reduce_sum3A_788 : vector<16x128xf32> to vector<16x128x1xf32>
    %slice3A_790 = vector.extract_strided_slice %mul3A_785 {offsets = [0, 0, 2], sizes = [16, 128, 126], strides = [1, 1, 1]} : vector<16x128x128xf32> to vector<16x128x126xf32>
    %broadcast_in_dim3A_791 = arith.constant 0.000000e+00 : f32
    %broadcast_in_dim3A_792 = vector.broadcast %broadcast_in_dim3A_791 : f32 to vector<16x128x1xf32>
    %concatenate3A_793 = tpu.concatenate %broadcast_in_dim3A_789, %slice3A_790, %broadcast_in_dim3A_792 in 2 : vector<16x128x1xf32>, vector<16x128x126xf32>, vector<16x128x1xf32> -> vector<16x128x128xf32>
    %add3A_794 = arith.addf %add3A_777, %concatenate3A_793 : vector<16x128x128xf32>
    %get3A_795 = arith.constant 45 : index
    %get3A_796 = arith.constant 0 : index
    %get3A_797 = arith.constant 0 : index
    %get3A_798 = vector.load %arg2[%get3A_795, %get3A_796, %get3A_797] : memref<49x128x128xf32, #tpu.memory_space<vmem>>, vector<1x128x128xf32>
    %get3A_799 = vector.shape_cast %get3A_798 : vector<1x128x128xf32> to vector<128x128xf32>
    %broadcast_in_dim3A_800 = vector.shape_cast %get3A_799 : vector<128x128xf32> to vector<1x128x128xf32>
    %mul3A_801 = vector.broadcast %broadcast_in_dim3A_800 : vector<1x128x128xf32> to vector<16x128x128xf32>
    %mul3A_802 = arith.mulf %mul3A_801, %get3A_2 : vector<16x128x128xf32>
    %add3A_803 = arith.addf %add3A_794, %mul3A_802 : vector<16x128x128xf32>
    %get3A_804 = arith.constant 46 : index
    %get3A_805 = arith.constant 0 : index
    %get3A_806 = arith.constant 0 : index
    %get3A_807 = vector.load %arg2[%get3A_804, %get3A_805, %get3A_806] : memref<49x128x128xf32, #tpu.memory_space<vmem>>, vector<1x128x128xf32>
    %get3A_808 = vector.shape_cast %get3A_807 : vector<1x128x128xf32> to vector<128x128xf32>
    %broadcast_in_dim3A_809 = vector.shape_cast %get3A_808 : vector<128x128xf32> to vector<1x128x128xf32>
    %mul3A_810 = vector.broadcast %broadcast_in_dim3A_809 : vector<1x128x128xf32> to vector<16x128x128xf32>
    %mul3A_811 = arith.mulf %mul3A_810, %get3A_2 : vector<16x128x128xf32>
    %slice3A_812 = vector.extract_strided_slice %mul3A_811 {offsets = [0, 0, 126], sizes = [16, 128, 2], strides = [1, 1, 1]} : vector<16x128x128xf32> to vector<16x128x2xf32>
    %reduce_sum3A_813 = arith.constant dense<0.000000e+00> : vector<16x128xf32>
    %reduce_sum3A_814 = vector.multi_reduction <add>, %slice3A_812, %reduce_sum3A_813 [2] : vector<16x128x2xf32> to vector<16x128xf32>
    %broadcast_in_dim3A_815 = vector.shape_cast %reduce_sum3A_814 : vector<16x128xf32> to vector<16x128x1xf32>
    %broadcast_in_dim3A_816 = arith.constant 0.000000e+00 : f32
    %broadcast_in_dim3A_817 = vector.broadcast %broadcast_in_dim3A_816 : f32 to vector<16x128x1xf32>
    %slice3A_818 = vector.extract_strided_slice %mul3A_811 {offsets = [0, 0, 0], sizes = [16, 128, 126], strides = [1, 1, 1]} : vector<16x128x128xf32> to vector<16x128x126xf32>
    %concatenate3A_819 = tpu.concatenate %broadcast_in_dim3A_817, %slice3A_818, %broadcast_in_dim3A_815 in 2 : vector<16x128x1xf32>, vector<16x128x126xf32>, vector<16x128x1xf32> -> vector<16x128x128xf32>
    %add3A_820 = arith.addf %add3A_803, %concatenate3A_819 : vector<16x128x128xf32>
    %get3A_821 = arith.constant 47 : index
    %get3A_822 = arith.constant 0 : index
    %get3A_823 = arith.constant 0 : index
    %get3A_824 = vector.load %arg2[%get3A_821, %get3A_822, %get3A_823] : memref<49x128x128xf32, #tpu.memory_space<vmem>>, vector<1x128x128xf32>
    %get3A_825 = vector.shape_cast %get3A_824 : vector<1x128x128xf32> to vector<128x128xf32>
    %broadcast_in_dim3A_826 = vector.shape_cast %get3A_825 : vector<128x128xf32> to vector<1x128x128xf32>
    %mul3A_827 = vector.broadcast %broadcast_in_dim3A_826 : vector<1x128x128xf32> to vector<16x128x128xf32>
    %mul3A_828 = arith.mulf %mul3A_827, %get3A_2 : vector<16x128x128xf32>
    %slice3A_829 = vector.extract_strided_slice %mul3A_828 {offsets = [0, 0, 125], sizes = [16, 128, 3], strides = [1, 1, 1]} : vector<16x128x128xf32> to vector<16x128x3xf32>
    %reduce_sum3A_830 = arith.constant dense<0.000000e+00> : vector<16x128xf32>
    %reduce_sum3A_831 = vector.multi_reduction <add>, %slice3A_829, %reduce_sum3A_830 [2] : vector<16x128x3xf32> to vector<16x128xf32>
    %broadcast_in_dim3A_832 = vector.shape_cast %reduce_sum3A_831 : vector<16x128xf32> to vector<16x128x1xf32>
    %broadcast_in_dim3A_833 = arith.constant 0.000000e+00 : f32
    %broadcast_in_dim3A_834 = vector.broadcast %broadcast_in_dim3A_833 : f32 to vector<16x128x2xf32>
    %slice3A_835 = vector.extract_strided_slice %mul3A_828 {offsets = [0, 0, 0], sizes = [16, 128, 125], strides = [1, 1, 1]} : vector<16x128x128xf32> to vector<16x128x125xf32>
    %concatenate3A_836 = tpu.concatenate %broadcast_in_dim3A_834, %slice3A_835, %broadcast_in_dim3A_832 in 2 : vector<16x128x2xf32>, vector<16x128x125xf32>, vector<16x128x1xf32> -> vector<16x128x128xf32>
    %add3A_837 = arith.addf %add3A_820, %concatenate3A_836 : vector<16x128x128xf32>
    %get3A_838 = arith.constant 48 : index
    %get3A_839 = arith.constant 0 : index
    %get3A_840 = arith.constant 0 : index
    %get3A_841 = vector.load %arg2[%get3A_838, %get3A_839, %get3A_840] : memref<49x128x128xf32, #tpu.memory_space<vmem>>, vector<1x128x128xf32>
    %get3A_842 = vector.shape_cast %get3A_841 : vector<1x128x128xf32> to vector<128x128xf32>
    %broadcast_in_dim3A_843 = vector.shape_cast %get3A_842 : vector<128x128xf32> to vector<1x128x128xf32>
    %mul3A_844 = vector.broadcast %broadcast_in_dim3A_843 : vector<1x128x128xf32> to vector<16x128x128xf32>
    %mul3A_845 = arith.mulf %mul3A_844, %get3A_2 : vector<16x128x128xf32>
    %slice3A_846 = vector.extract_strided_slice %mul3A_845 {offsets = [0, 0, 124], sizes = [16, 128, 4], strides = [1, 1, 1]} : vector<16x128x128xf32> to vector<16x128x4xf32>
    %reduce_sum3A_847 = arith.constant dense<0.000000e+00> : vector<16x128xf32>
    %reduce_sum3A_848 = vector.multi_reduction <add>, %slice3A_846, %reduce_sum3A_847 [2] : vector<16x128x4xf32> to vector<16x128xf32>
    %broadcast_in_dim3A_849 = vector.shape_cast %reduce_sum3A_848 : vector<16x128xf32> to vector<16x128x1xf32>
    %broadcast_in_dim3A_850 = arith.constant 0.000000e+00 : f32
    %broadcast_in_dim3A_851 = vector.broadcast %broadcast_in_dim3A_850 : f32 to vector<16x128x3xf32>
    %slice3A_852 = vector.extract_strided_slice %mul3A_845 {offsets = [0, 0, 0], sizes = [16, 128, 124], strides = [1, 1, 1]} : vector<16x128x128xf32> to vector<16x128x124xf32>
    %concatenate3A_853 = tpu.concatenate %broadcast_in_dim3A_851, %slice3A_852, %broadcast_in_dim3A_849 in 2 : vector<16x128x3xf32>, vector<16x128x124xf32>, vector<16x128x1xf32> -> vector<16x128x128xf32>
    %add3A_854 = arith.addf %add3A_837, %concatenate3A_853 : vector<16x128x128xf32>
    %slice3A_855 = vector.extract_strided_slice %add3A_854 {offsets = [0, 124, 0], sizes = [16, 4, 128], strides = [1, 1, 1]} : vector<16x128x128xf32> to vector<16x4x128xf32>
    %reduce_sum3A_856 = arith.constant dense<0.000000e+00> : vector<16x128xf32>
    %reduce_sum3A_857 = vector.multi_reduction <add>, %slice3A_855, %reduce_sum3A_856 [1] : vector<16x4x128xf32> to vector<16x128xf32>
    %broadcast_in_dim3A_858 = vector.shape_cast %reduce_sum3A_857 : vector<16x128xf32> to vector<16x1x128xf32>
    %broadcast_in_dim3A_859 = arith.constant 0.000000e+00 : f32
    %broadcast_in_dim3A_860 = vector.broadcast %broadcast_in_dim3A_859 : f32 to vector<16x3x128xf32>
    %slice3A_861 = vector.extract_strided_slice %add3A_854 {offsets = [0, 0, 0], sizes = [16, 124, 128], strides = [1, 1, 1]} : vector<16x128x128xf32> to vector<16x124x128xf32>
    %concatenate3A_862 = tpu.concatenate %broadcast_in_dim3A_860, %slice3A_861, %broadcast_in_dim3A_858 in 1 : vector<16x3x128xf32>, vector<16x124x128xf32>, vector<16x1x128xf32> -> vector<16x128x128xf32>
    %get3A_863 = arith.constant 0 : index
    %get3A_864 = arith.constant 0 : index
    %get3A_865 = arith.constant 0 : index
    %get3A_866 = vector.load %arg3[%get3A_863, %get3A_864, %get3A_865] : memref<16x128x128xf32, #tpu.memory_space<vmem>>, vector<16x128x128xf32>
    %add3A_867 = arith.addf %get3A_866, %concatenate3A_862 : vector<16x128x128xf32>
    %swap3A_868 = arith.constant 0 : index
    %swap3A_869 = arith.constant 0 : index
    %swap3A_870 = arith.constant 0 : index
    %swap3A_871 = vector.load %arg3[%swap3A_868, %swap3A_869, %swap3A_870] : memref<16x128x128xf32, #tpu.memory_space<vmem>>, vector<16x128x128xf32>
    tpu.vector_store %arg3[%swap3A_868, %swap3A_869, %swap3A_870], %add3A_867 {strides = array<i32>} : memref<16x128x128xf32, #tpu.memory_space<vmem>>, vector<16x128x128xf32>,
    return
  }
  func.func @transform_0(%arg0: i32) -> (i32, i32, i32) {
    %c0_i32 = arith.constant 0 : i32
    %c0_i32_0 = arith.constant 0 : i32
    %c0_i32_1 = arith.constant 0 : i32
    return %arg0, %c0_i32, %c0_i32_0 : i32, i32, i32
  }
  func.func @transform_1(%arg0: i32) -> (i32, i32, i32) {
    %c0_i32 = arith.constant 0 : i32
    %c0_i32_0 = arith.constant 0 : i32
    %c0_i32_1 = arith.constant 0 : i32
    %c0_i32_2 = arith.constant 0 : i32
    return %c0_i32, %c0_i32_0, %c0_i32_1 : i32, i32, i32
  }
  func.func @transform_2(%arg0: i32) -> (i32, i32, i32) {
    %c0_i32 = arith.constant 0 : i32
    %c0_i32_0 = arith.constant 0 : i32
    %c0_i32_1 = arith.constant 0 : i32
    return %arg0, %c0_i32, %c0_i32_0 : i32, i32, i32
  }
}

module attributes {stable_mosaic.version = 14 : i64} {
  func.func @_softmax_body(%arg0: memref<64x128x128xf32, #tpu.memory_space<vmem>>, %arg1: memref<64x128x128xf32, #tpu.memory_space<vmem>>, %arg2: memref<64x128x128xf32, #tpu.memory_space<vmem>>, %arg3: memref<16384x64xf32, #tpu.memory_space<vmem>>) attributes {dimension_semantics = [], scalar_prefetch = 0 : i64, scratch_operands = 0 : i64, tpu.core_type = #tpu.core_type<tc>} {
    %get3A = arith.constant 0 : index
    %get3A_0 = arith.constant 0 : index
    %get3A_1 = arith.constant 0 : index
    %get3A_2 = vector.load %arg0[%get3A, %get3A_0, %get3A_1] : memref<64x128x128xf32, #tpu.memory_space<vmem>>, vector<64x128x128xf32>
    %get3A_3 = arith.constant 0 : index
    %get3A_4 = arith.constant 0 : index
    %get3A_5 = arith.constant 0 : index
    %get3A_6 = vector.load %arg1[%get3A_3, %get3A_4, %get3A_5] : memref<64x128x128xf32, #tpu.memory_space<vmem>>, vector<64x128x128xf32>
    %add3A = arith.addf %get3A_2, %get3A_6 : vector<64x128x128xf32>
    %reduce_max3A = arith.constant dense<0xFF800000> : vector<128x128xf32>
    %reduce_max3A_7 = vector.multi_reduction <maximumf>, %add3A, %reduce_max3A [0] : vector<64x128x128xf32> to vector<128x128xf32>
    %broadcast_in_dim3A = vector.shape_cast %reduce_max3A_7 : vector<128x128xf32> to vector<1x128x128xf32>
    %sub3A = vector.broadcast %broadcast_in_dim3A : vector<1x128x128xf32> to vector<64x128x128xf32>
    %sub3A_8 = arith.subf %add3A, %sub3A : vector<64x128x128xf32>
    %exp3A = math.exp %sub3A_8 : vector<64x128x128xf32>
    %reduce_sum3A = arith.constant dense<0.000000e+00> : vector<128x128xf32>
    %reduce_sum3A_9 = vector.multi_reduction <add>, %exp3A, %reduce_sum3A [0] : vector<64x128x128xf32> to vector<128x128xf32>
    %broadcast_in_dim3A_10 = vector.shape_cast %reduce_sum3A_9 : vector<128x128xf32> to vector<1x128x128xf32>
    %div3A = vector.broadcast %broadcast_in_dim3A_10 : vector<1x128x128xf32> to vector<64x128x128xf32>
    %div3A_11 = arith.divf %exp3A, %div3A : vector<64x128x128xf32>
    %swap3A = arith.constant 0 : index
    %swap3A_12 = arith.constant 0 : index
    %swap3A_13 = arith.constant 0 : index
    %swap3A_14 = vector.load %arg2[%swap3A, %swap3A_12, %swap3A_13] : memref<64x128x128xf32, #tpu.memory_space<vmem>>, vector<64x128x128xf32>
    tpu.vector_store %arg2[%swap3A, %swap3A_12, %swap3A_13], %div3A_11 {strides = array<i32>} : memref<64x128x128xf32, #tpu.memory_space<vmem>>, vector<64x128x128xf32>,
    %reshape3A = vector.shape_cast %div3A_11 : vector<64x128x128xf32> to vector<64x16384xf32>
    %transpose3A = tpu.transpose %reshape3A, [1, 0] : vector<64x16384xf32> -> vector<16384x64xf32>
    %swap3A_15 = arith.constant 0 : index
    %swap3A_16 = arith.constant 0 : index
    %swap3A_17 = vector.load %arg3[%swap3A_15, %swap3A_16] : memref<16384x64xf32, #tpu.memory_space<vmem>>, vector<16384x64xf32>
    tpu.vector_store %arg3[%swap3A_15, %swap3A_16], %transpose3A {strides = array<i32>} : memref<16384x64xf32, #tpu.memory_space<vmem>>, vector<16384x64xf32>,
    return
  }
}

module attributes {stable_mosaic.version = 14 : i64} {
  func.func @_competition_body(%arg0: memref<16384x64xf32, #tpu.memory_space<vmem>>, %arg1: memref<128x64xf32, #tpu.memory_space<vmem>>, %arg2: memref<16384x128xf32, #tpu.memory_space<vmem>>) attributes {dimension_semantics = [], scalar_prefetch = 0 : i64, scratch_operands = 0 : i64, tpu.core_type = #tpu.core_type<tc>} {
    %get3A = arith.constant 0 : index
    %get3A_0 = arith.constant 0 : index
    %get3A_1 = vector.load %arg0[%get3A, %get3A_0] : memref<16384x64xf32, #tpu.memory_space<vmem>>, vector<16384x64xf32>
    %get3A_2 = arith.constant 0 : index
    %get3A_3 = arith.constant 0 : index
    %get3A_4 = vector.load %arg1[%get3A_2, %get3A_3] : memref<128x64xf32, #tpu.memory_space<vmem>>, vector<128x64xf32>
    %dot_general3A = arith.constant dense<0.000000e+00> : vector<16384x128xf32>
    %dot_general3A_5 = tpu.matmul %get3A_1, %get3A_4, %dot_general3A {dimension_numbers = #tpu.dot_dimension_numbers<[1], [1], [0], [0], [0, 0, 1, 0], [], []>, transpose_lhs_hint = false} : vector<16384x64xf32>, vector<128x64xf32>, vector<16384x128xf32> -> vector<16384x128xf32>
    %iota3A = tpu.iota {dimensions = array<i32: 1>} : vector<16384x128xi32>
    %lt3A = arith.constant 30 : i32
    %lt3A_6 = vector.broadcast %lt3A : i32 to vector<16384x128xi32>
    %lt3A_7 = arith.cmpi slt, %iota3A, %lt3A_6 : vector<16384x128xi32>
    %jit3A = arith.constant 0xFF800000 : f32
    %broadcast_in_dim3A = vector.broadcast %jit3A : f32 to vector<16384x128xf32>
    %select_n3A = arith.select %lt3A_7, %dot_general3A_5, %broadcast_in_dim3A : vector<16384x128xi1>, vector<16384x128xf32>
    %reduce_max3A = arith.constant dense<0xFF800000> : vector<16384xf32>
    %reduce_max3A_8 = vector.multi_reduction <maximumf>, %select_n3A, %reduce_max3A [1] : vector<16384x128xf32> to vector<16384xf32>
    %broadcast_in_dim3A_9 = vector.shape_cast %reduce_max3A_8 : vector<16384xf32> to vector<16384x1xf32>
    %sub3A = vector.broadcast %broadcast_in_dim3A_9 : vector<16384x1xf32> to vector<16384x128xf32>
    %sub3A_10 = arith.subf %select_n3A, %sub3A : vector<16384x128xf32>
    %exp3A = math.exp %sub3A_10 : vector<16384x128xf32>
    %jit3A_11 = arith.constant 0.000000e+00 : f32
    %broadcast_in_dim3A_12 = vector.broadcast %jit3A_11 : f32 to vector<16384x128xf32>
    %select_n3A_13 = arith.select %lt3A_7, %exp3A, %broadcast_in_dim3A_12 : vector<16384x128xi1>, vector<16384x128xf32>
    %reduce_sum3A = arith.constant dense<0.000000e+00> : vector<16384xf32>
    %reduce_sum3A_14 = vector.multi_reduction <add>, %select_n3A_13, %reduce_sum3A [1] : vector<16384x128xf32> to vector<16384xf32>
    %broadcast_in_dim3A_15 = vector.shape_cast %reduce_sum3A_14 : vector<16384xf32> to vector<16384x1xf32>
    %div3A = vector.broadcast %broadcast_in_dim3A_15 : vector<16384x1xf32> to vector<16384x128xf32>
    %div3A_16 = arith.divf %select_n3A_13, %div3A : vector<16384x128xf32>
    %reduce_max3A_17 = arith.constant dense<0xFF800000> : vector<128xf32>
    %reduce_max3A_18 = vector.multi_reduction <maximumf>, %div3A_16, %reduce_max3A_17 [0] : vector<16384x128xf32> to vector<128xf32>
    %broadcast_in_dim3A_19 = vector.shape_cast %reduce_max3A_18 : vector<128xf32> to vector<1x128xf32>
    %gt3A = arith.constant 5.000000e-01 : f32
    %gt3A_20 = vector.broadcast %gt3A : f32 to vector<1x128xf32>
    %gt3A_21 = arith.cmpf ogt, %broadcast_in_dim3A_19, %gt3A_20 : vector<1x128xf32>
    %jit3A_22 = arith.constant 1.000000e+00 : f32
    %jit3A_23 = arith.constant 0.000000e+00 : f32
    %broadcast_in_dim3A_24 = vector.broadcast %jit3A_22 : f32 to vector<1x128xf32>
    %broadcast_in_dim3A_25 = vector.broadcast %jit3A_23 : f32 to vector<1x128xf32>
    %select_n3A_26 = arith.select %gt3A_21, %broadcast_in_dim3A_24, %broadcast_in_dim3A_25 : vector<1x128xi1>, vector<1x128xf32>
    %mul3A = vector.broadcast %select_n3A_26 : vector<1x128xf32> to vector<16384x128xf32>
    %mul3A_27 = arith.mulf %div3A_16, %mul3A : vector<16384x128xf32>
    %swap3A = arith.constant 0 : index
    %swap3A_28 = arith.constant 0 : index
    %swap3A_29 = vector.load %arg2[%swap3A, %swap3A_28] : memref<16384x128xf32, #tpu.memory_space<vmem>>, vector<16384x128xf32>
    tpu.vector_store %arg2[%swap3A, %swap3A_28], %mul3A_27 {strides = array<i32>} : memref<16384x128xf32, #tpu.memory_space<vmem>>, vector<16384x128xf32>,
    return
  }
}

</mosaic_0001>

<sc_bundles>
// kernel: closed_call.18.cloned.1.call-start
scs
__scs_entry_jumppad:
0x0: {  	(pc) =	sbr.rel $0x88, $3  }
0x1: {  	(tag) =	ssettag $0x0;
	lr =	simm.s32 $0x1  }
0x2: {  	[smem:$0x3FA0] =	sst lr;
	_ =	strace $0xD0000000  }
0x3: {  	_ = 	snop  }
0x4: {  	_ = 	snop  }
0x5: {  	_ = 	snop  }
0x6: {  	_ = 	snop  }
0x7: {  	_ = 	snop  }
__scs_overlays_trampoline_lowered:
0x8: {  	[smem:$0x3FAF] =	sst s0  }
0x9: {  	[smem:$0x3FB0] =	sst s1  }
0xa: {  	[smem:$0x3FB1] =	sst s2  }
0xb: {  	[smem:$0x3FB2] =	sst s3  }
0xc: {  	[smem:$0x3FB3] =	sst s4  }
0xd: {  	[smem:$0x3FB4] =	sst s5  }
0xe: {  	[smem:$0x3FB5] =	sst s6  }
0xf: {  	[smem:$0x3FB6] =	sst s7  }
0x10: {  	[smem:$0x3FB7] =	sst s8  }
0x11: {  	[smem:$0x3FB8] =	sst s9;
	s0 =	simm.s32 @!p0 $0x0  }
0x12: {  	s1 =	sld [smem:$0x3F9E];
	s0 =	simm.s32 @p0 $0x1  }
0x13: {  	[smem:$0x3FB9] =	sst s0;
	s0 =	simm.s32 @!p1 $0x0  }
0x14: {  	s2 =	sld [smem:$0x3F9D];
	s0 =	simm.s32 @p1 $0x1  }
0x15: {  	[smem:$0x3FBA] =	sst s0;
	s0 =	simm.s32 @!p2 $0x0  }
0x16: {  	s3 =	sld [smem:$0x3FDB];
	s0 =	simm.s32 @p2 $0x1  }
0x17: {  	s4 =	simm.s32 $0x1BF5;
	[smem:$0x3FBC] =	sst s0  }
0x18: {  	s0 =	sld [smem:$0x3F9F];
	_ =	swait.ge [sflag:s4], $0x0  }
0x19: {  	s7 =	sld [smem:$0x3FA0]  }
0x1a: {  	s8 =	sadd.s32 $0xFFFFE003, lr  }
0x1b: {  	s9 =	sadd.s32 $0xFFFFFEF7, lr;
	s5 =	simm.s32 $0xFFFFFFFF;
	p2 =	slt.u32 s8, $0xFFFFF086  }
0x1c: {  	p1 =	slt.u32 s9, $0xF7A;
	s5 =	simm.s32 @!p2 $0x0  }
0x1d: {  	s5 =	simm.s32 @p1 $0x1;
	p0 =	seq.s32 s7, s2  }
0x1e: {  	s7 =	smul.u32 @!p0 $0xF7A, s2;
	p2 =	seq.s32 @!p0 s5, $0x0  }
0x1f: {  	s9 =	smul.u32 $0xF7A, s1;
	s8 =	simm.s32 @!p0 $0x1BF5;
	p2 =	por !p2, p0  }
0x20: {  	[sflag:s8] =	ssyncset.s32 @!p0 $0xFFFFF086;
	s6 =	sadd.s32 @!p0 s3, s7;
	s7 =	simm.s32 @!p0 $0x108  }
0x21: {  	s3 =	sadd.s32 s3, s9;
	s6 =	sadd.s32 @!p0 $0x88, s6;
	s7 =	simm.s32 @p2 $0x1082  }
0x22: {  	[simem:s7], [sflag:s8] =	dma.local @!p0 [hbm:s6], $0xF7A  }
0x23: {  	s9 =	sor.u32 $0xD0000000, s2;
	s6 =	simm.s32 $0x108;
	_ =	swait.ge @!p0 [sflag:s8], $0x0  }
0x24: {  	s3 =	sadd.s32 $0x88, s3;
	s6 =	simm.s32 @!p1 $0x1082;
	[sflag:s4] =	ssyncset.s32 $0xFFFFF086  }
0x25: {  	[simem:s6], [sflag:s4] =	dma.local [hbm:s3], $0xF7A  }
0x26: {  	[smem:$0x3FA0] =	sst s1;
	(tag) =	ssettag s2;
	_ =	strace s9  }
0x27: {  	s1 =	sld [smem:$0x3FB0]  }
0x28: {  	s2 =	sld [smem:$0x3FB1]  }
0x29: {  	s4 =	sld [smem:$0x3FB3]  }
0x2a: {  	p0 =	seq.s32 s5, $0x0;
	s5 =	sld [smem:$0x3FB4]  }
0x2b: {  	s6 =	sld [smem:$0x3FB5]  }
0x2c: {  	s7 =	sld [smem:$0x3FB6]  }
0x2d: {  	s3 =	simm.s32 $0x108;
	s8 =	sld [smem:$0x3FB7]  }
0x2e: {  	s3 =	simm.s32 @!p0 $0x1082;
	s9 =	sld [smem:$0x3FB8]  }
0x2f: {  	lr =	sadd.s32 s0, s3;
	s0 =	sld [smem:$0x3FAF]  }
0x30: {  	s3 =	sld [smem:$0x3FB2]  }
0x31: {  	[smem:$0x3FBB] =	sst s10  }
0x32: {  	s10 =	sld [smem:$0x3FB9];
	_ =	sdelay $0x3  }
0x33: {  	p0 =	seq.s32 s10, $0x1;
	s10 =	sld [smem:$0x3FBB];
	_ =	sdelay $0x3  }
0x34: {  	[smem:$0x3FBB] =	sst s10  }
0x35: {  	s10 =	sld [smem:$0x3FBA];
	_ =	sdelay $0x3  }
0x36: {  	p1 =	seq.s32 s10, $0x1;
	s10 =	sld [smem:$0x3FBB];
	_ =	sdelay $0x3  }
0x37: {  	[smem:$0x3FBB] =	sst s10  }
0x38: {  	s10 =	sld [smem:$0x3FBC]  }
0x39: {  	_ = 	snop;
	(pc) =	sbr.ind lr, $3  }
0x3a: {  	_ = 	snop  }
0x3b: {  	_ = 	snop  }
0x3c: {  	p2 =	seq.s32 s10, $0x1;
	s10 =	sld [smem:$0x3FBB]  }
0x3d: {  	_ =	shalt  }
0x3e: {  	_ =	shalt  }
0x3f: {  	_ =	shalt  }
0x40: {  	_ =	shalt  }
0x41: {  	_ =	shalt  }
0x42: {  	_ =	shalt  }
0x43: {  	_ =	shalt  }
0x44: {  	_ =	shalt  }
0x45: {  	_ =	shalt  }
0x46: {  	_ =	shalt  }
0x47: {  	_ =	shalt  }
0x48: {  	_ =	shalt  }
0x49: {  	_ =	shalt  }
0x4a: {  	_ =	shalt  }
0x4b: {  	_ =	shalt  }
0x4c: {  	_ =	shalt  }
0x4d: {  	_ =	shalt  }
0x4e: {  	_ =	shalt  }
0x4f: {  	_ =	shalt  }
0x50: {  	_ =	shalt  }
0x51: {  	_ =	shalt  }
0x52: {  	_ =	shalt  }
0x53: {  	_ =	shalt  }
0x54: {  	_ =	shalt  }
0x55: {  	_ =	shalt  }
0x56: {  	_ =	shalt  }
0x57: {  	_ =	shalt  }
0x58: {  	_ =	shalt  }
0x59: {  	_ =	shalt  }
0x5a: {  	_ =	shalt  }
0x5b: {  	_ =	shalt  }
0x5c: {  	_ =	shalt  }
0x5d: {  	_ =	shalt  }
0x5e: {  	_ =	shalt  }
0x5f: {  	_ =	shalt  }
0x60: {  	_ =	shalt  }
0x61: {  	_ =	shalt  }
0x62: {  	_ =	shalt  }
0x63: {  	_ =	shalt  }
0x64: {  	_ =	shalt  }
0x65: {  	_ =	shalt  }
0x66: {  	_ =	shalt  }
0x67: {  	_ =	shalt  }
0x68: {  	_ =	shalt  }
0x69: {  	_ =	shalt  }
0x6a: {  	_ =	shalt  }
0x6b: {  	_ =	shalt  }
0x6c: {  	_ =	shalt  }
0x6d: {  	_ =	shalt  }
0x6e: {  	_ =	shalt  }
0x6f: {  	_ =	shalt  }
0x70: {  	_ =	shalt  }
0x71: {  	_ =	shalt  }
0x72: {  	_ =	shalt  }
0x73: {  	_ =	shalt  }
0x74: {  	_ =	shalt  }
0x75: {  	_ =	shalt  }
0x76: {  	_ =	shalt  }
0x77: {  	_ =	shalt  }
0x78: {  	_ =	shalt  }
0x79: {  	_ =	shalt  }
0x7a: {  	_ =	shalt  }
0x7b: {  	_ =	shalt  }
0x7c: {  	_ =	shalt  }
0x7d: {  	_ =	shalt  }
0x7e: {  	_ =	shalt  }
0x7f: {  	_ =	shalt  }
0x80: {  	_ =	shalt  }
0x81: {  	_ =	shalt  }
0x82: {  	_ =	shalt  }
0x83: {  	_ =	shalt  }
0x84: {  	_ =	shalt  }
0x85: {  	_ =	shalt  }
0x86: {  	_ =	shalt  }
0x87: {  	_ =	shalt  }
.Lfunc_end0:
.L_simem_size_0:
called_computation.1_lowered:
.L_overlay_start_0:
0x88: {  	s2 =	sld [smem:$0x3FD9]  }
0x89: {  	s3 =	sld [smem:$0x3FFE];
	_ =	sdelay $0x1  }
0x8a: {  	s1 =	srdreg.scid  }
0x8b: {  	s0 =	sand.u32 $0x1, s1  }
0x8c: {  	s14 =	sshll.u32 s0, $0xA;
	s2 =	sadd.s32 s3, s2  }
0x8d: {  	s2 =	sadd.s32 s2, s14  }
0x8e: {  	[smem:$0x3FC7] =	sst s2  }
0x8f: {  	_ = 	snop  }
0x90: {  	s2 =	sld [smem:$0x3FD0];
	_ =	sdelay $0x2  }
0x91: {  	s15 =	simm.s32 $0xA;
	s4 =	simm.s32 $0x10  }
0x92: {  	[smem:s4], [sflag:s15] =	dma.local [hbm:s2], $0x1  }
0x93: {  	_ =	swait.eq [sflag:s15], $0x1  }
0x94: {  	[sflag:s15] =	ssyncset.done $0x0  }
0x95: {  	[sflag:s15] =	ssyncadd.s32 $0xFFFFFFFF  }
0x96: {  	s16 =	sld [smem:$0x10];
	(tm) =	ssettm $0x1  }
0x97: {  	s17 =	sld [smem:$0x3FFB];
	_ =	sdelay $0x3  }
0x98: {  	_ =	strace s17  }
0x99: {  	s3 =	sld [smem:$0x3FFC];
	_ =	sdelay $0x3  }
0x9a: {  	_ =	strace s3  }
0x9b: {  	s3 =	sld [smem:$0x3FFD];
	_ =	sdelay $0x3  }
0x9c: {  	_ =	strace s3  }
0x9d: {  	_ =	strace $0x8FFFFFFF  }
0x9e: {  	s18 =	sld [smem:$0x3FDB];
	_ =	sdelay $0x1  }
0x9f: {  	s19 =	simm.s32 $_scs_section_size  }
0xa0: {  	s5 =	simm.s32 $_size__tile_overlayer_lowered;
	s6 =	simm.s32 $_tile_overlayer_lowered  }
0xa1: {  	s22 =	simm.s32 $0x1BFF;
	s21 =	sshll.u32 s6, $0x1;
	s3 =	sadd.s32 s19, s18  }
0xa2: {  	s7 =	simm.s32 $0x0;
	s20 =	sshll.u32 s5, $0x1;
	s5 =	sadd.s32 s21, s3  }
0xa3: {  	[timem:s7], [sflag:s22] =	dma.local [hbm:s5], s20  }
0xa4: {  	_ =	swait.ge [sflag:s22], s20  }
0xa5: {  	s4 =	ssub.s32 $0x0, s20;
	[sflag:s22] =	ssyncset.done $0x0  }
0xa6: {  	[sflag:s22] =	ssyncadd.s32 s4;
	_ =	sdelay $0x1  }
0xa7: {  	s23 =	simm.s32 $0x1B8B  }
0xa8: {  	_ =	swait.ge [sflag:s23], $0x1  }
0xa9: {  	[sflag:s23] =	ssyncset.done $0x0  }
0xaa: {  	s25 =	simm.s32 $0x1B8E;
	s24 =	sld [smem:$0x3FFE];
	[sflag:s23] =	ssyncadd.s32 $0xFFFFFFFF  }
0xab: {  	s26 =	simm.s32 $execute0_lowered;
	[smem:$0x3FD2] =	sst s25  }
0xac: {  	s5 =	sshll.u32 s26, $0x1;
	_ =	strace $0x8000004C;
	[dreg:$0x1] =	wrdreg $0xFFFFFFFF  }
0xad: {  	s28 =	simm.s32 $_size_execute0_lowered;
	s3 =	sadd.s32 s3, s5;
	[dreg:$0x0] =	wrdreg $0x0  }
0xae: {  	s5 =	sshll.u32 s28, $0x1;
	[dreg:$0x2] =	wrdreg s3  }
0xaf: {  	[dreg:$0x3] =	wrdreg s5  }
0xb0: {  	[dreg:$0x4] =	wrdreg $0xC0  }
0xb1: {  	_ =	task [dreg:s7], $0x5FFFF  }
0xb2: {  	[dreg:$0x1] =	wrdreg $0xFFFFFFFF  }
0xb3: {  	[dreg:$0x0] =	wrdreg $0x60  }
0xb4: {  	[dreg:$0x2] =	wrdreg s24  }
0xb5: {  	[dreg:$0x3] =	wrdreg s16  }
0xb6: {  	[dreg:$0x4] =	wrdreg $0x0  }
0xb7: {  	[dreg:$0x5] =	wrdreg $0x9  }
0xb8: {  	_ =	task.clear_ibuf [dreg:s7], $0x6FFFF;
	_ =	strace $0x9000004C  }
0xb9: {  	s29 =	simm.s32 $0x9;
	_ =	strace $0x8000004E  }
0xba: {  	_ =	swait.ge [sflag:s29], $0x1  }
0xbb: {  	[sflag:s29] =	ssyncadd.s32 $0xFFFFFFFF  }
0xbc: {  	_ =	strace $0x9000004E  }
0xbd: {  	_ =	sfence  }
0xbe: {  	s30 =	sld [smem:$0x0];
	_ =	sdelay $0x2  }
0xbf: {  	s31 =	sshll.u32 s1, $0xD;
	s1 =	sshrl.u32 s1, $0x2  }
0xc0: {  	s3 =	sand.u32 $0x4000, s31;
	s1 =	sadd.s32 s1, s30  }
0xc1: {  	s0 =	sor.u32 s3, s0;
	s1 =	sshll.u32 s1, $0x11  }
0xc2: {  	s0 =	sor.u32 s1, s0  }
0xc3: {  	s0 =	sadd.s32 $0x8F2B, s0  }
0xc4: {  	[sflag:s0] =	ssyncadd.remote.s32 $0x1  }
0xc5: {  	_ =	sfence.sel $0xFFFF  }
0xc6: {  	[dreg:$0x0] =	wrdreg $0xFFFFFFFF;
	(pc) =	sbr.abs _section_cstart, $3  }
0xc7: {  	[dreg:$0x1] =	wrdreg $0xFFFFFFFF  }
0xc8: {  	_ =	task.clear_ibuf [dreg:s7], $0x2FFFF;
	_ =	strace $0x9FFFFFFF  }
0xc9: {  	(tm) =	ssettm $0x7FFFFFFF  }
tec
execute0_lowered:
.L_overlay_start_1:
0x0: {  	(tag) =	ssettag $0x1  }
0x1: {  	s4 =	rddreg [dreg:$0x0]  }
0x2: {  	s5 =	rddreg [dreg:$0x1]  }
0x3: {  	s2 =	rddreg [dreg:$0x2]  }
0x4: {  	s0 =	rddreg [dreg:$0x3]  }
0x5: {  	s3 =	simm.s32 $0x0;
	s1 =	stileid.u32;
	s6 =	srdreg.scid  }
0x6: {  	s13 =	simm.s32 $0x11400;
	s14 =	simm.s32 $0x80;
	s15 =	simm.s32 $0x0  }
0x7: {  	[smem:$0x7FF] =	sst s3;
	s6 =	sand.u32 $0x1, s6;
	s7 =	sshll.u32 s1, $0x1  }
0x8: {  	s8 =	smul.u32 $0x24000, s1;
	s9 =	sshll.u32 s1, $0xE;
	s30 =	sshll.u32 s1, $0x11  }
0x9: {  	s31 =	sshll.u32 s1, $0x6;
	_ =	strace $0x8000004D;
	s7 =	sor.u32 s6, s7  }
0xa: {  	s10 =	ssub.s32 $0x2, s6;
	s9 =	sadd.s32 s9, s4;
	s11 =	smul.u32 $0x12000, s6  }
0xb: {  	p0 =	seq.s32 s6, $0x1;
	s12 =	sadd.s32 s30, s2;
	s7 =	smul.u32 $0x280, s7  }
0xc: {  	s8 =	sadd.s32 s8, s4;
	s29 =	sshrl.u32 s10, $0x1;
	s12 =	sshrl.u32 s12, $0x3  }
0xd: {  	s10 =	ssub.s32 s10, s29;
	s8 =	sadd.s32 s11, s8;
	s11 =	sor.u32 $0x1C01, s31  }
0xe: {  	s4 =	sadd.s32 s5, s7;
	s7 =	simm.s32 $0x13CA00;
	s5 =	sadd.s32 $0xBCA00, s9  }
0xf: {  	s6 =	smax.u32 s10, $0x1;
	s8 =	sadd.s32 $0x4BCA00, s8;
	s7 =	simm.s32 @!p0 $0xFCA00  }
0x10: {  	s10 =	simm.s32 $0x1;
	s7 =	sadd.s32 s7, s9;
	s9 =	simm.s32 $0x10000  }
.LBB2_1:
0x11: {  	[tilespmem:s9], [sflag:$0x1] =	stream.linear.gather [hbm4b:s4+s3], $0x1200, $0x38;
	[tilespmem:$0x15400] =	vst v63  }
0x12: {  	_ =	swait.ge [sflag:s10], $0x1200  }
0x13: {  	[sflag:s10] =	ssyncset.done $0x0  }
0x14: {  	[sflag:s10] =	ssyncadd.s32 $0xFFFFEE00  }
0x15: {  	[spmem:s12], [sflag:s11] =	dma.local [hbm:s5], $0x4000  }
0x16: {  	_ =	swait.ge [sflag:s10], $0x4000  }
0x17: {  	[sflag:s10] =	ssyncset.done $0x0  }
0x18: {  	[sflag:s10] =	ssyncadd.s32 $0xFFFFC000  }
0x19: {  	[bflag:$0x0] =	sbarrier.arrive $0xFFFF  }
0x1a: {  	[tilespmem:s13], [sflag:$0x1] =	stream.linear.gather [hbm4b:s8+s3], $0x4000, $0x38;
	[tilespmem:$0x15400] =	vst v63  }
0x1b: {  	_ =	swait.ge [sflag:s10], $0x4000  }
0x1c: {  	[sflag:s10] =	ssyncset.done $0x0  }
0x1d: {  	s16 =	simm.s32 $0x10000;
	[sflag:s10] =	ssyncadd.s32 $0xFFFFC000  }
0x1e: {  	[spmem:s2] =	stream.indirect.scatter.add.f32 [tilespmem:s13], [sflag:$0x1], $0x40, s16, s14, $0xb8;
	[tilespmem:$0x15400] =	vst v63  }
0x1f: {  	_ =	swait.ge [sflag:s10], $0x2000  }
0x20: {  	s17 =	smov.u32 s8;
	s16 =	simm.s32 $0x200;
	[sflag:s10] =	ssyncset.done $0x0  }
.LBB2_2:
0x21: {  	p0 =	sne.s32 s16, $0x4600;
	[sflag:s10] =	ssyncadd.s32 $0xFFFFE000;
	s17 =	sadd.s32 $0x800, s17  }
0x22: {  	[tilespmem:s13], [sflag:$0x1] =	stream.linear.gather [hbm4b:s17+s3], $0x4000, $0x38;
	[tilespmem:$0x15400] =	vst v63  }
0x23: {  	s18 =	smov.u32 s16;
	s16 =	sadd.s32 $0x200, s16;
	_ =	swait.ge [sflag:s10], $0x4000  }
.Ltmp0:
0x24: {  	s18 =	sshra.s32 s18, $0x2;
	[sflag:s10] =	ssyncset.done $0x0;
	(pc) =	sbr.rel @p0 .LBB2_2-.Ltmp0, $4  }
0x25: {  	s18 =	sadd.s32 $0x10000, s18;
	[sflag:s10] =	ssyncadd.s32 $0xFFFFC000  }
0x26: {  	[spmem:s2] =	stream.indirect.scatter.add.f32 [tilespmem:s13], [sflag:$0x1], $0x40, s18, s14, $0xb8;
	[tilespmem:$0x15400] =	vst v63  }
0x27: {  	_ =	swait.ge [sflag:s10], $0x2000  }
0x28: {  	[sflag:s10] =	ssyncset.done $0x0  }
0x29: {  	s15 =	sadd.s32 $0x1, s15  }
0x2a: {  	[sflag:s10] =	ssyncadd.s32 $0xFFFFE000;
	p0 =	sne.s32 s15, s6  }
.Ltmp1:
0x2b: {  	[bflag:$0x0] =	sbarrier.arrive $0xFFFF;
	(pc) =	sbr.rel @p0 .LBB2_1-.Ltmp1, $4  }
0x2c: {  	[hbm:s7], [sflag:s11] =	dma.local [spmem:s12], $0x4000  }
0x2d: {  	_ =	swait.ge [sflag:s10], $0x4000  }
0x2e: {  	[sflag:s10] =	ssyncset.done $0x0  }
0x2f: {  	[sflag:s10] =	ssyncadd.s32 $0xFFFFC000  }
0x30: {  	_ =	sfence.sel $0x180000  }
0x31: {  	[bflag:$0x0] =	sbarrier.arrive $0xFFFF  }
0x32: {  	p0 =	sne.s32 s1, $0x0;
	_ =	strace $0x9000004D  }
0x33: {  	s0 =	sadd.s32 @!p0 $0x100000, s0;
	[bflag:$0x2] =	sbarrier.arrive $0xFFFF  }
0x34: {  	[sflag:s0] =	ssyncadd.tile.s32 @!p0 $0x1;
	_ =	shalt  }
.Lfunc_end2:
_tile_overlayer_lowered:
.L_overlay_start_2:
0x35: {  	(tag) =	ssettag $0x2  }
0x36: {  	s0 =	rddreg [dreg:$0x0];
	s2 =	stileid.u32  }
0x37: {  	s1 =	rddreg [dreg:$0x1];
	p0 =	sne.s32 s2, $0x0  }
0x38: {  	s3 =	rddreg [dreg:$0x2];
	[bflag:$0x3] =	sbarrier.arrive $0xFFFF;
	s2 =	simm.s32 @!p0 $0x1C01  }
0x39: {  	[timem:s3], [sflag:s2] =	dma.local @!p0 [hbm:s0], s1  }
0x3a: {  	s0 =	simm.s32 @!p0 $0x1  }
0x3b: {  	_ =	swait.ge @!p0 [sflag:s0], s1  }
0x3c: {  	s1 =	ssub.s32 @!p0 $0x0, s1;
	[sflag:s0] =	ssyncset.done @!p0 $0x0  }
0x3d: {  	[sflag:s0] =	ssyncadd.s32 @!p0 s1  }
0x3e: {  	[bflag:$0x3] =	sbarrier.arrive $0xFFFF  }
0x3f: {  	_ =	shalt  }

// kernel: kernel.4.cloned.1.call-start
scs
__scs_entry_jumppad:
0x0: {  	(pc) =	sbr.rel $0x88, $3  }
0x1: {  	(tag) =	ssettag $0x0;
	lr =	simm.s32 $0x1  }
0x2: {  	[smem:$0x3FA0] =	sst lr;
	_ =	strace $0xD0000000  }
0x3: {  	_ = 	snop  }
0x4: {  	_ = 	snop  }
0x5: {  	_ = 	snop  }
0x6: {  	_ = 	snop  }
0x7: {  	_ = 	snop  }
__scs_overlays_trampoline_lowered:
0x8: {  	[smem:$0x3FAF] =	sst s0  }
0x9: {  	[smem:$0x3FB0] =	sst s1  }
0xa: {  	[smem:$0x3FB1] =	sst s2  }
0xb: {  	[smem:$0x3FB2] =	sst s3  }
0xc: {  	[smem:$0x3FB3] =	sst s4  }
0xd: {  	[smem:$0x3FB4] =	sst s5  }
0xe: {  	[smem:$0x3FB5] =	sst s6  }
0xf: {  	[smem:$0x3FB6] =	sst s7  }
0x10: {  	[smem:$0x3FB7] =	sst s8  }
0x11: {  	[smem:$0x3FB8] =	sst s9;
	s0 =	simm.s32 @!p0 $0x0  }
0x12: {  	s1 =	sld [smem:$0x3F9E];
	s0 =	simm.s32 @p0 $0x1  }
0x13: {  	[smem:$0x3FB9] =	sst s0;
	s0 =	simm.s32 @!p1 $0x0  }
0x14: {  	s2 =	sld [smem:$0x3F9D];
	s0 =	simm.s32 @p1 $0x1  }
0x15: {  	[smem:$0x3FBA] =	sst s0;
	s0 =	simm.s32 @!p2 $0x0  }
0x16: {  	s3 =	sld [smem:$0x3FDB];
	s0 =	simm.s32 @p2 $0x1  }
0x17: {  	s4 =	simm.s32 $0x1BF5;
	[smem:$0x3FBC] =	sst s0  }
0x18: {  	s0 =	sld [smem:$0x3F9F];
	_ =	swait.ge [sflag:s4], $0x0  }
0x19: {  	s7 =	sld [smem:$0x3FA0]  }
0x1a: {  	s8 =	sadd.s32 $0xFFFFE003, lr  }
0x1b: {  	s9 =	sadd.s32 $0xFFFFFEF7, lr;
	s5 =	simm.s32 $0xFFFFFFFF;
	p2 =	slt.u32 s8, $0xFFFFF086  }
0x1c: {  	p1 =	slt.u32 s9, $0xF7A;
	s5 =	simm.s32 @!p2 $0x0  }
0x1d: {  	s5 =	simm.s32 @p1 $0x1;
	p0 =	seq.s32 s7, s2  }
0x1e: {  	s7 =	smul.u32 @!p0 $0xF7A, s2;
	p2 =	seq.s32 @!p0 s5, $0x0  }
0x1f: {  	s9 =	smul.u32 $0xF7A, s1;
	s8 =	simm.s32 @!p0 $0x1BF5;
	p2 =	por !p2, p0  }
0x20: {  	[sflag:s8] =	ssyncset.s32 @!p0 $0xFFFFF086;
	s6 =	sadd.s32 @!p0 s3, s7;
	s7 =	simm.s32 @!p0 $0x108  }
0x21: {  	s3 =	sadd.s32 s3, s9;
	s6 =	sadd.s32 @!p0 $0x88, s6;
	s7 =	simm.s32 @p2 $0x1082  }
0x22: {  	[simem:s7], [sflag:s8] =	dma.local @!p0 [hbm:s6], $0xF7A  }
0x23: {  	s9 =	sor.u32 $0xD0000000, s2;
	s6 =	simm.s32 $0x108;
	_ =	swait.ge @!p0 [sflag:s8], $0x0  }
0x24: {  	s3 =	sadd.s32 $0x88, s3;
	s6 =	simm.s32 @!p1 $0x1082;
	[sflag:s4] =	ssyncset.s32 $0xFFFFF086  }
0x25: {  	[simem:s6], [sflag:s4] =	dma.local [hbm:s3], $0xF7A  }
0x26: {  	[smem:$0x3FA0] =	sst s1;
	(tag) =	ssettag s2;
	_ =	strace s9  }
0x27: {  	s1 =	sld [smem:$0x3FB0]  }
0x28: {  	s2 =	sld [smem:$0x3FB1]  }
0x29: {  	s4 =	sld [smem:$0x3FB3]  }
0x2a: {  	p0 =	seq.s32 s5, $0x0;
	s5 =	sld [smem:$0x3FB4]  }
0x2b: {  	s6 =	sld [smem:$0x3FB5]  }
0x2c: {  	s7 =	sld [smem:$0x3FB6]  }
0x2d: {  	s3 =	simm.s32 $0x108;
	s8 =	sld [smem:$0x3FB7]  }
0x2e: {  	s3 =	simm.s32 @!p0 $0x1082;
	s9 =	sld [smem:$0x3FB8]  }
0x2f: {  	lr =	sadd.s32 s0, s3;
	s0 =	sld [smem:$0x3FAF]  }
0x30: {  	s3 =	sld [smem:$0x3FB2]  }
0x31: {  	[smem:$0x3FBB] =	sst s10  }
0x32: {  	s10 =	sld [smem:$0x3FB9];
	_ =	sdelay $0x3  }
0x33: {  	p0 =	seq.s32 s10, $0x1;
	s10 =	sld [smem:$0x3FBB];
	_ =	sdelay $0x3  }
0x34: {  	[smem:$0x3FBB] =	sst s10  }
0x35: {  	s10 =	sld [smem:$0x3FBA];
	_ =	sdelay $0x3  }
0x36: {  	p1 =	seq.s32 s10, $0x1;
	s10 =	sld [smem:$0x3FBB];
	_ =	sdelay $0x3  }
0x37: {  	[smem:$0x3FBB] =	sst s10  }
0x38: {  	s10 =	sld [smem:$0x3FBC]  }
0x39: {  	_ = 	snop;
	(pc) =	sbr.ind lr, $3  }
0x3a: {  	_ = 	snop  }
0x3b: {  	_ = 	snop  }
0x3c: {  	p2 =	seq.s32 s10, $0x1;
	s10 =	sld [smem:$0x3FBB]  }
0x3d: {  	_ =	shalt  }
0x3e: {  	_ =	shalt  }
0x3f: {  	_ =	shalt  }
0x40: {  	_ =	shalt  }
0x41: {  	_ =	shalt  }
0x42: {  	_ =	shalt  }
0x43: {  	_ =	shalt  }
0x44: {  	_ =	shalt  }
0x45: {  	_ =	shalt  }
0x46: {  	_ =	shalt  }
0x47: {  	_ =	shalt  }
0x48: {  	_ =	shalt  }
0x49: {  	_ =	shalt  }
0x4a: {  	_ =	shalt  }
0x4b: {  	_ =	shalt  }
0x4c: {  	_ =	shalt  }
0x4d: {  	_ =	shalt  }
0x4e: {  	_ =	shalt  }
0x4f: {  	_ =	shalt  }
0x50: {  	_ =	shalt  }
0x51: {  	_ =	shalt  }
0x52: {  	_ =	shalt  }
0x53: {  	_ =	shalt  }
0x54: {  	_ =	shalt  }
0x55: {  	_ =	shalt  }
0x56: {  	_ =	shalt  }
0x57: {  	_ =	shalt  }
0x58: {  	_ =	shalt  }
0x59: {  	_ =	shalt  }
0x5a: {  	_ =	shalt  }
0x5b: {  	_ =	shalt  }
0x5c: {  	_ =	shalt  }
0x5d: {  	_ =	shalt  }
0x5e: {  	_ =	shalt  }
0x5f: {  	_ =	shalt  }
0x60: {  	_ =	shalt  }
0x61: {  	_ =	shalt  }
0x62: {  	_ =	shalt  }
0x63: {  	_ =	shalt  }
0x64: {  	_ =	shalt  }
0x65: {  	_ =	shalt  }
0x66: {  	_ =	shalt  }
0x67: {  	_ =	shalt  }
0x68: {  	_ =	shalt  }
0x69: {  	_ =	shalt  }
0x6a: {  	_ =	shalt  }
0x6b: {  	_ =	shalt  }
0x6c: {  	_ =	shalt  }
0x6d: {  	_ =	shalt  }
0x6e: {  	_ =	shalt  }
0x6f: {  	_ =	shalt  }
0x70: {  	_ =	shalt  }
0x71: {  	_ =	shalt  }
0x72: {  	_ =	shalt  }
0x73: {  	_ =	shalt  }
0x74: {  	_ =	shalt  }
0x75: {  	_ =	shalt  }
0x76: {  	_ =	shalt  }
0x77: {  	_ =	shalt  }
0x78: {  	_ =	shalt  }
0x79: {  	_ =	shalt  }
0x7a: {  	_ =	shalt  }
0x7b: {  	_ =	shalt  }
0x7c: {  	_ =	shalt  }
0x7d: {  	_ =	shalt  }
0x7e: {  	_ =	shalt  }
0x7f: {  	_ =	shalt  }
0x80: {  	_ =	shalt  }
0x81: {  	_ =	shalt  }
0x82: {  	_ =	shalt  }
0x83: {  	_ =	shalt  }
0x84: {  	_ =	shalt  }
0x85: {  	_ =	shalt  }
0x86: {  	_ =	shalt  }
0x87: {  	_ =	shalt  }
.Lfunc_end0:
.L_simem_size_0:
called_computation.2_lowered:
.L_overlay_start_0:
0x88: {  	s2 =	sld [smem:$0x3FD9]  }
0x89: {  	s3 =	sld [smem:$0x3FFE];
	_ =	sdelay $0x1  }
0x8a: {  	s1 =	srdreg.scid  }
0x8b: {  	s0 =	sand.u32 $0x1, s1  }
0x8c: {  	s14 =	sshll.u32 s0, $0xA;
	s2 =	sadd.s32 s3, s2  }
0x8d: {  	s2 =	sadd.s32 s2, s14  }
0x8e: {  	[smem:$0x3FC7] =	sst s2  }
0x8f: {  	_ = 	snop  }
0x90: {  	s2 =	sld [smem:$0x3FD0];
	_ =	sdelay $0x2  }
0x91: {  	s4 =	simm.s32 $0xA;
	s5 =	simm.s32 $0x10;
	s15 =	sld [smem:$0x3FC9]  }
0x92: {  	[smem:s5], [sflag:s4] =	dma.local [hbm:s2], $0x1  }
0x93: {  	_ =	swait.eq [sflag:s4], $0x1  }
0x94: {  	[sflag:s4] =	ssyncset.done $0x0  }
0x95: {  	s16 =	sld [smem:$0x12];
	[sflag:s4] =	ssyncadd.s32 $0xFFFFFFFF  }
0x96: {  	s17 =	sld [smem:$0x13];
	(tm) =	ssettm $0x1  }
0x97: {  	s18 =	sld [smem:$0x3FFB];
	_ =	sdelay $0x3  }
0x98: {  	_ =	strace s18  }
0x99: {  	s5 =	sld [smem:$0x3FFC];
	_ =	sdelay $0x3  }
0x9a: {  	_ =	strace s5  }
0x9b: {  	s5 =	sld [smem:$0x3FFD];
	_ =	sdelay $0x3  }
0x9c: {  	_ =	strace s5  }
0x9d: {  	_ =	strace $0x8FFFFFFF  }
0x9e: {  	s19 =	sld [smem:$0x3FDB];
	_ =	sdelay $0x1  }
0x9f: {  	s6 =	simm.s32 $_scs_section_size  }
0xa0: {  	s7 =	simm.s32 $_size__tile_overlayer_lowered;
	s8 =	simm.s32 $_tile_overlayer_lowered  }
0xa1: {  	s22 =	simm.s32 $0x1BFF;
	s21 =	sshll.u32 s8, $0x1;
	s5 =	sadd.s32 s6, s19  }
0xa2: {  	s9 =	simm.s32 $0x0;
	s20 =	sshll.u32 s7, $0x1;
	s7 =	sadd.s32 s21, s5  }
0xa3: {  	[timem:s9], [sflag:s22] =	dma.local [hbm:s7], s20  }
0xa4: {  	_ =	swait.ge [sflag:s22], s20  }
0xa5: {  	s6 =	ssub.s32 $0x0, s20;
	[sflag:s22] =	ssyncset.done $0x0  }
0xa6: {  	[sflag:s22] =	ssyncadd.s32 s6;
	_ =	sdelay $0x1  }
0xa7: {  	s23 =	simm.s32 $0x1B8B  }
0xa8: {  	_ =	swait.ge [sflag:s23], $0x1  }
0xa9: {  	[sflag:s23] =	ssyncset.done $0x0  }
0xaa: {  	s25 =	simm.s32 $0x1B8E;
	s24 =	sld [smem:$0x3FFE];
	[sflag:s23] =	ssyncadd.s32 $0xFFFFFFFF  }
0xab: {  	s26 =	simm.s32 $execute0_lowered;
	[smem:$0x3FD2] =	sst s25  }
0xac: {  	s7 =	sshll.u32 s26, $0x1;
	_ =	strace $0x80000046;
	[dreg:$0x1] =	wrdreg $0xFFFFFFFF  }
0xad: {  	s28 =	simm.s32 $_size_execute0_lowered;
	s5 =	sadd.s32 s5, s7;
	[dreg:$0x0] =	wrdreg $0x0  }
0xae: {  	s7 =	sshll.u32 s28, $0x1;
	[dreg:$0x2] =	wrdreg s5  }
0xaf: {  	[dreg:$0x3] =	wrdreg s7  }
0xb0: {  	[dreg:$0x4] =	wrdreg $0xC0  }
0xb1: {  	_ =	task [dreg:s9], $0x5FFFF  }
0xb2: {  	[dreg:$0x1] =	wrdreg $0xFFFFFFFF  }
0xb3: {  	[dreg:$0x0] =	wrdreg $0x60  }
0xb4: {  	[dreg:$0x2] =	wrdreg s16  }
0xb5: {  	[dreg:$0x3] =	wrdreg s24  }
0xb6: {  	[dreg:$0x4] =	wrdreg s15  }
0xb7: {  	[dreg:$0x5] =	wrdreg s17  }
0xb8: {  	[dreg:$0x6] =	wrdreg $0x9  }
0xb9: {  	_ =	task.clear_ibuf [dreg:s9], $0x7FFFF;
	_ =	strace $0x90000046  }
0xba: {  	s29 =	simm.s32 $0x9;
	_ =	strace $0x80000048  }
0xbb: {  	_ =	swait.ge [sflag:s29], $0x1  }
0xbc: {  	[sflag:s29] =	ssyncadd.s32 $0xFFFFFFFF  }
0xbd: {  	_ =	strace $0x90000048  }
0xbe: {  	_ =	sfence  }
0xbf: {  	s30 =	sld [smem:$0x0];
	_ =	sdelay $0x2  }
0xc0: {  	s31 =	sshll.u32 s1, $0xD;
	s1 =	sshrl.u32 s1, $0x2  }
0xc1: {  	s3 =	sand.u32 $0x4000, s31;
	s1 =	sadd.s32 s1, s30  }
0xc2: {  	s0 =	sor.u32 s3, s0;
	s1 =	sshll.u32 s1, $0x11  }
0xc3: {  	s0 =	sor.u32 s1, s0  }
0xc4: {  	s0 =	sadd.s32 $0x8F2B, s0  }
0xc5: {  	[sflag:s0] =	ssyncadd.remote.s32 $0x1  }
0xc6: {  	_ =	sfence.sel $0xFFFF  }
0xc7: {  	[dreg:$0x0] =	wrdreg $0xFFFFFFFF;
	(pc) =	sbr.abs _section_cstart, $3  }
0xc8: {  	[dreg:$0x1] =	wrdreg $0xFFFFFFFF  }
0xc9: {  	_ =	task.clear_ibuf [dreg:s9], $0x2FFFF;
	_ =	strace $0x9FFFFFFF  }
0xca: {  	(tm) =	ssettm $0x7FFFFFFF  }
0xcb: {  	_ =	shalt  }
tec
execute0_lowered:
.L_overlay_start_1:
0x0: {  	(tag) =	ssettag $0x1  }
0x1: {  	v0 =	vlaneseq.u32  }
0x2: {  	v16 =	vmul.u32 $0x3C, v0;
	_ =	sdelay $0x1  }
0x3: {  	v0 =	vadd.s32 $0x8, v16  }
0x4: {  	v10 =	vadd.s32 $0x9, v16;
	[tilespmem:$0x1FD60] =	vst v0  }
0x5: {  	v11 =	vadd.s32 $0xA, v16;
	[tilespmem:$0x1FD70] =	vst v10  }
0x6: {  	v12 =	vadd.s32 $0xB, v16;
	[tilespmem:$0x1FD80] =	vst v11  }
0x7: {  	v13 =	vadd.s32 $0xC, v16;
	[tilespmem:$0x1FD90] =	vst v12  }
0x8: {  	v14 =	vadd.s32 $0xD, v16;
	[tilespmem:$0x1FDA0] =	vst v13  }
0x9: {  	v24 =	vadd.s32 $0xE, v16;
	[tilespmem:$0x1FDB0] =	vst v14  }
0xa: {  	v25 =	vadd.s32 $0xF, v16;
	[tilespmem:$0x1FDC0] =	vst v24  }
0xb: {  	v26 =	vadd.s32 $0x10, v16;
	[tilespmem:$0x1FDD0] =	vst v25  }
0xc: {  	v27 =	vadd.s32 $0x11, v16;
	[tilespmem:$0x1FDE0] =	vst v26  }
0xd: {  	v32 =	vadd.s32 $0x12, v16;
	[tilespmem:$0x1FDF0] =	vst v27  }
0xe: {  	v33 =	vadd.s32 $0x13, v16;
	[tilespmem:$0x1FE00] =	vst v32  }
0xf: {  	v34 =	vadd.s32 $0x14, v16;
	[tilespmem:$0x1FE10] =	vst v33  }
0x10: {  	v35 =	vadd.s32 $0x15, v16;
	[tilespmem:$0x1FE20] =	vst v34  }
0x11: {  	v36 =	vadd.s32 $0x16, v16;
	[tilespmem:$0x1FE30] =	vst v35  }
0x12: {  	v37 =	vadd.s32 $0x17, v16;
	[tilespmem:$0x1FE40] =	vst v36  }
0x13: {  	v38 =	vadd.s32 $0x18, v16;
	[tilespmem:$0x1FE50] =	vst v37  }
0x14: {  	v39 =	vadd.s32 $0x19, v16;
	[tilespmem:$0x1FE60] =	vst v38  }
0x15: {  	v40 =	vadd.s32 $0x1A, v16;
	[tilespmem:$0x1FE70] =	vst v39  }
0x16: {  	v41 =	vadd.s32 $0x1B, v16;
	[tilespmem:$0x1FE80] =	vst v40  }
0x17: {  	v42 =	vadd.s32 $0x1C, v16;
	[tilespmem:$0x1FE90] =	vst v41  }
0x18: {  	v43 =	vadd.s32 $0x1D, v16;
	[tilespmem:$0x1FEA0] =	vst v42  }
0x19: {  	v44 =	vadd.s32 $0x1E, v16;
	[tilespmem:$0x1FEB0] =	vst v43  }
0x1a: {  	v45 =	vadd.s32 $0x1F, v16;
	[tilespmem:$0x1FEC0] =	vst v44  }
0x1b: {  	v46 =	vadd.s32 $0x20, v16;
	[tilespmem:$0x1FED0] =	vst v45  }
0x1c: {  	v47 =	vadd.s32 $0x21, v16;
	[tilespmem:$0x1FEE0] =	vst v46  }
0x1d: {  	v48 =	vadd.s32 $0x22, v16;
	[tilespmem:$0x1FEF0] =	vst v47  }
0x1e: {  	v49 =	vadd.s32 $0x23, v16;
	[tilespmem:$0x1FF00] =	vst v48  }
0x1f: {  	v50 =	vadd.s32 $0x24, v16;
	[tilespmem:$0x1FF10] =	vst v49  }
0x20: {  	v51 =	vadd.s32 $0x25, v16;
	[tilespmem:$0x1FF20] =	vst v50  }
0x21: {  	v52 =	vadd.s32 $0x26, v16;
	[tilespmem:$0x1FF30] =	vst v51  }
0x22: {  	v53 =	vadd.s32 $0x27, v16;
	[tilespmem:$0x1FF40] =	vst v52  }
0x23: {  	s0 =	rddreg [dreg:$0x0];
	v54 =	vadd.s32 $0x28, v16;
	[tilespmem:$0x1FF50] =	vst v53  }
0x24: {  	s7 =	rddreg [dreg:$0x1];
	v55 =	vadd.s32 $0x29, v16;
	[tilespmem:$0x1FF60] =	vst v54  }
0x25: {  	s1 =	rddreg [dreg:$0x2];
	v56 =	vadd.s32 $0x2A, v16;
	[tilespmem:$0x1FF70] =	vst v55  }
0x26: {  	s3 =	rddreg [dreg:$0x3];
	v17 =	vor.u32 $0x1, v16;
	v18 =	vor.u32 $0x2, v16;
	v57 =	vadd.s32 $0x2B, v16;
	[tilespmem:$0x1FF80] =	vst v56  }
0x27: {  	s2 =	rddreg [dreg:$0x4];
	s4 =	simm.s32 $0x0;
	v19 =	vor.u32 $0x3, v16;
	v20 =	vadd.s32 $0x4, v16;
	v58 =	vadd.s32 $0x2C, v16;
	[tilespmem:$0x1FF90] =	vst v57  }
0x28: {  	s5 =	srdreg.scid;
	s12 =	simm.s32 $0x4800;
	[smem:$0x7FF] =	sst s4;
	v21 =	vadd.s32 $0x5, v16;
	v22 =	vadd.s32 $0x6, v16;
	v59 =	vadd.s32 $0x2D, v16;
	[tilespmem:$0x1FFA0] =	vst v58  }
0x29: {  	s13 =	simm.s32 $0x0;
	s8 =	sand.u32 $0x1, s5;
	v23 =	vadd.s32 $0x7, v16;
	v60 =	vadd.s32 $0x2E, v16;
	v61 =	vadd.s32 $0x2F, v16;
	_ =	strace $0x80000047;
	[tilespmem:$0x1FFB0] =	vst v59  }
0x2a: {  	s5 =	stileid.u32;
	s6 =	sadd.s32 $0x2000, s7;
	s9 =	ssub.s32 $0x2, s8;
	v62 =	vadd.s32 $0x30, v16;
	v63 =	vadd.s32 $0x31, v16;
	v30 =	vadd.s32 $0x32, v16;
	[tilespmem:$0x1FFC0] =	vst v60  }
0x2b: {  	s7 =	sadd.s32 $0x1F000, s7;
	s11 =	sshll.u32 s5, $0x1;
	s10 =	sshrl.u32 s9, $0x1;
	v31 =	vadd.s32 $0x33, v16;
	v32 =	vadd.s32 $0x34, v16;
	v33 =	vadd.s32 $0x35, v16;
	[tilespmem:$0x1FFD0] =	vst v61  }
0x2c: {  	s8 =	sor.u32 s8, s11;
	s11 =	simm.s32 $0x4C00;
	s9 =	ssub.s32 s9, s10;
	v34 =	vadd.s32 $0x36, v16;
	v35 =	vadd.s32 $0x37, v16;
	v36 =	vadd.s32 $0x38, v16;
	[tilespmem:$0x1FFE0] =	vst v62  }
0x2d: {  	s8 =	smul.u32 $0x7400, s8;
	s10 =	simm.s32 $0x1;
	v37 =	vadd.s32 $0x39, v16;
	v38 =	vadd.s32 $0x3A, v16;
	v39 =	vadd.s32 $0x3B, v16;
	[tilespmem:$0x1FFF0] =	vst v63;
	s9 =	smax.u32 s9, $0x1  }
.LBB2_1:
0x2e: {  	[tilespmem:s4], [sflag:$0x1] =	stream.linear.gather [hbm4b:s1+s4], $0x4000, $0x38;
	[tilespmem:$0x13C00] =	vst v63  }
0x2f: {  	_ =	swait.ge [sflag:s10], $0x4000  }
0x30: {  	[sflag:s10] =	ssyncset.done $0x0  }
0x31: {  	s14 =	simm.s32 $0x0;
	[sflag:s10] =	ssyncadd.s32 $0xFFFFC000  }
.LBB2_2:
0x32: {  	s15 =	sshll.u32 s14, $0xA  }
0x33: {  	s15 =	sadd.s32 s8, s15  }
0x34: {  	s16 =	sshrl.u32 s15, $0x3  }
0x35: {  	s17 =	simm.s32 $0x0;
	s18 =	simm.s32 $0x4000;
	s19 =	sadd.s32 s0, s16  }
0x36: {  	[tilespmem:s18], [sflag:$0x1] =	stream.linear.gather [hbm4b:s19+s17], $0x400, $0x38;
	[tilespmem:$0x13C00] =	vst v63  }
0x37: {  	_ =	swait.ge [sflag:s10], $0x400  }
0x38: {  	[sflag:s10] =	ssyncset.done $0x0  }
0x39: {  	s20 =	sadd.s32 s6, s16;
	s19 =	simm.s32 $0x4400;
	[sflag:s10] =	ssyncadd.s32 $0xFFFFFC00  }
0x3a: {  	[tilespmem:s19], [sflag:$0x1] =	stream.linear.gather [hbm4b:s20+s17], $0x400, $0x38;
	[tilespmem:$0x13C00] =	vst v63  }
0x3b: {  	_ =	swait.ge [sflag:s10], $0x400  }
0x3c: {  	v40 =	vld [tilespmem:$0x1FE60]  }
0x3d: {  	v41 =	vld [tilespmem:$0x1FE70]  }
0x3e: {  	v42 =	vld [tilespmem:$0x1FE80]  }
0x3f: {  	v43 =	vld [tilespmem:$0x1FE90]  }
0x40: {  	v44 =	vld [tilespmem:$0x1FEA0]  }
0x41: {  	v45 =	vld [tilespmem:$0x1FEB0]  }
0x42: {  	v46 =	vld [tilespmem:$0x1FEC0]  }
0x43: {  	v47 =	vld [tilespmem:$0x1FED0]  }
0x44: {  	v48 =	vld [tilespmem:$0x1FEE0]  }
0x45: {  	v49 =	vld [tilespmem:$0x1FEF0]  }
0x46: {  	v50 =	vld [tilespmem:$0x1FF00]  }
0x47: {  	v51 =	vld [tilespmem:$0x1FF10]  }
0x48: {  	v52 =	vld [tilespmem:$0x1FF20]  }
0x49: {  	v53 =	vld [tilespmem:$0x1FF30]  }
0x4a: {  	v54 =	vld [tilespmem:$0x1FF40]  }
0x4b: {  	v55 =	vld [tilespmem:$0x1FF50]  }
0x4c: {  	v56 =	vld [tilespmem:$0x1FF60]  }
0x4d: {  	v57 =	vld [tilespmem:$0x1FF70]  }
0x4e: {  	v58 =	vld [tilespmem:$0x1FF80]  }
0x4f: {  	v59 =	vld [tilespmem:$0x1FF90]  }
0x50: {  	v24 =	vld [tilespmem:$0x1FFA0]  }
0x51: {  	v25 =	vld [tilespmem:$0x1FFB0]  }
0x52: {  	v26 =	vld [tilespmem:$0x1FFC0]  }
0x53: {  	v27 =	vld [tilespmem:$0x1FFD0]  }
0x54: {  	[sflag:s10] =	ssyncset.done $0x0;
	v28 =	vld [tilespmem:$0x1FFE0]  }
0x55: {  	s20 =	simm.s32 $0x4800;
	v29 =	vld [tilespmem:$0x1FFF0];
	[sflag:s10] =	ssyncadd.s32 $0xFFFFFC00  }
.LBB2_3:
0x56: {  	v61 =	vld [tilespmem:s18+$0x0]  }
0x57: {  	v62 =	vld [tilespmem:s19+$0x0];
	_ =	sdelay $0x4  }
0x58: {  	v60 =	vshra.s32 v61, $0x7;
	v63 =	vshra.s32 v62, $0x7;
	v61 =	vand.u32 $0x7F, v61  }
0x59: {  	v62 =	vand.u32 $0x7F, v62;
	v60 =	vcvt.s32.f32 v60;
	v63 =	vcvt.s32.f32 v63  }
0x5a: {  	v61 =	vcvt.s32.f32 v61;
	v1 =	vcvt.s32.f32 v62;
	_ =	sdelay $0x1  }
0x5b: {  	v62 =	vsub.f32 v63, v60;
	v63 =	vsub.f32 v1, v61;
	_ =	sdelay $0x1  }
0x5c: {  	v12 =	vmul.f32 $0.0e+00, v62;
	v0 =	vmul.f32 $0.0e+00, v63  }
0x5d: {  	v4 =	vadd.s32 s17, v16;
	v2 =	vmul.f32 $1.694915260e-02, v62;
	v3 =	vmul.f32 $1.694915260e-02, v63  }
0x5e: {  	v5 =	vmul.f32 $3.389830510e-02, v62;
	v14 =	vmul.f32 $3.389830510e-02, v63;
	v1 =	vadd.f32 v60, v12  }
0x5f: {  	v6 =	vmul.f32 $5.084745590e-02, v62;
	v7 =	vmul.f32 $5.084745590e-02, v63;
	v0 =	vadd.f32 v61, v0  }
0x60: {  	v2 =	vadd.f32 v60, v2;
	v3 =	vadd.f32 v61, v3;
	v1 =	vtrunc.f32 v1  }
0x61: {  	v5 =	vadd.f32 v60, v5;
	v0 =	vtrunc.f32 v0;
	v1 =	vcvt.f32.s32 v1  }
0x62: {  	v10 =	vadd.f32 v60, v6;
	v2 =	vtrunc.f32 v2;
	v0 =	vcvt.f32.s32 v0  }
0x63: {  	v13 =	vtrunc.f32 v3;
	v2 =	vcvt.f32.s32 v2;
	v1 =	vshll.u32 v1, $0x7  }
0x64: {  	v3 =	vadd.f32 v61, v14;
	v0 =	vadd.s32 v0, v1;
	v1 =	vcvt.f32.s32 v13  }
0x65: {  	v11 =	vadd.f32 v61, v7;
	v9 =	vtrunc.f32 v5;
	v2 =	vshll.u32 v2, $0x7  }
0x66: {  	v3 =	vtrunc.f32 v3;
	v1 =	vadd.s32 v1, v2;
	v2 =	vcvt.f32.s32 v9  }
0x67: {  	v12 =	vadd.s32 s17, v17;
	v5 =	vtrunc.f32 v10;
	v3 =	vcvt.f32.s32 v3  }
0x68: {  	v6 =	vtrunc.f32 v11;
	v5 =	vcvt.f32.s32 v5;
	v2 =	vshll.u32 v2, $0x7  }
0x69: {  	v13 =	vcvt.f32.s32 v6;
	v2 =	vadd.s32 v3, v2;
	v14 =	vld.idx.msk [tilespmem:v0+s4+$0x0], $0xffff  }
0x6a: {  	v8 =	vadd.s32 s17, v18;
	v5 =	vshll.u32 v5, $0x7;
	[tilespmem:v4+s11+$0x0] =	vst.idx.msk $0xffff, v0  }
0x6b: {  	v0 =	vadd.s32 v13, v5;
	v10 =	vld.idx.msk [tilespmem:v1+s4+$0x0], $0xffff;
	_ =	sdelay $0x1  }
0x6c: {  	[tilespmem:v12+s11+$0x0] =	vst.idx.msk $0xffff, v1;
	v12 =	vmul.f32 $6.779661030e-02, v62  }
0x6d: {  	v13 =	vmul.f32 $6.779661030e-02, v63;
	v1 =	vld.idx.msk [tilespmem:v2+s4+$0x0], $0xffff;
	v11 =	vadd.f32 $0.0e+00, v14  }
0x6e: {  	[tilespmem:v8+s11+$0x0] =	vst.idx.msk $0xffff, v2;
	v2 =	vadd.f32 v60, v12;
	v14 =	vmul.f32 $8.474576470e-02, v62  }
0x6f: {  	v9 =	vadd.f32 v61, v13;
	v13 =	vmul.f32 $1.016949120e-01, v62;
	v5 =	vld.idx.msk [tilespmem:v0+s4+$0x0], $0xffff;
	v3 =	vadd.f32 v10, v11  }
0x70: {  	v2 =	vtrunc.f32 v2;
	v10 =	vadd.f32 v60, v14;
	v11 =	vmul.f32 $8.474576470e-02, v63  }
0x71: {  	v7 =	vadd.f32 v60, v13;
	v13 =	vmul.f32 $1.186440660e-01, v62;
	v2 =	vcvt.f32.s32 v2  }
0x72: {  	v4 =	vtrunc.f32 v10;
	v12 =	vadd.f32 v61, v11;
	v1 =	vadd.f32 v1, v3  }
0x73: {  	v11 =	vmul.f32 $1.355932210e-01, v62;
	v3 =	vtrunc.f32 v9  }
0x74: {  	v4 =	vcvt.f32.s32 v4;
	v1 =	vadd.f32 v5, v1;
	v5 =	vtrunc.f32 v12  }
0x75: {  	v3 =	vcvt.f32.s32 v3;
	v14 =	vcvt.f32.s32 v5  }
0x76: {  	v2 =	vshll.u32 v2, $0x7;
	v12 =	vmul.f32 $1.016949120e-01, v63;
	v4 =	vshll.u32 v4, $0x7  }
0x77: {  	v11 =	vadd.f32 v60, v11;
	v2 =	vadd.s32 v3, v2;
	v3 =	vadd.s32 v14, v4  }
0x78: {  	v4 =	vadd.f32 v61, v12;
	v12 =	vadd.f32 v60, v13;
	v13 =	vmul.f32 $1.186440660e-01, v63  }
0x79: {  	v15 =	vmul.f32 $1.694915290e-01, v63;
	v6 =	vadd.s32 s17, v19  }
0x7a: {  	v11 =	vtrunc.f32 v11;
	v14 =	vtrunc.f32 v7;
	v8 =	vadd.f32 v61, v13  }
0x7b: {  	v10 =	vadd.s32 s17, v21;
	v7 =	vtrunc.f32 v12;
	v12 =	vmul.f32 $1.355932210e-01, v63  }
0x7c: {  	v9 =	vadd.s32 s17, v20;
	v7 =	vcvt.f32.s32 v7;
	v8 =	vtrunc.f32 v8  }
0x7d: {  	v5 =	vcvt.f32.s32 v14;
	v12 =	vadd.f32 v61, v12;
	v8 =	vcvt.f32.s32 v8  }
0x7e: {  	v14 =	vmul.f32 $1.525423680e-01, v63;
	v4 =	vtrunc.f32 v4;
	v7 =	vshll.u32 v7, $0x7  }
0x7f: {  	v12 =	vtrunc.f32 v12;
	v7 =	vadd.s32 v8, v7;
	v8 =	vcvt.f32.s32 v11  }
0x80: {  	[tilespmem:v6+s11+$0x0] =	vst.idx.msk $0xffff, v0;
	v4 =	vcvt.f32.s32 v4;
	v14 =	vadd.f32 v61, v14;
	v0 =	vcvt.f32.s32 v12  }
0x81: {  	v5 =	vshll.u32 v5, $0x7;
	v11 =	vmul.f32 $1.525423680e-01, v62;
	v12 =	vld.idx.msk [tilespmem:v2+s4+$0x0], $0xffff;
	[tilespmem:v9+s11+$0x0] =	vst.idx.msk $0xffff, v2;
	v8 =	vshll.u32 v8, $0x7  }
0x82: {  	v4 =	vadd.s32 v4, v5;
	v9 =	vtrunc.f32 v14;
	v0 =	vadd.s32 v0, v8;
	v8 =	vld.idx.msk [tilespmem:v3+s4+$0x0], $0xffff  }
0x83: {  	v14 =	vadd.f32 v61, v15;
	v6 =	vadd.f32 v60, v11;
	v11 =	vmul.f32 $1.694915290e-01, v62;
	[tilespmem:v10+s11+$0x0] =	vst.idx.msk $0xffff, v3;
	v10 =	vld [tilespmem:$0x1FD60]  }
0x84: {  	v5 =	vadd.s32 s17, v22  }
0x85: {  	v2 =	vtrunc.f32 v6;
	v6 =	vadd.f32 v60, v11;
	v11 =	vtrunc.f32 v14;
	v14 =	vld [tilespmem:$0x1FD70]  }
0x86: {  	v13 =	vadd.s32 s17, v23;
	v2 =	vcvt.f32.s32 v2  }
0x87: {  	v9 =	vcvt.f32.s32 v9;
	v6 =	vtrunc.f32 v6  }
0x88: {  	v2 =	vshll.u32 v2, $0x7;
	v6 =	vcvt.f32.s32 v6;
	v3 =	vadd.s32 s17, v10;
	v10 =	vld.idx.msk [tilespmem:v4+s4+$0x0], $0xffff  }
0x89: {  	v1 =	vadd.f32 v12, v1;
	v12 =	vcvt.f32.s32 v11;
	[tilespmem:v5+s11+$0x0] =	vst.idx.msk $0xffff, v4;
	v2 =	vadd.s32 v9, v2  }
0x8a: {  	v5 =	vld.idx.msk [tilespmem:v7+s4+$0x0], $0xffff;
	v9 =	vadd.s32 s17, v14;
	v6 =	vshll.u32 v6, $0x7  }
0x8b: {  	v1 =	vadd.f32 v8, v1;
	[tilespmem:v13+s11+$0x0] =	vst.idx.msk $0xffff, v7;
	v4 =	vadd.s32 v12, v6  }
0x8c: {  	v14 =	vmul.f32 $1.864406760e-01, v63;
	v12 =	vld.idx.msk [tilespmem:v0+s4+$0x0], $0xffff  }
0x8d: {  	v13 =	vmul.f32 $1.864406760e-01, v62;
	v1 =	vadd.f32 v10, v1;
	[tilespmem:v3+s11+$0x0] =	vst.idx.msk $0xffff, v0  }
0x8e: {  	v11 =	vadd.f32 v61, v14;
	v0 =	vld.idx.msk [tilespmem:v2+s4+$0x0], $0xffff  }
0x8f: {  	[tilespmem:v9+s11+$0x0] =	vst.idx.msk $0xffff, v2;
	v2 =	vadd.f32 v60, v13;
	v1 =	vadd.f32 v5, v1  }
0x90: {  	v9 =	vmul.f32 $2.033898230e-01, v62;
	v13 =	vmul.f32 $2.033898230e-01, v63;
	v3 =	vld.idx.msk [tilespmem:v4+s4+$0x0], $0xffff  }
0x91: {  	v10 =	vtrunc.f32 v2;
	v2 =	vtrunc.f32 v11;
	v1 =	vadd.f32 v12, v1  }
0x92: {  	v11 =	vmul.f32 $2.203389850e-01, v62;
	v12 =	vadd.f32 v60, v9;
	v9 =	vadd.f32 v61, v13  }
0x93: {  	v2 =	vcvt.f32.s32 v2;
	v0 =	vadd.f32 v0, v1;
	v1 =	vcvt.f32.s32 v10  }
0x94: {  	v14 =	vtrunc.f32 v12;
	v5 =	vtrunc.f32 v9  }
0x95: {  	v0 =	vadd.f32 v3, v0;
	v3 =	vcvt.f32.s32 v14;
	v1 =	vshll.u32 v1, $0x7;
	v14 =	vld [tilespmem:$0x1FD90]  }
0x96: {  	v7 =	vadd.f32 v60, v11;
	v1 =	vadd.s32 v2, v1;
	v2 =	vcvt.f32.s32 v5  }
0x97: {  	v13 =	vmul.f32 $2.372881320e-01, v62;
	v10 =	vld [tilespmem:$0x1FD80];
	v12 =	vmul.f32 $2.203389850e-01, v63;
	v3 =	vshll.u32 v3, $0x7  }
0x98: {  	v5 =	vtrunc.f32 v7;
	v2 =	vadd.s32 v2, v3  }
0x99: {  	v3 =	vadd.f32 v61, v12;
	v12 =	vadd.f32 v60, v13;
	v13 =	vmul.f32 $2.372881320e-01, v63  }
0x9a: {  	v5 =	vcvt.f32.s32 v5;
	v9 =	vadd.s32 s17, v14  }
0x9b: {  	v14 =	vld [tilespmem:$0x1FDA0];
	v7 =	vtrunc.f32 v12;
	v8 =	vadd.f32 v61, v13;
	v12 =	vmul.f32 $2.542372940e-01, v62  }
0x9c: {  	v6 =	vadd.s32 s17, v10;
	v3 =	vtrunc.f32 v3;
	v7 =	vcvt.f32.s32 v7  }
0x9d: {  	v13 =	vld [tilespmem:$0x1FDB0];
	v8 =	vtrunc.f32 v8;
	v11 =	vadd.f32 v60, v12;
	v12 =	vmul.f32 $2.542372940e-01, v63  }
0x9e: {  	v5 =	vshll.u32 v5, $0x7;
	v3 =	vcvt.f32.s32 v3;
	v8 =	vcvt.f32.s32 v8  }
0x9f: {  	v7 =	vshll.u32 v7, $0x7;
	v11 =	vtrunc.f32 v11;
	v12 =	vadd.f32 v61, v12  }
0xa0: {  	v10 =	vadd.s32 s17, v14;
	v7 =	vadd.s32 v8, v7;
	v8 =	vcvt.f32.s32 v11  }
0xa1: {  	v3 =	vadd.s32 v3, v5;
	v14 =	vmul.f32 $2.711864410e-01, v63;
	v12 =	vtrunc.f32 v12  }
0xa2: {  	[tilespmem:v6+s11+$0x0] =	vst.idx.msk $0xffff, v4;
	v5 =	vadd.s32 s17, v13;
	v11 =	vmul.f32 $2.711864410e-01, v62;
	v13 =	vld [tilespmem:$0x1FDC0];
	v4 =	vcvt.f32.s32 v12  }
0xa3: {  	v15 =	vmul.f32 $2.881355880e-01, v63;
	v12 =	vld.idx.msk [tilespmem:v1+s4+$0x0], $0xffff;
	v8 =	vshll.u32 v8, $0x7;
	v14 =	vadd.f32 v61, v14;
	[tilespmem:v9+s11+$0x0] =	vst.idx.msk $0xffff, v1  }
0xa4: {  	v6 =	vadd.f32 v60, v11;
	v1 =	vadd.s32 v4, v8;
	v8 =	vld.idx.msk [tilespmem:v2+s4+$0x0], $0xffff  }
0xa5: {  	v11 =	vmul.f32 $2.881355880e-01, v62;
	v9 =	vtrunc.f32 v14;
	v14 =	vadd.f32 v61, v15;
	[tilespmem:v10+s11+$0x0] =	vst.idx.msk $0xffff, v2;
	v10 =	vld [tilespmem:$0x1FDD0];
	_ =	sdelay $0x1  }
0xa6: {  	v4 =	vtrunc.f32 v6;
	v6 =	vadd.f32 v60, v11;
	v11 =	vtrunc.f32 v14;
	v14 =	vld [tilespmem:$0x1FDE0]  }
0xa7: {  	v13 =	vadd.s32 s17, v13;
	v4 =	vcvt.f32.s32 v4  }
0xa8: {  	v9 =	vcvt.f32.s32 v9;
	v6 =	vtrunc.f32 v6  }
0xa9: {  	v4 =	vshll.u32 v4, $0x7;
	v6 =	vcvt.f32.s32 v6;
	v2 =	vadd.s32 s17, v10;
	v10 =	vld.idx.msk [tilespmem:v3+s4+$0x0], $0xffff  }
0xaa: {  	v0 =	vadd.f32 v12, v0;
	v12 =	vcvt.f32.s32 v11;
	[tilespmem:v5+s11+$0x0] =	vst.idx.msk $0xffff, v3;
	v3 =	vadd.s32 v9, v4  }
0xab: {  	v6 =	vshll.u32 v6, $0x7;
	v5 =	vld.idx.msk [tilespmem:v7+s4+$0x0], $0xffff;
	v9 =	vadd.s32 s17, v14  }
0xac: {  	v0 =	vadd.f32 v8, v0;
	v4 =	vadd.s32 v12, v6;
	[tilespmem:v13+s11+$0x0] =	vst.idx.msk $0xffff, v7  }
0xad: {  	v13 =	vmul.f32 $3.050847350e-01, v62;
	v12 =	vld.idx.msk [tilespmem:v1+s4+$0x0], $0xffff  }
0xae: {  	v14 =	vmul.f32 $3.050847350e-01, v63;
	v0 =	vadd.f32 v10, v0;
	[tilespmem:v2+s11+$0x0] =	vst.idx.msk $0xffff, v1  }
0xaf: {  	v2 =	vadd.f32 v60, v13;
	v1 =	vld.idx.msk [tilespmem:v3+s4+$0x0], $0xffff  }
0xb0: {  	v11 =	vadd.f32 v61, v14;
	v13 =	vmul.f32 $3.220339120e-01, v63;
	[tilespmem:v9+s11+$0x0] =	vst.idx.msk $0xffff, v3;
	v0 =	vadd.f32 v5, v0  }
0xb1: {  	v9 =	vmul.f32 $3.220339120e-01, v62;
	v3 =	vld.idx.msk [tilespmem:v4+s4+$0x0], $0xffff;
	v10 =	vtrunc.f32 v2  }
0xb2: {  	v2 =	vtrunc.f32 v11;
	v11 =	vmul.f32 $3.389830590e-01, v62;
	v0 =	vadd.f32 v12, v0  }
0xb3: {  	v2 =	vcvt.f32.s32 v2;
	v12 =	vadd.f32 v60, v9;
	v9 =	vadd.f32 v61, v13  }
0xb4: {  	v13 =	vmul.f32 $3.559322060e-01, v62;
	v0 =	vadd.f32 v1, v0;
	v1 =	vcvt.f32.s32 v10  }
0xb5: {  	v14 =	vtrunc.f32 v12;
	v5 =	vtrunc.f32 v9  }
0xb6: {  	v10 =	vld [tilespmem:$0x1FDF0];
	v0 =	vadd.f32 v3, v0;
	v3 =	vcvt.f32.s32 v14;
	v1 =	vshll.u32 v1, $0x7  }
0xb7: {  	v12 =	vmul.f32 $3.389830590e-01, v63;
	v14 =	vld [tilespmem:$0x1FE00];
	v1 =	vadd.s32 v2, v1;
	v2 =	vcvt.f32.s32 v5  }
0xb8: {  	v7 =	vadd.f32 v60, v11;
	v3 =	vshll.u32 v3, $0x7  }
0xb9: {  	v2 =	vadd.s32 v2, v3;
	v3 =	vadd.f32 v61, v12;
	v12 =	vadd.f32 v60, v13  }
0xba: {  	v5 =	vtrunc.f32 v7;
	v13 =	vmul.f32 $3.559322060e-01, v63  }
0xbb: {  	v7 =	vtrunc.f32 v12;
	v12 =	vmul.f32 $3.728813530e-01, v62  }
0xbc: {  	v5 =	vcvt.f32.s32 v5;
	v6 =	vadd.s32 s17, v10;
	v9 =	vadd.s32 s17, v14;
	v14 =	vld [tilespmem:$0x1FE10]  }
0xbd: {  	v8 =	vadd.f32 v61, v13;
	v11 =	vadd.f32 v60, v12;
	v12 =	vmul.f32 $3.728813530e-01, v63  }
0xbe: {  	v5 =	vshll.u32 v5, $0x7;
	v13 =	vld [tilespmem:$0x1FE20];
	v7 =	vcvt.f32.s32 v7  }
0xbf: {  	v3 =	vtrunc.f32 v3;
	v8 =	vtrunc.f32 v8;
	v12 =	vadd.f32 v61, v12  }
0xc0: {  	v3 =	vcvt.f32.s32 v3;
	v8 =	vcvt.f32.s32 v8;
	v7 =	vshll.u32 v7, $0x7  }
0xc1: {  	[tilespmem:v6+s11+$0x0] =	vst.idx.msk $0xffff, v4;
	v11 =	vtrunc.f32 v11;
	v10 =	vadd.s32 s17, v14;
	v12 =	vtrunc.f32 v12  }
0xc2: {  	v7 =	vadd.s32 v8, v7;
	v8 =	vcvt.f32.s32 v11;
	v4 =	vcvt.f32.s32 v12;
	v12 =	vld.idx.msk [tilespmem:v1+s4+$0x0], $0xffff  }
0xc3: {  	v3 =	vadd.s32 v3, v5;
	v5 =	vadd.s32 s17, v13  }
0xc4: {  	v11 =	vmul.f32 $3.898305000e-01, v62;
	v13 =	vld [tilespmem:$0x1FE30];
	v14 =	vmul.f32 $3.898305000e-01, v63;
	v8 =	vshll.u32 v8, $0x7;
	[tilespmem:v9+s11+$0x0] =	vst.idx.msk $0xffff, v1  }
0xc5: {  	v1 =	vadd.s32 v4, v8;
	v8 =	vld.idx.msk [tilespmem:v2+s4+$0x0], $0xffff  }
0xc6: {  	v6 =	vadd.f32 v60, v11;
	v11 =	vmul.f32 $4.067796470e-01, v62;
	v14 =	vadd.f32 v61, v14;
	[tilespmem:v10+s11+$0x0] =	vst.idx.msk $0xffff, v2;
	v10 =	vld [tilespmem:$0x1FE40]  }
0xc7: {  	v15 =	vmul.f32 $4.067796470e-01, v63;
	v0 =	vadd.f32 v12, v0;
	v12 =	vld [tilespmem:$0x1FE50]  }
0xc8: {  	v4 =	vtrunc.f32 v6;
	v6 =	vadd.f32 v60, v11;
	v9 =	vtrunc.f32 v14  }
0xc9: {  	v14 =	vadd.f32 v61, v15;
	v13 =	vadd.s32 s17, v13;
	v4 =	vcvt.f32.s32 v4  }
0xca: {  	v9 =	vcvt.f32.s32 v9;
	v6 =	vtrunc.f32 v6  }
0xcb: {  	v11 =	vtrunc.f32 v14;
	v4 =	vshll.u32 v4, $0x7;
	v2 =	vadd.s32 s17, v10;
	v10 =	vld.idx.msk [tilespmem:v3+s4+$0x0], $0xffff  }
0xcc: {  	v6 =	vcvt.f32.s32 v6;
	[tilespmem:v5+s11+$0x0] =	vst.idx.msk $0xffff, v3;
	v3 =	vadd.s32 v9, v4;
	v9 =	vadd.s32 s17, v12  }
0xcd: {  	v14 =	vcvt.f32.s32 v11;
	v5 =	vld.idx.msk [tilespmem:v7+s4+$0x0], $0xffff  }
0xce: {  	v6 =	vshll.u32 v6, $0x7;
	v0 =	vadd.f32 v8, v0;
	[tilespmem:v13+s11+$0x0] =	vst.idx.msk $0xffff, v7  }
0xcf: {  	v4 =	vadd.s32 v14, v6;
	v14 =	vld.idx.msk [tilespmem:v1+s4+$0x0], $0xffff  }
0xd0: {  	v0 =	vadd.f32 v10, v0;
	[tilespmem:v2+s11+$0x0] =	vst.idx.msk $0xffff, v1  }
0xd1: {  	v10 =	vmul.f32 $4.237288240e-01, v63;
	v1 =	vld.idx.msk [tilespmem:v3+s4+$0x0], $0xffff;
	[tilespmem:v9+s11+$0x0] =	vst.idx.msk $0xffff, v3;
	v9 =	vmul.f32 $4.237288240e-01, v62  }
0xd2: {  	v11 =	vmul.f32 $4.406779710e-01, v62;
	v0 =	vadd.f32 v5, v0  }
0xd3: {  	v13 =	vadd.f32 v61, v10;
	v2 =	vadd.f32 v60, v9  }
0xd4: {  	v15 =	vmul.f32 $5.254237060e-01, v63;
	v3 =	vld.idx.msk [tilespmem:v4+s4+$0x0], $0xffff;
	v0 =	vadd.f32 v14, v0;
	v14 =	vadd.f32 v60, v11  }
0xd5: {  	v6 =	vadd.s32 s17, v40;
	v9 =	vmul.f32 $4.406779710e-01, v63;
	v12 =	vtrunc.f32 v2  }
0xd6: {  	v0 =	vadd.f32 v1, v0;
	v2 =	vtrunc.f32 v13;
	v10 =	vtrunc.f32 v14  }
0xd7: {  	v11 =	vadd.f32 v61, v9;
	v14 =	vmul.f32 $4.576271180e-01, v63;
	v1 =	vcvt.f32.s32 v12  }
0xd8: {  	v9 =	vadd.s32 s17, v41;
	v2 =	vcvt.f32.s32 v2;
	v12 =	vmul.f32 $4.576271180e-01, v62  }
0xd9: {  	v0 =	vadd.f32 v3, v0;
	v3 =	vcvt.f32.s32 v10;
	v5 =	vtrunc.f32 v11  }
0xda: {  	v1 =	vshll.u32 v1, $0x7;
	v13 =	vcvt.f32.s32 v5;
	v7 =	vadd.f32 v60, v12  }
0xdb: {  	v12 =	vmul.f32 $4.745762650e-01, v62;
	v1 =	vadd.s32 v2, v1;
	v3 =	vshll.u32 v3, $0x7  }
0xdc: {  	v2 =	vadd.s32 v13, v3;
	v3 =	vadd.f32 v61, v14;
	v13 =	vtrunc.f32 v7  }
0xdd: {  	v14 =	vadd.f32 v60, v12;
	v12 =	vmul.f32 $4.745762650e-01, v63;
	v5 =	vcvt.f32.s32 v13  }
0xde: {  	v10 =	vadd.s32 s17, v42;
	v13 =	vmul.f32 $4.915254120e-01, v62;
	v3 =	vtrunc.f32 v3  }
0xdf: {  	v7 =	vtrunc.f32 v14;
	v8 =	vadd.f32 v61, v12;
	v12 =	vmul.f32 $4.915254120e-01, v63  }
0xe0: {  	v14 =	vmul.f32 $5.084745880e-01, v63;
	v3 =	vcvt.f32.s32 v3;
	v5 =	vshll.u32 v5, $0x7  }
0xe1: {  	v7 =	vcvt.f32.s32 v7;
	v11 =	vadd.f32 v60, v13;
	v8 =	vtrunc.f32 v8  }
0xe2: {  	v13 =	vadd.s32 s17, v44;
	v12 =	vadd.f32 v61, v12;
	v8 =	vcvt.f32.s32 v8  }
0xe3: {  	v14 =	vadd.f32 v61, v14;
	v7 =	vshll.u32 v7, $0x7;
	v11 =	vtrunc.f32 v11  }
0xe4: {  	v7 =	vadd.s32 v8, v7;
	v8 =	vcvt.f32.s32 v11;
	v11 =	vmul.f32 $5.084745880e-01, v62  }
0xe5: {  	[tilespmem:v6+s11+$0x0] =	vst.idx.msk $0xffff, v4;
	v3 =	vadd.s32 v3, v5;
	v5 =	vadd.s32 s17, v43;
	v12 =	vtrunc.f32 v12  }
0xe6: {  	v4 =	vcvt.f32.s32 v12;
	v12 =	vld.idx.msk [tilespmem:v1+s4+$0x0], $0xffff;
	v6 =	vadd.f32 v60, v11;
	v11 =	vmul.f32 $5.254237060e-01, v62  }
0xe7: {  	[tilespmem:v9+s11+$0x0] =	vst.idx.msk $0xffff, v1;
	v9 =	vtrunc.f32 v14;
	v14 =	vadd.f32 v61, v15;
	v8 =	vshll.u32 v8, $0x7  }
0xe8: {  	v1 =	vadd.s32 v4, v8;
	v8 =	vld.idx.msk [tilespmem:v2+s4+$0x0], $0xffff;
	v4 =	vtrunc.f32 v6;
	v6 =	vadd.f32 v60, v11  }
0xe9: {  	v9 =	vcvt.f32.s32 v9;
	[tilespmem:v10+s11+$0x0] =	vst.idx.msk $0xffff, v2;
	v4 =	vcvt.f32.s32 v4  }
0xea: {  	v2 =	vadd.s32 s17, v45;
	v10 =	vld.idx.msk [tilespmem:v3+s4+$0x0], $0xffff;
	v11 =	vtrunc.f32 v14;
	v6 =	vtrunc.f32 v6  }
0xeb: {  	[tilespmem:v5+s11+$0x0] =	vst.idx.msk $0xffff, v3;
	v0 =	vadd.f32 v12, v0;
	v4 =	vshll.u32 v4, $0x7;
	v6 =	vcvt.f32.s32 v6  }
0xec: {  	v14 =	vcvt.f32.s32 v11;
	v5 =	vld.idx.msk [tilespmem:v7+s4+$0x0], $0xffff;
	v3 =	vadd.s32 v9, v4  }
0xed: {  	v12 =	vadd.s32 s17, v46;
	[tilespmem:v13+s11+$0x0] =	vst.idx.msk $0xffff, v7;
	v0 =	vadd.f32 v8, v0;
	v6 =	vshll.u32 v6, $0x7  }
0xee: {  	v4 =	vadd.s32 v14, v6;
	v14 =	vld.idx.msk [tilespmem:v1+s4+$0x0], $0xffff  }
0xef: {  	v9 =	vmul.f32 $5.423728820e-01, v62;
	v0 =	vadd.f32 v10, v0  }
0xf0: {  	[tilespmem:v2+s11+$0x0] =	vst.idx.msk $0xffff, v1;
	v10 =	vmul.f32 $5.423728820e-01, v63  }
0xf1: {  	v2 =	vadd.f32 v60, v9;
	v0 =	vadd.f32 v5, v0;
	v1 =	vld.idx.msk [tilespmem:v3+s4+$0x0], $0xffff  }
0xf2: {  	v11 =	vmul.f32 $5.593220590e-01, v62;
	v9 =	vmul.f32 $5.593220590e-01, v63;
	v13 =	vadd.f32 v61, v10;
	[tilespmem:v12+s11+$0x0] =	vst.idx.msk $0xffff, v3  }
0xf3: {  	v12 =	vtrunc.f32 v2;
	v3 =	vld.idx.msk [tilespmem:v4+s4+$0x0], $0xffff;
	v0 =	vadd.f32 v14, v0  }
0xf4: {  	v2 =	vtrunc.f32 v13;
	v14 =	vadd.f32 v60, v11;
	v11 =	vadd.f32 v61, v9  }
0xf5: {  	v15 =	vmul.f32 $6.440678230e-01, v63;
	v6 =	vadd.s32 s17, v47;
	v2 =	vcvt.f32.s32 v2  }
0xf6: {  	v10 =	vtrunc.f32 v14;
	v5 =	vtrunc.f32 v11;
	v0 =	vadd.f32 v1, v0  }
0xf7: {  	v9 =	vadd.s32 s17, v48;
	v1 =	vcvt.f32.s32 v12;
	v12 =	vmul.f32 $5.762711760e-01, v62  }
0xf8: {  	v14 =	vmul.f32 $5.762711760e-01, v63;
	v0 =	vadd.f32 v3, v0;
	v3 =	vcvt.f32.s32 v10  }
0xf9: {  	v13 =	vcvt.f32.s32 v5;
	v1 =	vshll.u32 v1, $0x7;
	v7 =	vadd.f32 v60, v12  }
0xfa: {  	v12 =	vmul.f32 $5.932203530e-01, v62;
	v1 =	vadd.s32 v2, v1;
	v3 =	vshll.u32 v3, $0x7  }
0xfb: {  	v2 =	vadd.s32 v13, v3;
	v3 =	vadd.f32 v61, v14;
	v13 =	vtrunc.f32 v7  }
0xfc: {  	v14 =	vadd.f32 v60, v12;
	v12 =	vmul.f32 $5.932203530e-01, v63;
	v5 =	vcvt.f32.s32 v13  }
0xfd: {  	v10 =	vadd.s32 s17, v49;
	v13 =	vmul.f32 $6.101694700e-01, v62;
	v3 =	vtrunc.f32 v3  }
0xfe: {  	v7 =	vtrunc.f32 v14;
	v8 =	vadd.f32 v61, v12;
	v12 =	vmul.f32 $6.101694700e-01, v63  }
0xff: {  	v14 =	vmul.f32 $6.271186470e-01, v63;
	v3 =	vcvt.f32.s32 v3;
	v5 =	vshll.u32 v5, $0x7  }
0x100: {  	v7 =	vcvt.f32.s32 v7;
	v11 =	vadd.f32 v60, v13;
	v8 =	vtrunc.f32 v8  }
0x101: {  	v13 =	vadd.s32 s17, v51;
	v12 =	vadd.f32 v61, v12;
	v8 =	vcvt.f32.s32 v8  }
0x102: {  	v14 =	vadd.f32 v61, v14;
	v7 =	vshll.u32 v7, $0x7;
	v11 =	vtrunc.f32 v11  }
0x103: {  	v7 =	vadd.s32 v8, v7;
	v8 =	vcvt.f32.s32 v11;
	v11 =	vmul.f32 $6.271186470e-01, v62  }
0x104: {  	[tilespmem:v6+s11+$0x0] =	vst.idx.msk $0xffff, v4;
	v3 =	vadd.s32 v3, v5;
	v5 =	vadd.s32 s17, v50;
	v12 =	vtrunc.f32 v12  }
0x105: {  	v4 =	vcvt.f32.s32 v12;
	v12 =	vld.idx.msk [tilespmem:v1+s4+$0x0], $0xffff;
	v6 =	vadd.f32 v60, v11;
	v11 =	vmul.f32 $6.440678230e-01, v62  }
0x106: {  	[tilespmem:v9+s11+$0x0] =	vst.idx.msk $0xffff, v1;
	v9 =	vtrunc.f32 v14;
	v14 =	vadd.f32 v61, v15;
	v8 =	vshll.u32 v8, $0x7  }
0x107: {  	v1 =	vadd.s32 v4, v8;
	v8 =	vld.idx.msk [tilespmem:v2+s4+$0x0], $0xffff;
	v4 =	vtrunc.f32 v6;
	v6 =	vadd.f32 v60, v11  }
0x108: {  	v9 =	vcvt.f32.s32 v9;
	[tilespmem:v10+s11+$0x0] =	vst.idx.msk $0xffff, v2;
	v4 =	vcvt.f32.s32 v4  }
0x109: {  	v2 =	vadd.s32 s17, v52;
	v10 =	vld.idx.msk [tilespmem:v3+s4+$0x0], $0xffff;
	v11 =	vtrunc.f32 v14;
	v6 =	vtrunc.f32 v6  }
0x10a: {  	[tilespmem:v5+s11+$0x0] =	vst.idx.msk $0xffff, v3;
	v0 =	vadd.f32 v12, v0;
	v4 =	vshll.u32 v4, $0x7;
	v6 =	vcvt.f32.s32 v6  }
0x10b: {  	v14 =	vcvt.f32.s32 v11;
	v5 =	vld.idx.msk [tilespmem:v7+s4+$0x0], $0xffff;
	v3 =	vadd.s32 v9, v4  }
0x10c: {  	v12 =	vadd.s32 s17, v53;
	[tilespmem:v13+s11+$0x0] =	vst.idx.msk $0xffff, v7;
	v0 =	vadd.f32 v8, v0;
	v6 =	vshll.u32 v6, $0x7  }
0x10d: {  	v4 =	vadd.s32 v14, v6;
	v14 =	vld.idx.msk [tilespmem:v1+s4+$0x0], $0xffff  }
0x10e: {  	v9 =	vmul.f32 $6.610169410e-01, v62;
	v0 =	vadd.f32 v10, v0  }
0x10f: {  	[tilespmem:v2+s11+$0x0] =	vst.idx.msk $0xffff, v1;
	v10 =	vmul.f32 $6.610169410e-01, v63  }
0x110: {  	v2 =	vadd.f32 v60, v9;
	v0 =	vadd.f32 v5, v0;
	v1 =	vld.idx.msk [tilespmem:v3+s4+$0x0], $0xffff  }
0x111: {  	v11 =	vmul.f32 $6.779661180e-01, v62;
	v9 =	vmul.f32 $6.779661180e-01, v63;
	v13 =	vadd.f32 v61, v10;
	[tilespmem:v12+s11+$0x0] =	vst.idx.msk $0xffff, v3  }
0x112: {  	v12 =	vtrunc.f32 v2;
	v3 =	vld.idx.msk [tilespmem:v4+s4+$0x0], $0xffff;
	v0 =	vadd.f32 v14, v0  }
0x113: {  	v2 =	vtrunc.f32 v13;
	v14 =	vadd.f32 v60, v11;
	v11 =	vadd.f32 v61, v9  }
0x114: {  	v15 =	vmul.f32 $7.627118820e-01, v63;
	v6 =	vadd.s32 s17, v54;
	v2 =	vcvt.f32.s32 v2  }
0x115: {  	v10 =	vtrunc.f32 v14;
	v5 =	vtrunc.f32 v11;
	v0 =	vadd.f32 v1, v0  }
0x116: {  	v9 =	vadd.s32 s17, v55;
	v1 =	vcvt.f32.s32 v12;
	v12 =	vmul.f32 $6.949152350e-01, v62  }
0x117: {  	v14 =	vmul.f32 $6.949152350e-01, v63;
	v0 =	vadd.f32 v3, v0;
	v3 =	vcvt.f32.s32 v10  }
0x118: {  	v13 =	vcvt.f32.s32 v5;
	v1 =	vshll.u32 v1, $0x7;
	v7 =	vadd.f32 v60, v12  }
0x119: {  	v12 =	vmul.f32 $7.118644110e-01, v62;
	v1 =	vadd.s32 v2, v1;
	v3 =	vshll.u32 v3, $0x7  }
0x11a: {  	v2 =	vadd.s32 v13, v3;
	v3 =	vadd.f32 v61, v14;
	v13 =	vtrunc.f32 v7  }
0x11b: {  	v14 =	vadd.f32 v60, v12;
	v12 =	vmul.f32 $7.118644110e-01, v63;
	v5 =	vcvt.f32.s32 v13  }
0x11c: {  	v10 =	vadd.s32 s17, v56;
	v13 =	vmul.f32 $7.288135880e-01, v62;
	v3 =	vtrunc.f32 v3  }
0x11d: {  	v7 =	vtrunc.f32 v14;
	v8 =	vadd.f32 v61, v12;
	v12 =	vmul.f32 $7.288135880e-01, v63  }
0x11e: {  	v14 =	vmul.f32 $7.457627060e-01, v63;
	v3 =	vcvt.f32.s32 v3;
	v5 =	vshll.u32 v5, $0x7  }
0x11f: {  	v7 =	vcvt.f32.s32 v7;
	v11 =	vadd.f32 v60, v13;
	v8 =	vtrunc.f32 v8  }
0x120: {  	v13 =	vadd.s32 s17, v58;
	v12 =	vadd.f32 v61, v12;
	v8 =	vcvt.f32.s32 v8  }
0x121: {  	v14 =	vadd.f32 v61, v14;
	v7 =	vshll.u32 v7, $0x7;
	v11 =	vtrunc.f32 v11  }
0x122: {  	v7 =	vadd.s32 v8, v7;
	v8 =	vcvt.f32.s32 v11;
	v11 =	vmul.f32 $7.457627060e-01, v62  }
0x123: {  	[tilespmem:v6+s11+$0x0] =	vst.idx.msk $0xffff, v4;
	v3 =	vadd.s32 v3, v5;
	v5 =	vadd.s32 s17, v57;
	v12 =	vtrunc.f32 v12  }
0x124: {  	v4 =	vcvt.f32.s32 v12;
	v12 =	vld.idx.msk [tilespmem:v1+s4+$0x0], $0xffff;
	v6 =	vadd.f32 v60, v11;
	v11 =	vmul.f32 $7.627118820e-01, v62  }
0x125: {  	[tilespmem:v9+s11+$0x0] =	vst.idx.msk $0xffff, v1;
	v9 =	vtrunc.f32 v14;
	v14 =	vadd.f32 v61, v15;
	v8 =	vshll.u32 v8, $0x7  }
0x126: {  	v1 =	vadd.s32 v4, v8;
	v8 =	vld.idx.msk [tilespmem:v2+s4+$0x0], $0xffff;
	v4 =	vtrunc.f32 v6;
	v6 =	vadd.f32 v60, v11  }
0x127: {  	v9 =	vcvt.f32.s32 v9;
	[tilespmem:v10+s11+$0x0] =	vst.idx.msk $0xffff, v2;
	v4 =	vcvt.f32.s32 v4  }
0x128: {  	v2 =	vadd.s32 s17, v59;
	v10 =	vld.idx.msk [tilespmem:v3+s4+$0x0], $0xffff;
	v11 =	vtrunc.f32 v14;
	v6 =	vtrunc.f32 v6  }
0x129: {  	[tilespmem:v5+s11+$0x0] =	vst.idx.msk $0xffff, v3;
	v0 =	vadd.f32 v12, v0;
	v4 =	vshll.u32 v4, $0x7;
	v6 =	vcvt.f32.s32 v6  }
0x12a: {  	v14 =	vcvt.f32.s32 v11;
	v5 =	vld.idx.msk [tilespmem:v7+s4+$0x0], $0xffff;
	v3 =	vadd.s32 v9, v4  }
0x12b: {  	v12 =	vadd.s32 s17, v24;
	[tilespmem:v13+s11+$0x0] =	vst.idx.msk $0xffff, v7;
	v0 =	vadd.f32 v8, v0;
	v6 =	vshll.u32 v6, $0x7  }
0x12c: {  	v4 =	vadd.s32 v14, v6;
	v14 =	vld.idx.msk [tilespmem:v1+s4+$0x0], $0xffff  }
0x12d: {  	v9 =	vmul.f32 $7.796609990e-01, v62;
	v0 =	vadd.f32 v10, v0  }
0x12e: {  	[tilespmem:v2+s11+$0x0] =	vst.idx.msk $0xffff, v1;
	v10 =	vmul.f32 $7.796609990e-01, v63  }
0x12f: {  	v2 =	vadd.f32 v60, v9;
	v0 =	vadd.f32 v5, v0;
	v1 =	vld.idx.msk [tilespmem:v3+s4+$0x0], $0xffff  }
0x130: {  	v11 =	vmul.f32 $7.966101760e-01, v62;
	v9 =	vmul.f32 $7.966101760e-01, v63;
	v13 =	vadd.f32 v61, v10;
	[tilespmem:v12+s11+$0x0] =	vst.idx.msk $0xffff, v3  }
0x131: {  	v12 =	vtrunc.f32 v2;
	v3 =	vld.idx.msk [tilespmem:v4+s4+$0x0], $0xffff;
	v0 =	vadd.f32 v14, v0  }
0x132: {  	v2 =	vtrunc.f32 v13;
	v14 =	vadd.f32 v60, v11;
	v11 =	vadd.f32 v61, v9  }
0x133: {  	v15 =	vmul.f32 $8.813559410e-01, v63;
	v2 =	vcvt.f32.s32 v2  }
0x134: {  	v10 =	vtrunc.f32 v14;
	v5 =	vtrunc.f32 v11;
	v0 =	vadd.f32 v1, v0  }
0x135: {  	v6 =	vadd.s32 s17, v25;
	v1 =	vcvt.f32.s32 v12;
	v12 =	vmul.f32 $8.135592940e-01, v62  }
0x136: {  	v14 =	vmul.f32 $8.135592940e-01, v63;
	v0 =	vadd.f32 v3, v0;
	v3 =	vcvt.f32.s32 v10  }
0x137: {  	v13 =	vcvt.f32.s32 v5;
	v1 =	vshll.u32 v1, $0x7;
	v7 =	vadd.f32 v60, v12  }
0x138: {  	v12 =	vmul.f32 $8.305084710e-01, v62;
	v1 =	vadd.s32 v2, v1;
	v3 =	vshll.u32 v3, $0x7  }
0x139: {  	v2 =	vadd.s32 v13, v3;
	v3 =	vadd.f32 v61, v14;
	v13 =	vtrunc.f32 v7  }
0x13a: {  	v14 =	vadd.f32 v60, v12;
	v12 =	vmul.f32 $8.305084710e-01, v63;
	v5 =	vcvt.f32.s32 v13  }
0x13b: {  	v9 =	vadd.s32 s17, v26;
	v13 =	vmul.f32 $8.474576470e-01, v62;
	v3 =	vtrunc.f32 v3  }
0x13c: {  	v7 =	vtrunc.f32 v14;
	v8 =	vadd.f32 v61, v12;
	v12 =	vmul.f32 $8.474576470e-01, v63  }
0x13d: {  	v10 =	vadd.s32 s17, v27;
	v14 =	vmul.f32 $8.644067640e-01, v63;
	v3 =	vcvt.f32.s32 v3  }
0x13e: {  	v7 =	vcvt.f32.s32 v7;
	v11 =	vadd.f32 v60, v13;
	v8 =	vtrunc.f32 v8  }
0x13f: {  	v5 =	vshll.u32 v5, $0x7;
	v12 =	vadd.f32 v61, v12;
	v8 =	vcvt.f32.s32 v8  }
0x140: {  	v14 =	vadd.f32 v61, v14;
	v7 =	vshll.u32 v7, $0x7;
	v11 =	vtrunc.f32 v11  }
0x141: {  	v7 =	vadd.s32 v8, v7;
	v8 =	vcvt.f32.s32 v11;
	v11 =	vmul.f32 $8.644067640e-01, v62  }
0x142: {  	[tilespmem:v6+s11+$0x0] =	vst.idx.msk $0xffff, v4;
	v3 =	vadd.s32 v3, v5;
	v5 =	vadd.s32 s17, v28;
	v12 =	vtrunc.f32 v12  }
0x143: {  	v4 =	vcvt.f32.s32 v12;
	v12 =	vld.idx.msk [tilespmem:v1+s4+$0x0], $0xffff;
	v6 =	vadd.f32 v60, v11;
	v11 =	vmul.f32 $8.813559410e-01, v62  }
0x144: {  	[tilespmem:v9+s11+$0x0] =	vst.idx.msk $0xffff, v1;
	v9 =	vtrunc.f32 v14;
	v14 =	vadd.f32 v61, v15;
	v8 =	vshll.u32 v8, $0x7  }
0x145: {  	v1 =	vadd.s32 v4, v8;
	v8 =	vld.idx.msk [tilespmem:v2+s4+$0x0], $0xffff;
	v4 =	vtrunc.f32 v6;
	v6 =	vadd.f32 v60, v11  }
0x146: {  	v13 =	vadd.s32 s17, v29;
	v9 =	vcvt.f32.s32 v9;
	[tilespmem:v10+s11+$0x0] =	vst.idx.msk $0xffff, v2;
	v4 =	vcvt.f32.s32 v4  }
0x147: {  	v2 =	vadd.s32 s17, v30;
	v10 =	vld.idx.msk [tilespmem:v3+s4+$0x0], $0xffff;
	v11 =	vtrunc.f32 v14;
	v6 =	vtrunc.f32 v6  }
0x148: {  	[tilespmem:v5+s11+$0x0] =	vst.idx.msk $0xffff, v3;
	v0 =	vadd.f32 v12, v0;
	v4 =	vshll.u32 v4, $0x7;
	v6 =	vcvt.f32.s32 v6  }
0x149: {  	v14 =	vcvt.f32.s32 v11;
	v5 =	vld.idx.msk [tilespmem:v7+s4+$0x0], $0xffff;
	v3 =	vadd.s32 v9, v4  }
0x14a: {  	v12 =	vadd.s32 s17, v31;
	v0 =	vadd.f32 v8, v0;
	v6 =	vshll.u32 v6, $0x7  }
0x14b: {  	[tilespmem:v13+s11+$0x0] =	vst.idx.msk $0xffff, v7;
	v4 =	vadd.s32 v14, v6  }
0x14c: {  	v11 =	vmul.f32 $9.322034120e-01, v62;
	v14 =	vld.idx.msk [tilespmem:v1+s4+$0x0], $0xffff;
	v0 =	vadd.f32 v10, v0;
	v6 =	vmul.f32 $8.983050580e-01, v62  }
0x14d: {  	v8 =	vmul.f32 $8.983050580e-01, v63;
	[tilespmem:v2+s11+$0x0] =	vst.idx.msk $0xffff, v1;
	v10 =	vmul.f32 $9.152542350e-01, v63  }
0x14e: {  	v0 =	vadd.f32 v5, v0;
	v7 =	vadd.f32 v60, v6;
	v6 =	vadd.s32 s17, v32;
	v1 =	vld.idx.msk [tilespmem:v3+s4+$0x0], $0xffff  }
0x14f: {  	v13 =	vmul.f32 $9.491525290e-01, v62;
	v5 =	vadd.f32 v61, v10;
	[tilespmem:v12+s11+$0x0] =	vst.idx.msk $0xffff, v3;
	v3 =	vadd.f32 v61, v8  }
0x150: {  	v9 =	vmul.f32 $9.152542350e-01, v62;
	v12 =	vmul.f32 $9.322034120e-01, v63;
	v2 =	vld.idx.msk [tilespmem:v4+s4+$0x0], $0xffff  }
0x151: {  	v5 =	vtrunc.f32 v5;
	v0 =	vadd.f32 v14, v0;
	v3 =	vtrunc.f32 v3  }
0x152: {  	v8 =	vadd.f32 v60, v13;
	v5 =	vcvt.f32.s32 v5;
	v14 =	vmul.f32 $9.491525290e-01, v63  }
0x153: {  	[tilespmem:v6+s11+$0x0] =	vst.idx.msk $0xffff, v4;
	v6 =	vadd.f32 v60, v62;
	v0 =	vadd.f32 v1, v0;
	v1 =	vtrunc.f32 v7  }
0x154: {  	v7 =	vadd.f32 v60, v11;
	v11 =	vmul.f32 $9.661017060e-01, v63;
	v1 =	vcvt.f32.s32 v1  }
0x155: {  	v3 =	vcvt.f32.s32 v3;
	v0 =	vadd.f32 v2, v0;
	v2 =	vadd.f32 v60, v9  }
0x156: {  	v7 =	vtrunc.f32 v7;
	v11 =	vadd.f32 v61, v11;
	v1 =	vshll.u32 v1, $0x7  }
0x157: {  	v7 =	vcvt.f32.s32 v7;
	v2 =	vtrunc.f32 v2;
	v1 =	vadd.s32 v3, v1  }
0x158: {  	v3 =	vadd.f32 v61, v12;
	v12 =	vmul.f32 $9.661017060e-01, v62;
	v2 =	vcvt.f32.s32 v2  }
0x159: {  	v9 =	vadd.s32 s17, v33;
	v13 =	vtrunc.f32 v11;
	v11 =	vmul.f32 $9.830508230e-01, v62  }
0x15a: {  	v3 =	vtrunc.f32 v3;
	v10 =	vadd.f32 v60, v12;
	v2 =	vshll.u32 v2, $0x7  }
0x15b: {  	v2 =	vadd.s32 v5, v2;
	v5 =	vtrunc.f32 v8;
	v8 =	vadd.f32 v61, v14  }
0x15c: {  	v7 =	vshll.u32 v7, $0x7;
	v3 =	vcvt.f32.s32 v3;
	v10 =	vtrunc.f32 v10  }
0x15d: {  	v12 =	vadd.s32 s17, v34;
	v5 =	vcvt.f32.s32 v5;
	v8 =	vtrunc.f32 v8  }
0x15e: {  	v10 =	vcvt.f32.s32 v10;
	v3 =	vadd.s32 v3, v7;
	v8 =	vcvt.f32.s32 v8  }
0x15f: {  	v7 =	vcvt.f32.s32 v13;
	v13 =	vmul.f32 $9.830508230e-01, v63;
	v5 =	vshll.u32 v5, $0x7  }
0x160: {  	v14 =	vadd.f32 v60, v11;
	v4 =	vadd.s32 v8, v5;
	v5 =	vshll.u32 v10, $0x7  }
0x161: {  	v8 =	vld.idx.msk [tilespmem:v1+s4+$0x0], $0xffff;
	v10 =	vadd.f32 v61, v13;
	v5 =	vadd.s32 v7, v5;
	v7 =	vadd.s32 s17, v35  }
0x162: {  	v6 =	vtrunc.f32 v6;
	v62 =	vadd.f32 v61, v63;
	[tilespmem:v9+s11+$0x0] =	vst.idx.msk $0xffff, v1;
	v1 =	vtrunc.f32 v14  }
0x163: {  	v63 =	vadd.s32 s17, v36;
	v11 =	vld.idx.msk [tilespmem:v2+s4+$0x0], $0xffff;
	v1 =	vcvt.f32.s32 v1;
	v10 =	vtrunc.f32 v10  }
0x164: {  	v6 =	vcvt.f32.s32 v6;
	[tilespmem:v12+s11+$0x0] =	vst.idx.msk $0xffff, v2;
	v10 =	vcvt.f32.s32 v10  }
0x165: {  	v60 =	vadd.s32 s17, v37;
	v9 =	vtrunc.f32 v62;
	v12 =	vld.idx.msk [tilespmem:v3+s4+$0x0], $0xffff;
	v1 =	vshll.u32 v1, $0x7  }
0x166: {  	v61 =	vcvt.f32.s32 v9;
	v0 =	vadd.f32 v8, v0;
	v1 =	vadd.s32 v10, v1;
	[tilespmem:v7+s11+$0x0] =	vst.idx.msk $0xffff, v3  }
0x167: {  	v6 =	vshll.u32 v6, $0x7;
	v62 =	vadd.s32 s17, v38;
	v7 =	vld.idx.msk [tilespmem:v4+s4+$0x0], $0xffff  }
0x168: {  	v3 =	vadd.s32 v61, v6;
	[tilespmem:v63+s11+$0x0] =	vst.idx.msk $0xffff, v4;
	v0 =	vadd.f32 v11, v0  }
0x169: {  	v4 =	vld.idx.msk [tilespmem:v5+s4+$0x0], $0xffff  }
0x16a: {  	[tilespmem:v60+s11+$0x0] =	vst.idx.msk $0xffff, v5;
	v0 =	vadd.f32 v12, v0  }
0x16b: {  	v2 =	vld.idx.msk [tilespmem:v1+s4+$0x0], $0xffff  }
0x16c: {  	[tilespmem:v62+s11+$0x0] =	vst.idx.msk $0xffff, v1;
	v0 =	vadd.f32 v7, v0  }
0x16d: {  	v1 =	vld.idx.msk [tilespmem:v3+s4+$0x0], $0xffff  }
0x16e: {  	v63 =	vadd.s32 s17, v39;
	v0 =	vadd.f32 v4, v0  }
0x16f: {  	p0 =	sne.s32 s17, $0xEC40  }
.Ltmp0:
0x170: {  	v0 =	vadd.f32 v2, v0;
	(pc) =	sbr.rel @p0 .LBB2_3-.Ltmp0, $4  }
0x171: {  	_ = 	snop  }
0x172: {  	v0 =	vadd.f32 v1, v0  }
0x173: {  	s18 =	sadd.s32 $0x10, s18;
	[tilespmem:v63+s11+$0x0] =	vst.idx.msk $0xffff, v3  }
0x174: {  	s19 =	sadd.s32 $0x10, s19;
	s17 =	sadd.s32 $0x3C0, s17;
	[tilespmem:s20+$0x0] =	vst v0;
	s20 =	sadd.s32 $0x10, s20  }
0x175: {  	s16 =	sadd.s32 s7, s16;
	s15 =	smul.u32 $0x3C, s15  }
0x176: {  	[hbm4b:s16+s4] =	stream.linear.scatter [tilespmem:s12], [sflag:$0x1], $0x400, $0x38;
	[tilespmem:$0x13C00] =	vst v63  }
0x177: {  	s14 =	sadd.s32 $0x1, s14;
	_ =	swait.ge [sflag:s10], $0x400  }
0x178: {  	p0 =	sne.s32 s14, $0x1D;
	s15 =	sshrl.u32 s15, $0x3;
	[sflag:s10] =	ssyncset.done $0x0  }
.Ltmp1:
0x179: {  	s15 =	sadd.s32 s3, s15;
	[sflag:s10] =	ssyncadd.s32 $0xFFFFFC00;
	(pc) =	sbr.rel @p0 .LBB2_2-.Ltmp1, $4  }
0x17a: {  	[hbm4b:s15+s4] =	stream.linear.scatter [tilespmem:s11], [sflag:$0x1], $0xF000, $0x38;
	[tilespmem:$0x13C00] =	vst v63  }
0x17b: {  	_ =	swait.ge [sflag:s10], $0xF000  }
0x17c: {  	[sflag:s10] =	ssyncset.done $0x0  }
0x17d: {  	[sflag:s10] =	ssyncadd.s32 $0xFFFF1000  }
0x17e: {  	s13 =	sadd.s32 $0x1, s13  }
0x17f: {  	p0 =	sne.s32 s13, s9  }
.Ltmp2:
0x180: {  	_ = 	snop;
	(pc) =	sbr.rel @p0 .LBB2_1-.Ltmp2, $1  }
0x181: {  	_ =	sdelay $0x3  }
0x182: {  	_ =	sfence.sel $0x180000  }
0x183: {  	[bflag:$0x0] =	sbarrier.arrive $0xFFFF  }
0x184: {  	p0 =	sne.s32 s5, $0x0;
	_ =	strace $0x90000047  }
0x185: {  	s0 =	sadd.s32 @!p0 $0x100000, s2;
	[bflag:$0x2] =	sbarrier.arrive $0xFFFF  }
0x186: {  	[sflag:s0] =	ssyncadd.tile.s32 @!p0 $0x1;
	_ =	shalt  }
.Lfunc_end2:
_tile_overlayer_lowered:
.L_overlay_start_2:
0x187: {  	(tag) =	ssettag $0x2  }
0x188: {  	s0 =	rddreg [dreg:$0x0];
	s2 =	stileid.u32  }
0x189: {  	s1 =	rddreg [dreg:$0x1];
	p0 =	sne.s32 s2, $0x0  }
0x18a: {  	s3 =	rddreg [dreg:$0x2];
	[bflag:$0x3] =	sbarrier.arrive $0xFFFF;
	s2 =	simm.s32 @!p0 $0x1C01  }
0x18b: {  	[timem:s3], [sflag:s2] =	dma.local @!p0 [hbm:s0], s1  }
0x18c: {  	s0 =	simm.s32 @!p0 $0x1  }
0x18d: {  	_ =	swait.ge @!p0 [sflag:s0], s1  }
0x18e: {  	s1 =	ssub.s32 @!p0 $0x0, s1;
	[sflag:s0] =	ssyncset.done @!p0 $0x0  }
0x18f: {  	[sflag:s0] =	ssyncadd.s32 @!p0 s1  }
0x190: {  	[bflag:$0x3] =	sbarrier.arrive $0xFFFF  }
0x191: {  	_ =	shalt  }

// kernel: sparse-core-data-format-call.cloned.1.call-start
scs
called_computation_lowered:
.L_overlay_start_0:
0x0: {  	s2 =	sld [smem:$0x3FD9]  }
0x1: {  	s3 =	sld [smem:$0x3FFE];
	_ =	sdelay $0x1  }
0x2: {  	s1 =	srdreg.scid  }
0x3: {  	s0 =	sand.u32 $0x1, s1  }
0x4: {  	s15 =	sshll.u32 s0, $0xA;
	s2 =	sadd.s32 s3, s2  }
0x5: {  	s2 =	sadd.s32 s2, s15  }
0x6: {  	[smem:$0x3FC7] =	sst s2  }
0x7: {  	_ = 	snop  }
0x8: {  	s2 =	sld [smem:$0x3FD0];
	_ =	sdelay $0x2  }
0x9: {  	s16 =	simm.s32 $0xA;
	s4 =	simm.s32 $0x10  }
0xa: {  	[smem:s4], [sflag:s16] =	dma.local [hbm:s2], $0x1  }
0xb: {  	_ =	swait.eq [sflag:s16], $0x1  }
0xc: {  	[sflag:s16] =	ssyncset.done $0x0  }
0xd: {  	[sflag:s16] =	ssyncadd.s32 $0xFFFFFFFF  }
0xe: {  	s17 =	sld [smem:$0x13];
	(tm) =	ssettm $0x1  }
0xf: {  	s18 =	sld [smem:$0x3FFB];
	_ =	sdelay $0x3  }
0x10: {  	_ =	strace s18  }
0x11: {  	s3 =	sld [smem:$0x3FFC];
	_ =	sdelay $0x3  }
0x12: {  	_ =	strace s3  }
0x13: {  	s3 =	sld [smem:$0x3FFD];
	_ =	sdelay $0x3  }
0x14: {  	_ =	strace s3  }
0x15: {  	_ =	strace $0x8FFFFFFF  }
0x16: {  	s19 =	sld [smem:$0x3FDB];
	_ =	sdelay $0x1  }
0x17: {  	s20 =	simm.s32 $_scs_section_size  }
0x18: {  	s5 =	simm.s32 $_size__tile_overlayer_lowered;
	s6 =	simm.s32 $_tile_overlayer_lowered  }
0x19: {  	s23 =	simm.s32 $0x1BFF;
	s22 =	sshll.u32 s6, $0x1;
	s3 =	sadd.s32 s20, s19  }
0x1a: {  	s7 =	simm.s32 $0x0;
	s21 =	sshll.u32 s5, $0x1;
	s5 =	sadd.s32 s22, s3  }
0x1b: {  	[timem:s7], [sflag:s23] =	dma.local [hbm:s5], s21  }
0x1c: {  	_ =	swait.ge [sflag:s23], s21  }
0x1d: {  	s4 =	ssub.s32 $0x0, s21;
	[sflag:s23] =	ssyncset.done $0x0  }
0x1e: {  	[sflag:s23] =	ssyncadd.s32 s4;
	_ =	sdelay $0x1  }
0x1f: {  	s24 =	simm.s32 $0x1B8B  }
0x20: {  	_ =	swait.ge [sflag:s24], $0x1  }
0x21: {  	[sflag:s24] =	ssyncset.done $0x0  }
0x22: {  	s26 =	simm.s32 $0x1B8E;
	s25 =	sld [smem:$0x3FFE];
	[sflag:s24] =	ssyncadd.s32 $0xFFFFFFFF  }
0x23: {  	s27 =	simm.s32 $execute0_lowered;
	[smem:$0x3FD2] =	sst s26  }
0x24: {  	s5 =	sshll.u32 s27, $0x1;
	_ =	strace $0x80000049;
	[dreg:$0x1] =	wrdreg $0xFFFFFFFF  }
0x25: {  	s28 =	simm.s32 $_size_execute0_lowered;
	s3 =	sadd.s32 s3, s5;
	[dreg:$0x0] =	wrdreg $0x0  }
0x26: {  	s5 =	sshll.u32 s28, $0x1;
	[dreg:$0x2] =	wrdreg s3  }
0x27: {  	[dreg:$0x3] =	wrdreg s5  }
0x28: {  	[dreg:$0x4] =	wrdreg $0xC0  }
0x29: {  	_ =	task [dreg:s7], $0x5FFFF  }
0x2a: {  	[dreg:$0x1] =	wrdreg $0xFFFFFFFF  }
0x2b: {  	[dreg:$0x0] =	wrdreg $0x60  }
0x2c: {  	[dreg:$0x2] =	wrdreg s25  }
0x2d: {  	[dreg:$0x3] =	wrdreg s17  }
0x2e: {  	[dreg:$0x4] =	wrdreg $0x9  }
0x2f: {  	_ =	task.clear_ibuf [dreg:s7], $0x5FFFF;
	_ =	strace $0x90000049  }
0x30: {  	s29 =	simm.s32 $0x9;
	_ =	strace $0x8000004B  }
0x31: {  	_ =	swait.ge [sflag:s29], $0x1  }
0x32: {  	[sflag:s29] =	ssyncadd.s32 $0xFFFFFFFF  }
0x33: {  	_ =	strace $0x9000004B  }
0x34: {  	_ =	sfence  }
0x35: {  	s30 =	sld [smem:$0x0];
	_ =	sdelay $0x2  }
0x36: {  	s31 =	sshll.u32 s1, $0xD;
	s1 =	sshrl.u32 s1, $0x2  }
0x37: {  	s3 =	sand.u32 $0x4000, s31;
	s1 =	sadd.s32 s1, s30  }
0x38: {  	s0 =	sor.u32 s3, s0;
	s1 =	sshll.u32 s1, $0x11  }
0x39: {  	s0 =	sor.u32 s1, s0  }
0x3a: {  	s0 =	sadd.s32 $0x8F2B, s0  }
0x3b: {  	[sflag:s0] =	ssyncadd.remote.s32 $0x1  }
0x3c: {  	_ =	sfence.sel $0xFFFF  }
0x3d: {  	[dreg:$0x0] =	wrdreg $0xFFFFFFFF;
	(pc) =	sbr.abs _section_cstart, $3  }
0x3e: {  	[dreg:$0x1] =	wrdreg $0xFFFFFFFF  }
0x3f: {  	_ =	task.clear_ibuf [dreg:s7], $0x2FFFF;
	_ =	strace $0x9FFFFFFF  }
0x40: {  	(tm) =	ssettm $0x7FFFFFFF  }
0x41: {  	_ =	shalt  }
tec
execute0_lowered:
.L_overlay_start_1:
0x0: {  	(tag) =	ssettag $0x1  }
0x1: {  	s0 =	srdreg.scid  }
0x2: {  	s5 =	rddreg [dreg:$0x0];
	s1 =	sshll.u32 s0, $0x4  }
0x3: {  	s2 =	rddreg [dreg:$0x1];
	s0 =	stileid.u32;
	s1 =	sand.u32 $0x10, s1  }
0x4: {  	s4 =	simm.s32 $0x1;
	s8 =	simm.s32 $0x2;
	s1 =	sor.u32 s0, s1  }
0x5: {  	s12 =	simm.s32 $0x0;
	s9 =	simm.s32 $0x0;
	s3 =	sshll.u32 s1, $0x7  }
0x6: {  	s11 =	simm.s32 $0x0;
	s5 =	sadd.s32 $0xFCA00, s5;
	s6 =	ssub.s32 $0xE8000, s3  }
.Ltmp0:
0x7: {  	s1 =	rddreg [dreg:$0x2];
	s7 =	sand.u32 $0xF80, s6;
	(pc) =	sbr.rel .LBB1_1-.Ltmp0, $4  }
0x8: {  	_ =	strace $0x8000004A;
	p0 =	sne.s32 s7, $0x0;
	s7 =	simm.s32 $0x1  }
0x9: {  	[sflag:s4] =	ssyncpa.u1 $0x0;
	s6 =	sshrl.u32 s6, $0xC;
	s7 =	simm.s32 @!p0 $0x0  }
0xa: {  	s10 =	smov.u32 s3;
	[sflag:s8] =	ssyncpa.u1 $0x0;
	s6 =	sadd.s32 s7, s6  }
0xb: {  	s8 =	simm.s32 $0xE8000;
	p0 =	por $0x0, $0x0;
	s7 =	sadd.s32 $0x1, s6  }
.LBB1_4:
0xc: {  	s15 =	smulhi.u32 $0x8D3DCB09, s9  }
0xd: {  	p1 =	sgt.s32 s9, $0xE7F80;
	s16 =	smov.u32 s9;
	s17 =	sshra.s32 s9, $0x1F  }
0xe: {  	s16 =	simm.s32 @!p1 $0xE7F80;
	s17 =	sand.u32 s17, s9;
	s15 =	sshrl.u32 s15, $0x13  }
0xf: {  	s16 =	ssub.s32 s16, s17;
	s15 =	smul.u32 $0xE8000, s15  }
0x10: {  	s17 =	ssub.s32 $0xE8000, s16  }
0x11: {  	s16 =	sadd.s32 $0xFFF18080, s16;
	s17 =	smul.u32 $0x3C, s17;
	s15 =	ssub.s32 s9, s15  }
0x12: {  	[tilespmem:s14+$0x810 ss:$0x81] =	vst.msk $0xffff, v2;
	p1 =	sgt.s32 s16, $0x7F;
	s29 =	sand.u32 $0x7, s15  }
0x13: {  	[tilespmem:s14+$0x1020 ss:$0x81] =	vst.msk $0xffff, v0;
	s17 =	sand.u32 $0x3FFFFFFC, s17;
	s15 =	sshrl.u32 s15, $0x3;
	s16 =	sshll.u32 s29, $0x12  }
0x14: {  	[tilespmem:s14+$0x0 ss:$0x81] =	vst.msk $0xffff, v1;
	s17 =	simm.s32 @p1 $0x0;
	s30 =	sadd.s32 s2, s15;
	s31 =	sor.u32 $0x80, s16  }
0x15: {  	[hbm4b:s30+s31] =	stream.strided.scatter [tilespmem:s13], [sflag:$0x2], s17, s8, s31, $0x20;
	[tilespmem:$0x8080] =	vst v63  }
.LBB1_5:
0x16: {  	p1 =	slt.u32 s11, $0x2  }
0x17: {  	p2 =	sgt.s32 @!p1 s12, $0xE7F80  }
0x18: {  	s13 =	smov.u32 s12;
	s14 =	sshra.s32 @!p1 s12, $0x1F;
	p2 =	por !p2, p1  }
0x19: {  	s12 =	sand.u32 @!p1 s14, s12;
	s13 =	simm.s32 @p2 $0xE7F80  }
0x1a: {  	s12 =	ssub.s32 @!p1 s13, s12  }
0x1b: {  	s13 =	ssub.s32 @!p1 $0xE8000, s12  }
0x1c: {  	s12 =	sadd.s32 @!p1 $0xFFF18080, s12;
	s13 =	smul.u32 @!p1 $0x3C, s13  }
0x1d: {  	p2 =	sgt.s32 @!p1 s12, $0x7F  }
0x1e: {  	s14 =	sadd.s32 $0x1000, s10;
	p2 =	por !p2, p1;
	s12 =	sand.u32 @!p1 $0x3FFFFFFC, s13  }
0x1f: {  	s12 =	simm.s32 @!p2 $0x0;
	p2 =	sgt.s32 s14, $0xE7FFF  }
0x20: {  	s14 =	smov.u32 @p2 s3;
	p2 =	sne.s32 s11, s7  }
.Ltmp1:
0x21: {  	_ = 	snop;
	(pc) =	sbr.rel @!p2 .LBB1_6-.Ltmp1, $4  }
0x22: {  	s13 =	simm.s32 @!p1 $0x2  }
0x23: {  	p0 =	por !p0, !p0;
	_ =	swait.ge @!p1 [sflag:s13], s12;
	s15 =	ssub.s32 @!p1 $0x0, s12  }
0x24: {  	s12 =	smov.u32 s9;
	s11 =	sadd.s32 $0x1, s11;
	[sflag:s13] =	ssyncset.done @!p1 $0x0  }
0x25: {  	s9 =	smov.u32 s10;
	s10 =	smov.u32 s14;
	[sflag:s13] =	ssyncadd.s32 @!p1 s15  }
.LBB1_1:
0x26: {  	p1 =	sge.u32 s11, s6  }
0x27: {  	s13 =	sand.u32 @!p1 $0x1FFFFFF, s10  }
0x28: {  	s14 =	smulhi.u32 @!p1 $0x234F72D, s13;
	_ =	sdelay $0x1  }
0x29: {  	s14 =	sshrl.u32 @!p1 s14, $0xD  }
0x2a: {  	s14 =	smul.u32 @!p1 $0xE8000, s14;
	_ =	sdelay $0x1  }
0x2b: {  	s31 =	sadd.s32 $0xFFFFFFFF, s11;
	s15 =	sxor.u32 @!p1 $0xFFFFFFFF, s11;
	s13 =	ssub.s32 @!p1 s13, s14  }
0x2c: {  	s16 =	simm.s32 @!p1 $0x80;
	s15 =	sshll.u32 @!p1 s15, $0xD;
	s13 =	sshll.u32 @!p1 s13, $0x4  }
0x2d: {  	s14 =	sand.u32 @!p1 $0x2000, s15;
	s15 =	simm.s32 @!p1 $0x40;
	s13 =	sadd.s32 @!p1 s5, s13  }
0x2e: {  	[tilespmem:s14], [sflag:$0x1] =	stream.strided.gather @!p1 [hbm4b:s13+s15], $0x2000, s16, s15, $0x38;
	[tilespmem:$0x8080] =	vst v63  }
0x2f: {  	p1 =	sge.u32 s31, s6  }
.Ltmp2:
0x30: {  	_ = 	snop;
	(pc) =	sbr.rel @p1 .LBB1_5-.Ltmp2, $1  }
0x31: {  	_ =	sdelay $0x3  }
0x32: {  	s13 =	simm.s32 $0x1  }
0x33: {  	_ =	swait.ge [sflag:s4], $0x2000;
	s13 =	simm.s32 @!p0 $0x0  }
0x34: {  	[sflag:s4] =	ssyncset.done $0x0;
	s14 =	sshll.u32 s13, $0xD  }
0x35: {  	[sflag:s4] =	ssyncadd.s32 $0xFFFFE000;
	s17 =	sor.u32 $0x20, s14  }
0x36: {  	s13 =	smul.u32 $0x8100, s13;
	v3 =	vld [tilespmem:s17+$0x10]  }
0x37: {  	s30 =	sand.u32 $0x1, s11;
	v2 =	vld [tilespmem:s17+$0xFFFFFFF0]  }
0x38: {  	s14 =	smul.u32 $0x8100, s30;
	s13 =	sshrl.u32 s13, $0x2;
	v0 =	vld [tilespmem:s17+$0x0]  }
0x39: {  	v1 =	vld [tilespmem:s17+$0xFFFFFFE0];
	s15 =	sor.u32 $0x4000, s13  }
0x3a: {  	s31 =	sshrl.u32 s14, $0x2;
	s14 =	sadd.s32 $0x0, s15  }
0x3b: {  	s16 =	simm.s32 $0x4;
	s17 =	sadd.s32 $0x40, s17;
	s13 =	sor.u32 $0x4000, s31;
	[tilespmem:s14+$0x1830 ss:$0x81] =	vst.msk $0xffff, v3  }
.LBB1_3:
0x3c: {  	v3 =	vld [tilespmem:s17+$0x10];
	p1 =	sne.s32 s16, $0x1FC;
	[tilespmem:s14+$0x810 ss:$0x81] =	vst.msk $0xffff, v2;
	s18 =	smov.u32 s16;
	s16 =	sadd.s32 $0x4, s16  }
.Ltmp3:
0x3d: {  	v2 =	vld [tilespmem:s17+$0xFFFFFFF0];
	[tilespmem:s14+$0x1020 ss:$0x81] =	vst.msk $0xffff, v0;
	(pc) =	sbr.rel @p1 .LBB1_3-.Ltmp3, $4  }
0x3e: {  	v0 =	vld [tilespmem:s17+$0x0];
	[tilespmem:s14+$0x0 ss:$0x81] =	vst.msk $0xffff, v1  }
0x3f: {  	s14 =	sshra.s32 s18, $0x2;
	v1 =	vld [tilespmem:s17+$0xFFFFFFE0]  }
0x40: {  	s14 =	sadd.s32 s14, s15  }
0x41: {  	s17 =	sadd.s32 $0x40, s17;
	[tilespmem:s14+$0x1830 ss:$0x81] =	vst.msk $0xffff, v3  }
.Ltmp4:
0x42: {  	_ = 	snop;
	(pc) =	sbr.rel .LBB1_4-.Ltmp4, $1  }
0x43: {  	_ =	sdelay $0x3  }
.LBB1_6:
0x44: {  	_ =	sfence.sel $0x180000  }
0x45: {  	s2 =	simm.s32 $0x1;
	[bflag:$0x0] =	sbarrier.arrive $0xFFFF  }
0x46: {  	s31 =	simm.s32 $0x2;
	[sflag:s2] =	ssyncpa.u1 $0x1  }
0x47: {  	[sflag:s31] =	ssyncpa.u1 $0x1  }
0x48: {  	p0 =	sne.s32 s0, $0x0;
	_ =	strace $0x9000004A  }
0x49: {  	s0 =	sadd.s32 @!p0 $0x100000, s1;
	[bflag:$0x2] =	sbarrier.arrive $0xFFFF  }
0x4a: {  	[sflag:s0] =	ssyncadd.tile.s32 @!p0 $0x1;
	_ =	shalt  }
.Lfunc_end1:
_tile_overlayer_lowered:
.L_overlay_start_2:
0x4b: {  	(tag) =	ssettag $0x2  }
0x4c: {  	s0 =	rddreg [dreg:$0x0];
	s2 =	stileid.u32  }
0x4d: {  	s1 =	rddreg [dreg:$0x1];
	p0 =	sne.s32 s2, $0x0  }
0x4e: {  	s3 =	rddreg [dreg:$0x2];
	[bflag:$0x3] =	sbarrier.arrive $0xFFFF;
	s2 =	simm.s32 @!p0 $0x1C01  }
0x4f: {  	[timem:s3], [sflag:s2] =	dma.local @!p0 [hbm:s0], s1  }
0x50: {  	s0 =	simm.s32 @!p0 $0x1  }
0x51: {  	_ =	swait.ge @!p0 [sflag:s0], s1  }
0x52: {  	s1 =	ssub.s32 @!p0 $0x0, s1;
	[sflag:s0] =	ssyncset.done @!p0 $0x0  }
0x53: {  	[sflag:s0] =	ssyncadd.s32 @!p0 s1  }
0x54: {  	[bflag:$0x3] =	sbarrier.arrive $0xFFFF  }
0x55: {  	_ =	shalt  }

</sc_bundles>
